<compile_context>
chip_gen: v7x
topology: tpu7x:2x2x1
jax: 0.10.2.dev20260603
libtpu: 0.0.44.dev20260713+nightly
codegen_flags: <defaults>
</compile_context>

<pallas_src>
import functools

import jax
import jax.numpy as jnp
from jax import lax
from jax.experimental import pallas as pl
from jax.experimental.pallas import tpu as pltpu
from jax.experimental.pallas import tpu_sc as plsc

H = 2048
E = 8
F = 512
TOPK = 2
NGROUP = 4
GSZ = E // NGROUP
TOPKG = 2
SF = 1024
T = 2048

BLK = 256
NB = 24
NS = NB * BLK

TC = 8
CT = T // TC

NTILE = 32
TPW = T // NTILE
NG = TPW // 16



def _router_body(x_ref, gw_ref, metat_ref, w01_ref, offr_ref, be_ref,
                 base_ref):
    c = pl.program_id(0)

    @pl.when(c == 0)
    def _():
        base_ref[...] = jnp.zeros_like(base_ref)

    x = x_ref[...]
    gw = gw_ref[...]
    logits = lax.dot_general(
        x, gw, (((1,), (1,)), ((), ())), preferred_element_type=jnp.float32)
    m = jnp.max(logits, axis=-1, keepdims=True)
    ex = jnp.exp(logits - m)
    scores = ex / jnp.sum(ex, axis=-1, keepdims=True)

    i8 = lax.broadcasted_iota(jnp.int32, (E, E * E), 0)
    p8 = lax.broadcasted_iota(jnp.int32, (E, E * E), 1)
    gmat = jnp.where(i8 == lax.shift_right_logical(p8, 3), 1.0, 0.0)
    rmat = jnp.where(i8 == (p8 & 7), 1.0, 0.0)
    p64 = lax.broadcasted_iota(jnp.int32, (E * E, E), 0)
    e8 = lax.broadcasted_iota(jnp.int32, (E * E, E), 1)
    hmat = jnp.where((p64 & 7) == e8, 1.0, 0.0)
    pl_ = lax.broadcasted_iota(jnp.int32, (CT, E * E), 1)
    pj = lax.shift_right_logical(pl_, 3)
    pe = pl_ & 7

    def _dotn(a, b):
        return lax.dot_general(a, b, (((1,), (0,)), ((), ())),
                               preferred_element_type=jnp.float32)

    def _doth(a, b):
        return lax.dot_general(a, b, (((1,), (0,)), ((), ())),
                               preferred_element_type=jnp.float32,
                               precision=lax.Precision.HIGHEST)

    s_sw = jnp.concatenate(
        [scores[:, i ^ 1:(i ^ 1) + 1] for i in range(E)], axis=1)
    gexp = jnp.maximum(scores, s_sw)

    gb_ = _doth(gexp, gmat)
    gc_ = _doth(gexp, rmat)
    gbeat = (gb_ > gc_) | ((gb_ == gc_)
                           & (lax.shift_right_logical(pj, 1)
                              < lax.shift_right_logical(pe, 1)))
    grank = _dotn(jnp.where(gbeat, 1.0, 0.0), hmat) * 0.5
    msk = jnp.where(grank < float(TOPKG), scores, 0.0)

    eb_ = _doth(msk, gmat)
    ec_ = _doth(msk, rmat)
    ebeat = (eb_ > ec_) | ((eb_ == ec_) & (pj < pe))
    rank8 = _dotn(jnp.where(ebeat, 1.0, 0.0), hmat)

    sel0 = (rank8 == 0.0).astype(jnp.float32)
    sel1 = (rank8 == 1.0).astype(jnp.float32)

    oh = sel0 + sel1
    ii = lax.broadcasted_iota(jnp.int32, (CT, CT), 0)
    jj = lax.broadcasted_iota(jnp.int32, (CT, CT), 1)
    lexc = jnp.where(ii > jj, 1.0, 0.0)
    within = lax.dot_general(
        lexc, oh, (((1,), (0,)), ((), ())),
        preferred_element_type=jnp.float32)
    rank_te = within + base_ref[...]

    iota8c = lax.broadcasted_iota(
        jnp.int32, (E, 1), 0).astype(jnp.float32)
    ones8 = jnp.ones((E, 1), jnp.float32)

    e0 = _doth(sel0, iota8c)
    e1 = _doth(sel1, iota8c)
    w0 = _doth(sel0 * msk, ones8)
    w1 = _doth(sel1 * msk, ones8)
    r0 = _doth(sel0 * rank_te, ones8)
    r1 = _doth(sel1 * rank_te, ones8)

    zero = jnp.zeros_like(e0)
    m8 = jnp.concatenate([e0, e1, r0, r1, w0, w1, zero, zero], axis=1)
    ident = jnp.where(ii == jj, 1.0, 0.0)
    metat_ref[...] = lax.dot_general(
        m8, ident, (((0,), (0,)), ((), ())),
        preferred_element_type=jnp.float32,
        precision=lax.Precision.HIGHEST)

    w01_ref[...] = jnp.concatenate(
        [jnp.broadcast_to(w0, (CT, 16)), jnp.broadcast_to(w1, (CT, 16))],
        axis=1)

    base_ref[...] += jnp.sum(oh, axis=0, keepdims=True)

    @pl.when(c == TC - 1)
    def _():
        cnt = base_ref[...]
        padblk = jnp.floor((cnt + float(BLK - 1)) * (1.0 / BLK))
        offs = []
        run = jnp.zeros_like(padblk[:, 0:1])
        ends = []
        for e in range(E):
            offs.append(run * float(BLK))
            run = run + padblk[:, e:e + 1]
            ends.append(run)
        off2 = jnp.concatenate(offs, axis=1)
        i8a = lax.broadcasted_iota(jnp.int32, (E, E), 0)
        i8b = lax.broadcasted_iota(jnp.int32, (E, E), 1)
        ident8 = jnp.where(i8a == i8b, 1.0, 0.0)
        offcol = lax.dot_general(
            ident8, off2, (((1,), (1,)), ((), ())),
            preferred_element_type=jnp.float32,
            precision=lax.Precision.HIGHEST)
        offr_ref[...] = lax.dot_general(
            offcol, jnp.ones((1, 16), jnp.float32),
            (((1,), (0,)), ((), ())),
            preferred_element_type=jnp.float32,
            precision=lax.Precision.HIGHEST)
        bi = lax.broadcasted_iota(jnp.int32, (1, NB), 1).astype(jnp.float32)
        be = sum(jnp.where(bi >= ends[e], 1.0, 0.0) for e in range(E))
        be = jnp.minimum(be, float(E - 1))
        be_ref[...] = be.astype(jnp.int32).reshape(1, 1, NB)


def _router(x, gate_w):
    return pl.pallas_call(
        _router_body,
        grid=(TC,),
        in_specs=[
            pl.BlockSpec((CT, H), lambda c: (c, 0)),
            pl.BlockSpec((E, H), lambda c: (0, 0)),
        ],
        out_specs=(
            pl.BlockSpec((E, CT), lambda c: (0, c)),
            pl.BlockSpec((CT, 32), lambda c: (c, 0)),
            pl.BlockSpec((E, 16), lambda c: (0, 0)),
            pl.BlockSpec((1, 1, NB), lambda c: (0, 0, 0)),
        ),
        out_shape=(
            jax.ShapeDtypeStruct((E, T), jnp.float32),
            jax.ShapeDtypeStruct((T, 32), jnp.float32),
            jax.ShapeDtypeStruct((E, 16), jnp.float32),
            jax.ShapeDtypeStruct((1, 1, NB), jnp.int32),
        ),
        scratch_shapes=[pltpu.VMEM((1, E), jnp.float32)],
    )(x, gate_w)



def _dispatch_body(x_hbm, metat_hbm, offr_hbm, xs_hbm, pos_hbm,
                   mt_v, off_v, pos_v, rows_v, sem_l, sem_s):
    wid = lax.axis_index("s") * 2 + lax.axis_index("c")
    base = wid * TPW
    for r in range(4):
        pltpu.sync_copy(metat_hbm.at[r, pl.ds(base, TPW)],
                        mt_v.at[pl.ds(r * TPW, TPW)])
    pltpu.sync_copy(offr_hbm, off_v)
    posvecs = []
    for g in range(NG):
        ev0 = mt_v[pl.ds(0 * TPW + g * 16, 16)]
        ev1 = mt_v[pl.ds(1 * TPW + g * 16, 16)]
        p0 = mt_v[pl.ds(2 * TPW + g * 16, 16)]
        p1 = mt_v[pl.ds(3 * TPW + g * 16, 16)]
        for e in range(E):
            ov = off_v[pl.ds(e * 16, 16)]
            fe = float(e)
            p0 = p0 + jnp.where(ev0 == fe, ov, 0.0)
            p1 = p1 + jnp.where(ev1 == fe, ov, 0.0)
        i0 = p0.astype(jnp.int32)
        i1 = p1.astype(jnp.int32)
        pos_v[pl.ds(g * 16, 16)] = i0
        pos_v[pl.ds(TPW + g * 16, 16)] = i1
        posvecs.append((i0, i1))
    pltpu.sync_copy(pos_v, pos_hbm.at[pl.ds(wid * 2 * TPW, 2 * TPW)])
    loads = [None] * NG
    scts = [None] * NG

    def _load(g):
        return pltpu.async_copy(
            x_hbm.at[pl.ds(base + g * 16, 16)], rows_v.at[g % 2], sem_l)

    loads[0] = _load(0)
    for g in range(NG):
        loads[g].wait()
        if g >= 1:
            scts[g - 1][0].wait()
            scts[g - 1][1].wait()
        if g + 1 < NG:
            loads[g + 1] = _load(g + 1)
        i0, i1 = posvecs[g]
        scts[g] = (
            pltpu.async_copy(rows_v.at[g % 2], xs_hbm.at[i0], sem_s),
            pltpu.async_copy(rows_v.at[g % 2], xs_hbm.at[i1], sem_s),
        )
    scts[NG - 1][0].wait()
    scts[NG - 1][1].wait()


def _dispatch(x, metat, offr_flat):
    mesh = plsc.VectorSubcoreMesh(core_axis_name="c", subcore_axis_name="s")
    return pl.kernel(
        _dispatch_body,
        mesh=mesh,
        out_type=(
            jax.ShapeDtypeStruct((NS, H), jnp.float32),
            jax.ShapeDtypeStruct((2 * T,), jnp.int32),
        ),
        scratch_types=[
            pltpu.VMEM((4 * TPW,), jnp.float32),
            pltpu.VMEM((E * 16,), jnp.float32),
            pltpu.VMEM((2 * TPW,), jnp.int32),
            pltpu.VMEM((2, 16, H), jnp.float32),
            pltpu.SemaphoreType.DMA,
            pltpu.SemaphoreType.DMA,
        ],
    )(x, metat, offr_flat)



MFC = 2
MFB = F // MFC


def _mlp_body(be_ref, xs_ref, wg_ref, wu_ref, wd_ref, ys_ref):
    fc = pl.program_id(1)
    xb = xs_ref[...]
    wg = wg_ref[0]
    wu = wu_ref[0]
    wd = wd_ref[0]
    g = lax.dot_general(xb, wg, (((1,), (1,)), ((), ())),
                        preferred_element_type=jnp.float32)
    u = lax.dot_general(xb, wu, (((1,), (1,)), ((), ())),
                        preferred_element_type=jnp.float32)
    h = g * jax.nn.sigmoid(g) * u
    y = lax.dot_general(h, wd, (((1,), (1,)), ((), ())),
                        preferred_element_type=jnp.float32)

    @pl.when(fc == 0)
    def _():
        ys_ref[...] = y

    @pl.when(fc != 0)
    def _():
        ys_ref[...] += y


def _mlp(be, xs, gate_ws, up_ws, down_ws):
    return pl.pallas_call(
        _mlp_body,
        grid_spec=pltpu.PrefetchScalarGridSpec(
            num_scalar_prefetch=1,
            grid=(NB, MFC),
            in_specs=[
                pl.BlockSpec((BLK, H), lambda b, fc, be: (b, 0)),
                pl.BlockSpec((1, MFB, H), lambda b, fc, be: (be[b], fc, 0)),
                pl.BlockSpec((1, MFB, H), lambda b, fc, be: (be[b], fc, 0)),
                pl.BlockSpec((1, H, MFB), lambda b, fc, be: (be[b], 0, fc)),
            ],
            out_specs=pl.BlockSpec((BLK, H), lambda b, fc, be: (b, 0)),
        ),
        out_shape=jax.ShapeDtypeStruct((NS, H), jnp.float32),
    )(be, xs, gate_ws, up_ws, down_ws)



SBT = 8
SBR = T // SBT


def _shared_body(x_ref, wg_ref, wu_ref, wd_ref, out_ref):
    xb = x_ref[...]
    wg = wg_ref[...]
    wu = wu_ref[...]
    wd = wd_ref[...]
    g = lax.dot_general(xb, wg, (((1,), (1,)), ((), ())),
                        preferred_element_type=jnp.float32)
    u = lax.dot_general(xb, wu, (((1,), (1,)), ((), ())),
                        preferred_element_type=jnp.float32)
    h = g * jax.nn.sigmoid(g) * u
    out_ref[...] = lax.dot_general(h, wd, (((1,), (1,)), ((), ())),
                                   preferred_element_type=jnp.float32)


def _shared(x, sg_w, su_w, sd_w):
    return pl.pallas_call(
        _shared_body,
        grid=(SBT,),
        in_specs=[
            pl.BlockSpec((SBR, H), lambda i: (i, 0)),
            pl.BlockSpec((SF, H), lambda i: (0, 0)),
            pl.BlockSpec((SF, H), lambda i: (0, 0)),
            pl.BlockSpec((H, SF), lambda i: (0, 0)),
        ],
        out_specs=pl.BlockSpec((SBR, H), lambda i: (i, 0)),
        out_shape=jax.ShapeDtypeStruct((T, H), jnp.float32),
    )(x, sg_w, su_w, sd_w)


def _merge_body(sh_ref, y0_ref, y1_ref, w01_ref, out_ref):
    w0 = w01_ref[:, 0:1]
    w1 = w01_ref[:, 16:17]
    out_ref[...] = sh_ref[...] + w0 * y0_ref[...] + w1 * y1_ref[...]


def _merge(shared, y0, y1, w01):
    return pl.pallas_call(
        _merge_body,
        grid=(SBT,),
        in_specs=[
            pl.BlockSpec((SBR, H), lambda i: (i, 0)),
            pl.BlockSpec((SBR, H), lambda i: (i, 0)),
            pl.BlockSpec((SBR, H), lambda i: (i, 0)),
            pl.BlockSpec((SBR, 32), lambda i: (i, 0)),
        ],
        out_specs=pl.BlockSpec((SBR, H), lambda i: (i, 0)),
        out_shape=jax.ShapeDtypeStruct((T, H), jnp.float32),
    )(shared, y0, y1, w01)



def _combine_body(ys_hbm, pos_hbm, y0_hbm, y1_hbm,
                  pos_v, bufs, sem_g, sem_w):
    wid = lax.axis_index("s") * 2 + lax.axis_index("c")
    base = wid * TPW
    pltpu.sync_copy(pos_hbm.at[pl.ds(wid * 2 * TPW, 2 * TPW)], pos_v)
    for phase, y_hbm in ((0, y0_hbm), (1, y1_hbm)):
        gth = [None] * NG
        wrt = [None] * NG

        def _gather(g, phase=phase):
            idx = pos_v[pl.ds(phase * TPW + g * 16, 16)]
            return pltpu.async_copy(ys_hbm.at[idx], bufs.at[g % 2], sem_g)

        gth[0] = _gather(0)
        for g in range(NG):
            gth[g].wait()
            if g >= 1:
                wrt[g - 1].wait()
            if g + 1 < NG:
                gth[g + 1] = _gather(g + 1)
            wrt[g] = pltpu.async_copy(
                bufs.at[g % 2], y_hbm.at[pl.ds(base + g * 16, 16)], sem_w)
        wrt[NG - 1].wait()


def _combine(ys, pos):
    mesh = plsc.VectorSubcoreMesh(core_axis_name="c", subcore_axis_name="s")
    return pl.kernel(
        _combine_body,
        mesh=mesh,
        out_type=(
            jax.ShapeDtypeStruct((T, H), jnp.float32),
            jax.ShapeDtypeStruct((T, H), jnp.float32),
        ),
        scratch_types=[
            pltpu.VMEM((2 * TPW,), jnp.int32),
            pltpu.VMEM((2, 16, H), jnp.float32),
            pltpu.SemaphoreType.DMA,
            pltpu.SemaphoreType.DMA,
        ],
    )(ys, pos)



def kernel(hidden_states, gate_w, gate_ws, up_ws, down_ws,
           shared_gate_w, shared_up_w, shared_down_w):
    metat, w01, offr, be3 = _router(hidden_states, gate_w)
    offr_flat = offr.reshape(E * 16)
    be = be3.reshape(NB)
    shared = _shared(hidden_states, shared_gate_w, shared_up_w,
                     shared_down_w)
    xs, pos = _dispatch(hidden_states, metat, offr_flat)
    ys = _mlp(be, xs, gate_ws, up_ws, down_ws)
    y0, y1 = _combine(ys, pos)
    return _merge(shared, y0, y1, w01)

# --- scband reference (transcript-rebuilt; emitter-appended) ---
"""Pipeline reference for scband-deepseek-v3-mo-e-52785148067900 (READ-ONLY COPY).

The authoritative reference and input builder live on the scoring server;
editing this copy changes nothing except your own understanding.
"""

import jax, jax.numpy as jnp
import numpy as np

H = 2048          # hidden_size
E = 8             # n_routed_experts
F = 512           # moe_intermediate_size
TOPK = 2          # num_experts_per_tok
NGROUP = 4        # n_group
TOPKG = 2         # topk_group
NSHARED = 2       # n_shared_experts
SF = F * NSHARED  # shared experts intermediate size
SCALE = 1.0       # routed_scaling_factor
NORM_TOPK = False # norm_topk_prob
T = 2048          # tokens = batch * seq_len


def setup_inputs(seed: int = 0) -> dict:
    key = jax.random.key(seed)
    ks = jax.random.split(key, 9)
    x = jax.random.normal(ks[0], (T, H), dtype=jnp.float32)
    gate_w = jax.random.normal(ks[1], (E, H), dtype=jnp.float32) * 0.02
    gate_ws = jax.random.normal(ks[2], (E, F, H), dtype=jnp.float32) * 0.02
    up_ws = jax.random.normal(ks[3], (E, F, H), dtype=jnp.float32) * 0.02
    down_ws = jax.random.normal(ks[4], (E, H, F), dtype=jnp.float32) * 0.02
    shared_gate_w = jax.random.normal(ks[5], (SF, H), dtype=jnp.float32) * 0.02
    shared_up_w = jax.random.normal(ks[6], (SF, H), dtype=jnp.float32) * 0.02
    shared_down_w = jax.random.normal(ks[7], (H, SF), dtype=jnp.float32) * 0.02
    return {
        'hidden_states': x,
        'gate_w': gate_w,
        'gate_ws': gate_ws,
        'up_ws': up_ws,
        'down_ws': down_ws,
        'shared_gate_w': shared_gate_w,
        'shared_up_w': shared_up_w,
        'shared_down_w': shared_down_w,
    }


def reference(hidden_states, gate_w, gate_ws, up_ws, down_ws,
              shared_gate_w, shared_up_w, shared_down_w):
    x = hidden_states
    t = x.shape[0]
    # --- router gate (softmax scoring) ---
    logits = x @ gate_w.T                              # [T, E]
    scores = jax.nn.softmax(logits, axis=-1)           # [T, E]
    # --- group-limited greedy top-k routing ---
    gsz = E // NGROUP
    group_scores = scores.reshape(t, NGROUP, gsz).max(axis=-1)   # [T, NGROUP]
    _, gidx = jax.lax.top_k(group_scores, TOPKG)                 # [T, TOPKG]
    gmask = jax.nn.one_hot(gidx, NGROUP, dtype=scores.dtype).sum(axis=1)  # [T, NGROUP]
    emask = jnp.repeat(gmask, gsz, axis=1)                       # [T, E]
    masked_scores = jnp.where(emask > 0, scores, 0.0)
    topk_vals, topk_idx = jax.lax.top_k(masked_scores, TOPK)     # [T, TOPK]
    if NORM_TOPK:
        topk_vals = topk_vals / (topk_vals.sum(axis=-1, keepdims=True) + 1e-20)
    combine = (jax.nn.one_hot(topk_idx, E, dtype=scores.dtype) * topk_vals[..., None]).sum(axis=1)  # [T, E]
    # --- routed experts: SiLU-gated MLP per expert, dense masked combine ---
    g = jnp.einsum('td,efd->tef', x, gate_ws)          # [T, E, F]
    u = jnp.einsum('td,efd->tef', x, up_ws)            # [T, E, F]
    h = jax.nn.silu(g) * u                             # [T, E, F]
    y = jnp.einsum('tef,edf->ted', h, down_ws)         # [T, E, H]
    routed = (y * combine[:, :, None]).sum(axis=1) * SCALE       # [T, H]
    # --- shared experts ---
    sg = jax.nn.silu(x @ shared_gate_w.T) * (x @ shared_up_w.T)  # [T, SF]
    shared = sg @ shared_down_w.T                                # [T, H]
    return routed + shared

if __name__ == "__main__":
    import jax
    _d = setup_inputs()
    print(jax.jit(kernel)(*tuple(_d.values())))

</pallas_src>

<mosaic_0001>
#map = affine_map<(d0, d1) -> (0, 0)>
#map1 = affine_map<(d0, d1) -> (0)>
module attributes {stable_mosaic.version = 14 : i64} {
  func.func @_dispatch_body(%arg0: i32, %arg1: i32, %arg2: memref<2048x2048xf32, #tpu.memory_space<hbm>>, %arg3: memref<8x2048xf32, #tpu.memory_space<hbm>>, %arg4: memref<128xf32, #tpu.memory_space<hbm>>, %arg5: memref<6144x2048xf32, #tpu.memory_space<hbm>>, %arg6: memref<4096xi32, #tpu.memory_space<hbm>>, %arg7: memref<256xf32, #tpu.memory_space<vmem>>, %arg8: memref<128xf32, #tpu.memory_space<vmem>>, %arg9: memref<128xi32, #tpu.memory_space<vmem>>, %arg10: memref<2x16x2048xf32, #tpu.memory_space<vmem>>, %arg11: memref<!tpu.dma_semaphore, #tpu.memory_space<semaphore_mem>>, %arg12: memref<!tpu.dma_semaphore, #tpu.memory_space<semaphore_mem>>) attributes {dimension_semantics = [#tpu.dimension_semantics<core_parallel>, #tpu.dimension_semantics<subcore_parallel>], iteration_bounds = array<i64: 2, 16>, scalar_prefetch = 0 : i64, scratch_operands = 6 : i64, tpu.core_type = #tpu.core_type<sc_vector_subcore>, window_params = [{transform_indices = #map}, {transform_indices = #map}, {transform_indices = #map1}, {transform_indices = #map}, {transform_indices = #map1}]} {
    %mul3A = arith.constant 2 : i32
    %mul3A_0 = arith.muli %arg1, %mul3A : i32
    %add3A = arith.addi %mul3A_0, %arg0 : i32
    %mul3A_1 = arith.constant 64 : i32
    %mul3A_2 = arith.muli %add3A, %mul3A_1 : i32
    %run_scoped3A = arith.constant 0 : i32
    "tpu.region"() ({
      %run_scoped3A_873 = tpu.sem_alloc : memref<!tpu.dma_semaphore, #tpu.memory_space<semaphore_mem>>
      %dma_start3A_874 = arith.constant 0 : i32
      %dma_start3A_875 = tpu.memref_slice %arg7[%dma_start3A_874] : memref<256xf32, #tpu.memory_space<vmem>> -> memref<64xf32, #tpu.memory_space<vmem>>
      %dma_start3A_876 = tpu.memref_slice %arg3[%run_scoped3A, %mul3A_2] : memref<8x2048xf32, #tpu.memory_space<hbm>> -> memref<1x64xf32, #tpu.memory_space<hbm>>
      %dma_start3A_877 = tpu.memref_squeeze %dma_start3A_876 : memref<1x64xf32, #tpu.memory_space<hbm>> -> memref<64xf32, #tpu.memory_space<hbm>>
      %dma_start3A_878 = arith.constant 0 : i32
      %dma_start3A_879 = tpu.memref_slice %arg7[%dma_start3A_878] : memref<256xf32, #tpu.memory_space<vmem>> -> memref<64xf32, #tpu.memory_space<vmem>>
      %dma_start3A_880 = tpu.memref_slice %arg3[%run_scoped3A, %mul3A_2] : memref<8x2048xf32, #tpu.memory_space<hbm>> -> memref<1x64xf32, #tpu.memory_space<hbm>>
      %dma_start3A_881 = tpu.memref_squeeze %dma_start3A_880 : memref<1x64xf32, #tpu.memory_space<hbm>> -> memref<64xf32, #tpu.memory_space<hbm>>
      tpu.enqueue_dma source(%dma_start3A_881 : memref<64xf32, #tpu.memory_space<hbm>>) target(%dma_start3A_879 : memref<64xf32, #tpu.memory_space<vmem>>) target_semaphore(%run_scoped3A_873 : memref<!tpu.dma_semaphore, #tpu.memory_space<semaphore_mem>>)
      %dma_wait3A_882 = arith.constant 0 : i32
      %dma_wait3A_883 = tpu.memref_slice %arg7[%dma_wait3A_882] : memref<256xf32, #tpu.memory_space<vmem>> -> memref<64xf32, #tpu.memory_space<vmem>>
      %dma_wait3A_884 = tpu.memref_slice %arg3[%run_scoped3A, %mul3A_2] : memref<8x2048xf32, #tpu.memory_space<hbm>> -> memref<1x64xf32, #tpu.memory_space<hbm>>
      %dma_wait3A_885 = tpu.memref_squeeze %dma_wait3A_884 : memref<1x64xf32, #tpu.memory_space<hbm>> -> memref<64xf32, #tpu.memory_space<hbm>>
      %dma_wait3A_886 = arith.constant 0 : i32
      %dma_wait3A_887 = tpu.memref_slice %arg7[%dma_wait3A_886] : memref<256xf32, #tpu.memory_space<vmem>> -> memref<64xf32, #tpu.memory_space<vmem>>
      %dma_wait3A_888 = tpu.memref_slice %arg3[%run_scoped3A, %mul3A_2] : memref<8x2048xf32, #tpu.memory_space<hbm>> -> memref<1x64xf32, #tpu.memory_space<hbm>>
      %dma_wait3A_889 = tpu.memref_squeeze %dma_wait3A_888 : memref<1x64xf32, #tpu.memory_space<hbm>> -> memref<64xf32, #tpu.memory_space<hbm>>
      tpu.wait_dma2 semaphore(%run_scoped3A_873 : memref<!tpu.dma_semaphore, #tpu.memory_space<semaphore_mem>>) src(%dma_wait3A_889 : memref<64xf32, #tpu.memory_space<hbm>>) dst(%dma_wait3A_887 : memref<64xf32, #tpu.memory_space<vmem>>)
      tpu.yield
    }) : () -> ()
    %run_scoped3A_3 = arith.constant 1 : i32
    "tpu.region"() ({
      %run_scoped3A_873 = tpu.sem_alloc : memref<!tpu.dma_semaphore, #tpu.memory_space<semaphore_mem>>
      %dma_start3A_874 = arith.constant 64 : i32
      %dma_start3A_875 = tpu.memref_slice %arg7[%dma_start3A_874] : memref<256xf32, #tpu.memory_space<vmem>> -> memref<64xf32, #tpu.memory_space<vmem>>
      %dma_start3A_876 = tpu.memref_slice %arg3[%run_scoped3A_3, %mul3A_2] : memref<8x2048xf32, #tpu.memory_space<hbm>> -> memref<1x64xf32, #tpu.memory_space<hbm>>
      %dma_start3A_877 = tpu.memref_squeeze %dma_start3A_876 : memref<1x64xf32, #tpu.memory_space<hbm>> -> memref<64xf32, #tpu.memory_space<hbm>>
      %dma_start3A_878 = arith.constant 64 : i32
      %dma_start3A_879 = tpu.memref_slice %arg7[%dma_start3A_878] : memref<256xf32, #tpu.memory_space<vmem>> -> memref<64xf32, #tpu.memory_space<vmem>>
      %dma_start3A_880 = tpu.memref_slice %arg3[%run_scoped3A_3, %mul3A_2] : memref<8x2048xf32, #tpu.memory_space<hbm>> -> memref<1x64xf32, #tpu.memory_space<hbm>>
      %dma_start3A_881 = tpu.memref_squeeze %dma_start3A_880 : memref<1x64xf32, #tpu.memory_space<hbm>> -> memref<64xf32, #tpu.memory_space<hbm>>
      tpu.enqueue_dma source(%dma_start3A_881 : memref<64xf32, #tpu.memory_space<hbm>>) target(%dma_start3A_879 : memref<64xf32, #tpu.memory_space<vmem>>) target_semaphore(%run_scoped3A_873 : memref<!tpu.dma_semaphore, #tpu.memory_space<semaphore_mem>>)
      %dma_wait3A_882 = arith.constant 64 : i32
      %dma_wait3A_883 = tpu.memref_slice %arg7[%dma_wait3A_882] : memref<256xf32, #tpu.memory_space<vmem>> -> memref<64xf32, #tpu.memory_space<vmem>>
      %dma_wait3A_884 = tpu.memref_slice %arg3[%run_scoped3A_3, %mul3A_2] : memref<8x2048xf32, #tpu.memory_space<hbm>> -> memref<1x64xf32, #tpu.memory_space<hbm>>
      %dma_wait3A_885 = tpu.memref_squeeze %dma_wait3A_884 : memref<1x64xf32, #tpu.memory_space<hbm>> -> memref<64xf32, #tpu.memory_space<hbm>>
      %dma_wait3A_886 = arith.constant 64 : i32
      %dma_wait3A_887 = tpu.memref_slice %arg7[%dma_wait3A_886] : memref<256xf32, #tpu.memory_space<vmem>> -> memref<64xf32, #tpu.memory_space<vmem>>
      %dma_wait3A_888 = tpu.memref_slice %arg3[%run_scoped3A_3, %mul3A_2] : memref<8x2048xf32, #tpu.memory_space<hbm>> -> memref<1x64xf32, #tpu.memory_space<hbm>>
      %dma_wait3A_889 = tpu.memref_squeeze %dma_wait3A_888 : memref<1x64xf32, #tpu.memory_space<hbm>> -> memref<64xf32, #tpu.memory_space<hbm>>
      tpu.wait_dma2 semaphore(%run_scoped3A_873 : memref<!tpu.dma_semaphore, #tpu.memory_space<semaphore_mem>>) src(%dma_wait3A_889 : memref<64xf32, #tpu.memory_space<hbm>>) dst(%dma_wait3A_887 : memref<64xf32, #tpu.memory_space<vmem>>)
      tpu.yield
    }) : () -> ()
    %run_scoped3A_4 = arith.constant 2 : i32
    "tpu.region"() ({
      %run_scoped3A_873 = tpu.sem_alloc : memref<!tpu.dma_semaphore, #tpu.memory_space<semaphore_mem>>
      %dma_start3A_874 = arith.constant 128 : i32
      %dma_start3A_875 = tpu.memref_slice %arg7[%dma_start3A_874] : memref<256xf32, #tpu.memory_space<vmem>> -> memref<64xf32, #tpu.memory_space<vmem>>
      %dma_start3A_876 = tpu.memref_slice %arg3[%run_scoped3A_4, %mul3A_2] : memref<8x2048xf32, #tpu.memory_space<hbm>> -> memref<1x64xf32, #tpu.memory_space<hbm>>
      %dma_start3A_877 = tpu.memref_squeeze %dma_start3A_876 : memref<1x64xf32, #tpu.memory_space<hbm>> -> memref<64xf32, #tpu.memory_space<hbm>>
      %dma_start3A_878 = arith.constant 128 : i32
      %dma_start3A_879 = tpu.memref_slice %arg7[%dma_start3A_878] : memref<256xf32, #tpu.memory_space<vmem>> -> memref<64xf32, #tpu.memory_space<vmem>>
      %dma_start3A_880 = tpu.memref_slice %arg3[%run_scoped3A_4, %mul3A_2] : memref<8x2048xf32, #tpu.memory_space<hbm>> -> memref<1x64xf32, #tpu.memory_space<hbm>>
      %dma_start3A_881 = tpu.memref_squeeze %dma_start3A_880 : memref<1x64xf32, #tpu.memory_space<hbm>> -> memref<64xf32, #tpu.memory_space<hbm>>
      tpu.enqueue_dma source(%dma_start3A_881 : memref<64xf32, #tpu.memory_space<hbm>>) target(%dma_start3A_879 : memref<64xf32, #tpu.memory_space<vmem>>) target_semaphore(%run_scoped3A_873 : memref<!tpu.dma_semaphore, #tpu.memory_space<semaphore_mem>>)
      %dma_wait3A_882 = arith.constant 128 : i32
      %dma_wait3A_883 = tpu.memref_slice %arg7[%dma_wait3A_882] : memref<256xf32, #tpu.memory_space<vmem>> -> memref<64xf32, #tpu.memory_space<vmem>>
      %dma_wait3A_884 = tpu.memref_slice %arg3[%run_scoped3A_4, %mul3A_2] : memref<8x2048xf32, #tpu.memory_space<hbm>> -> memref<1x64xf32, #tpu.memory_space<hbm>>
      %dma_wait3A_885 = tpu.memref_squeeze %dma_wait3A_884 : memref<1x64xf32, #tpu.memory_space<hbm>> -> memref<64xf32, #tpu.memory_space<hbm>>
      %dma_wait3A_886 = arith.constant 128 : i32
      %dma_wait3A_887 = tpu.memref_slice %arg7[%dma_wait3A_886] : memref<256xf32, #tpu.memory_space<vmem>> -> memref<64xf32, #tpu.memory_space<vmem>>
      %dma_wait3A_888 = tpu.memref_slice %arg3[%run_scoped3A_4, %mul3A_2] : memref<8x2048xf32, #tpu.memory_space<hbm>> -> memref<1x64xf32, #tpu.memory_space<hbm>>
      %dma_wait3A_889 = tpu.memref_squeeze %dma_wait3A_888 : memref<1x64xf32, #tpu.memory_space<hbm>> -> memref<64xf32, #tpu.memory_space<hbm>>
      tpu.wait_dma2 semaphore(%run_scoped3A_873 : memref<!tpu.dma_semaphore, #tpu.memory_space<semaphore_mem>>) src(%dma_wait3A_889 : memref<64xf32, #tpu.memory_space<hbm>>) dst(%dma_wait3A_887 : memref<64xf32, #tpu.memory_space<vmem>>)
      tpu.yield
    }) : () -> ()
    %run_scoped3A_5 = arith.constant 3 : i32
    "tpu.region"() ({
      %run_scoped3A_873 = tpu.sem_alloc : memref<!tpu.dma_semaphore, #tpu.memory_space<semaphore_mem>>
      %dma_start3A_874 = arith.constant 192 : i32
      %dma_start3A_875 = tpu.memref_slice %arg7[%dma_start3A_874] : memref<256xf32, #tpu.memory_space<vmem>> -> memref<64xf32, #tpu.memory_space<vmem>>
      %dma_start3A_876 = tpu.memref_slice %arg3[%run_scoped3A_5, %mul3A_2] : memref<8x2048xf32, #tpu.memory_space<hbm>> -> memref<1x64xf32, #tpu.memory_space<hbm>>
      %dma_start3A_877 = tpu.memref_squeeze %dma_start3A_876 : memref<1x64xf32, #tpu.memory_space<hbm>> -> memref<64xf32, #tpu.memory_space<hbm>>
      %dma_start3A_878 = arith.constant 192 : i32
      %dma_start3A_879 = tpu.memref_slice %arg7[%dma_start3A_878] : memref<256xf32, #tpu.memory_space<vmem>> -> memref<64xf32, #tpu.memory_space<vmem>>
      %dma_start3A_880 = tpu.memref_slice %arg3[%run_scoped3A_5, %mul3A_2] : memref<8x2048xf32, #tpu.memory_space<hbm>> -> memref<1x64xf32, #tpu.memory_space<hbm>>
      %dma_start3A_881 = tpu.memref_squeeze %dma_start3A_880 : memref<1x64xf32, #tpu.memory_space<hbm>> -> memref<64xf32, #tpu.memory_space<hbm>>
      tpu.enqueue_dma source(%dma_start3A_881 : memref<64xf32, #tpu.memory_space<hbm>>) target(%dma_start3A_879 : memref<64xf32, #tpu.memory_space<vmem>>) target_semaphore(%run_scoped3A_873 : memref<!tpu.dma_semaphore, #tpu.memory_space<semaphore_mem>>)
      %dma_wait3A_882 = arith.constant 192 : i32
      %dma_wait3A_883 = tpu.memref_slice %arg7[%dma_wait3A_882] : memref<256xf32, #tpu.memory_space<vmem>> -> memref<64xf32, #tpu.memory_space<vmem>>
      %dma_wait3A_884 = tpu.memref_slice %arg3[%run_scoped3A_5, %mul3A_2] : memref<8x2048xf32, #tpu.memory_space<hbm>> -> memref<1x64xf32, #tpu.memory_space<hbm>>
      %dma_wait3A_885 = tpu.memref_squeeze %dma_wait3A_884 : memref<1x64xf32, #tpu.memory_space<hbm>> -> memref<64xf32, #tpu.memory_space<hbm>>
      %dma_wait3A_886 = arith.constant 192 : i32
      %dma_wait3A_887 = tpu.memref_slice %arg7[%dma_wait3A_886] : memref<256xf32, #tpu.memory_space<vmem>> -> memref<64xf32, #tpu.memory_space<vmem>>
      %dma_wait3A_888 = tpu.memref_slice %arg3[%run_scoped3A_5, %mul3A_2] : memref<8x2048xf32, #tpu.memory_space<hbm>> -> memref<1x64xf32, #tpu.memory_space<hbm>>
      %dma_wait3A_889 = tpu.memref_squeeze %dma_wait3A_888 : memref<1x64xf32, #tpu.memory_space<hbm>> -> memref<64xf32, #tpu.memory_space<hbm>>
      tpu.wait_dma2 semaphore(%run_scoped3A_873 : memref<!tpu.dma_semaphore, #tpu.memory_space<semaphore_mem>>) src(%dma_wait3A_889 : memref<64xf32, #tpu.memory_space<hbm>>) dst(%dma_wait3A_887 : memref<64xf32, #tpu.memory_space<vmem>>)
      tpu.yield
    }) : () -> ()
    "tpu.region"() ({
      %run_scoped3A_873 = tpu.sem_alloc : memref<!tpu.dma_semaphore, #tpu.memory_space<semaphore_mem>>
      tpu.enqueue_dma source(%arg4 : memref<128xf32, #tpu.memory_space<hbm>>) target(%arg8 : memref<128xf32, #tpu.memory_space<vmem>>) target_semaphore(%run_scoped3A_873 : memref<!tpu.dma_semaphore, #tpu.memory_space<semaphore_mem>>)
      tpu.wait_dma2 semaphore(%run_scoped3A_873 : memref<!tpu.dma_semaphore, #tpu.memory_space<semaphore_mem>>) src(%arg4 : memref<128xf32, #tpu.memory_space<hbm>>) dst(%arg8 : memref<128xf32, #tpu.memory_space<vmem>>)
      tpu.yield
    }) : () -> ()
    %get3A = arith.constant 0 : index
    %get3A_6 = tpu.vector_load %arg7[%get3A] {strides = array<i32>} : memref<256xf32, #tpu.memory_space<vmem>>, vector<16xf32>,
    %get3A_7 = vector.shape_cast %get3A_6 : vector<16xf32> to vector<16xf32>
    %get3A_8 = arith.constant 64 : index
    %get3A_9 = tpu.vector_load %arg7[%get3A_8] {strides = array<i32>} : memref<256xf32, #tpu.memory_space<vmem>>, vector<16xf32>,
    %get3A_10 = vector.shape_cast %get3A_9 : vector<16xf32> to vector<16xf32>
    %get3A_11 = arith.constant 128 : index
    %get3A_12 = tpu.vector_load %arg7[%get3A_11] {strides = array<i32>} : memref<256xf32, #tpu.memory_space<vmem>>, vector<16xf32>,
    %get3A_13 = vector.shape_cast %get3A_12 : vector<16xf32> to vector<16xf32>
    %get3A_14 = arith.constant 192 : index
    %get3A_15 = tpu.vector_load %arg7[%get3A_14] {strides = array<i32>} : memref<256xf32, #tpu.memory_space<vmem>>, vector<16xf32>,
    %get3A_16 = vector.shape_cast %get3A_15 : vector<16xf32> to vector<16xf32>
    %get3A_17 = arith.constant 0 : index
    %get3A_18 = tpu.vector_load %arg8[%get3A_17] {strides = array<i32>} : memref<128xf32, #tpu.memory_space<vmem>>, vector<16xf32>,
    %get3A_19 = vector.shape_cast %get3A_18 : vector<16xf32> to vector<16xf32>
    %eq3A = arith.constant 0.000000e+00 : f32
    %eq3A_20 = vector.broadcast %eq3A : f32 to vector<16xf32>
    %eq3A_21 = arith.cmpf oeq, %get3A_7, %eq3A_20 : vector<16xf32>
    %jit3A = arith.constant 0.000000e+00 : f32
    %broadcast_in_dim3A = vector.broadcast %jit3A : f32 to vector<16xf32>
    %select_n3A = arith.select %eq3A_21, %get3A_19, %broadcast_in_dim3A : vector<16xi1>, vector<16xf32>
    %add3A_22 = arith.addf %get3A_13, %select_n3A : vector<16xf32>
    %eq3A_23 = arith.constant 0.000000e+00 : f32
    %eq3A_24 = vector.broadcast %eq3A_23 : f32 to vector<16xf32>
    %eq3A_25 = arith.cmpf oeq, %get3A_10, %eq3A_24 : vector<16xf32>
    %jit3A_26 = arith.constant 0.000000e+00 : f32
    %broadcast_in_dim3A_27 = vector.broadcast %jit3A_26 : f32 to vector<16xf32>
    %select_n3A_28 = arith.select %eq3A_25, %get3A_19, %broadcast_in_dim3A_27 : vector<16xi1>, vector<16xf32>
    %add3A_29 = arith.addf %get3A_16, %select_n3A_28 : vector<16xf32>
    %get3A_30 = arith.constant 16 : index
    %get3A_31 = tpu.vector_load %arg8[%get3A_30] {strides = array<i32>} : memref<128xf32, #tpu.memory_space<vmem>>, vector<16xf32>,
    %get3A_32 = vector.shape_cast %get3A_31 : vector<16xf32> to vector<16xf32>
    %eq3A_33 = arith.constant 1.000000e+00 : f32
    %eq3A_34 = vector.broadcast %eq3A_33 : f32 to vector<16xf32>
    %eq3A_35 = arith.cmpf oeq, %get3A_7, %eq3A_34 : vector<16xf32>
    %jit3A_36 = arith.constant 0.000000e+00 : f32
    %broadcast_in_dim3A_37 = vector.broadcast %jit3A_36 : f32 to vector<16xf32>
    %select_n3A_38 = arith.select %eq3A_35, %get3A_32, %broadcast_in_dim3A_37 : vector<16xi1>, vector<16xf32>
    %add3A_39 = arith.addf %add3A_22, %select_n3A_38 : vector<16xf32>
    %eq3A_40 = arith.constant 1.000000e+00 : f32
    %eq3A_41 = vector.broadcast %eq3A_40 : f32 to vector<16xf32>
    %eq3A_42 = arith.cmpf oeq, %get3A_10, %eq3A_41 : vector<16xf32>
    %jit3A_43 = arith.constant 0.000000e+00 : f32
    %broadcast_in_dim3A_44 = vector.broadcast %jit3A_43 : f32 to vector<16xf32>
    %select_n3A_45 = arith.select %eq3A_42, %get3A_32, %broadcast_in_dim3A_44 : vector<16xi1>, vector<16xf32>
    %add3A_46 = arith.addf %add3A_29, %select_n3A_45 : vector<16xf32>
    %get3A_47 = arith.constant 32 : index
    %get3A_48 = tpu.vector_load %arg8[%get3A_47] {strides = array<i32>} : memref<128xf32, #tpu.memory_space<vmem>>, vector<16xf32>,
    %get3A_49 = vector.shape_cast %get3A_48 : vector<16xf32> to vector<16xf32>
    %eq3A_50 = arith.constant 2.000000e+00 : f32
    %eq3A_51 = vector.broadcast %eq3A_50 : f32 to vector<16xf32>
    %eq3A_52 = arith.cmpf oeq, %get3A_7, %eq3A_51 : vector<16xf32>
    %jit3A_53 = arith.constant 0.000000e+00 : f32
    %broadcast_in_dim3A_54 = vector.broadcast %jit3A_53 : f32 to vector<16xf32>
    %select_n3A_55 = arith.select %eq3A_52, %get3A_49, %broadcast_in_dim3A_54 : vector<16xi1>, vector<16xf32>
    %add3A_56 = arith.addf %add3A_39, %select_n3A_55 : vector<16xf32>
    %eq3A_57 = arith.constant 2.000000e+00 : f32
    %eq3A_58 = vector.broadcast %eq3A_57 : f32 to vector<16xf32>
    %eq3A_59 = arith.cmpf oeq, %get3A_10, %eq3A_58 : vector<16xf32>
    %jit3A_60 = arith.constant 0.000000e+00 : f32
    %broadcast_in_dim3A_61 = vector.broadcast %jit3A_60 : f32 to vector<16xf32>
    %select_n3A_62 = arith.select %eq3A_59, %get3A_49, %broadcast_in_dim3A_61 : vector<16xi1>, vector<16xf32>
    %add3A_63 = arith.addf %add3A_46, %select_n3A_62 : vector<16xf32>
    %get3A_64 = arith.constant 48 : index
    %get3A_65 = tpu.vector_load %arg8[%get3A_64] {strides = array<i32>} : memref<128xf32, #tpu.memory_space<vmem>>, vector<16xf32>,
    %get3A_66 = vector.shape_cast %get3A_65 : vector<16xf32> to vector<16xf32>
    %eq3A_67 = arith.constant 3.000000e+00 : f32
    %eq3A_68 = vector.broadcast %eq3A_67 : f32 to vector<16xf32>
    %eq3A_69 = arith.cmpf oeq, %get3A_7, %eq3A_68 : vector<16xf32>
    %jit3A_70 = arith.constant 0.000000e+00 : f32
    %broadcast_in_dim3A_71 = vector.broadcast %jit3A_70 : f32 to vector<16xf32>
    %select_n3A_72 = arith.select %eq3A_69, %get3A_66, %broadcast_in_dim3A_71 : vector<16xi1>, vector<16xf32>
    %add3A_73 = arith.addf %add3A_56, %select_n3A_72 : vector<16xf32>
    %eq3A_74 = arith.constant 3.000000e+00 : f32
    %eq3A_75 = vector.broadcast %eq3A_74 : f32 to vector<16xf32>
    %eq3A_76 = arith.cmpf oeq, %get3A_10, %eq3A_75 : vector<16xf32>
    %jit3A_77 = arith.constant 0.000000e+00 : f32
    %broadcast_in_dim3A_78 = vector.broadcast %jit3A_77 : f32 to vector<16xf32>
    %select_n3A_79 = arith.select %eq3A_76, %get3A_66, %broadcast_in_dim3A_78 : vector<16xi1>, vector<16xf32>
    %add3A_80 = arith.addf %add3A_63, %select_n3A_79 : vector<16xf32>
    %get3A_81 = arith.constant 64 : index
    %get3A_82 = tpu.vector_load %arg8[%get3A_81] {strides = array<i32>} : memref<128xf32, #tpu.memory_space<vmem>>, vector<16xf32>,
    %get3A_83 = vector.shape_cast %get3A_82 : vector<16xf32> to vector<16xf32>
    %eq3A_84 = arith.constant 4.000000e+00 : f32
    %eq3A_85 = vector.broadcast %eq3A_84 : f32 to vector<16xf32>
    %eq3A_86 = arith.cmpf oeq, %get3A_7, %eq3A_85 : vector<16xf32>
    %jit3A_87 = arith.constant 0.000000e+00 : f32
    %broadcast_in_dim3A_88 = vector.broadcast %jit3A_87 : f32 to vector<16xf32>
    %select_n3A_89 = arith.select %eq3A_86, %get3A_83, %broadcast_in_dim3A_88 : vector<16xi1>, vector<16xf32>
    %add3A_90 = arith.addf %add3A_73, %select_n3A_89 : vector<16xf32>
    %eq3A_91 = arith.constant 4.000000e+00 : f32
    %eq3A_92 = vector.broadcast %eq3A_91 : f32 to vector<16xf32>
    %eq3A_93 = arith.cmpf oeq, %get3A_10, %eq3A_92 : vector<16xf32>
    %jit3A_94 = arith.constant 0.000000e+00 : f32
    %broadcast_in_dim3A_95 = vector.broadcast %jit3A_94 : f32 to vector<16xf32>
    %select_n3A_96 = arith.select %eq3A_93, %get3A_83, %broadcast_in_dim3A_95 : vector<16xi1>, vector<16xf32>
    %add3A_97 = arith.addf %add3A_80, %select_n3A_96 : vector<16xf32>
    %get3A_98 = arith.constant 80 : index
    %get3A_99 = tpu.vector_load %arg8[%get3A_98] {strides = array<i32>} : memref<128xf32, #tpu.memory_space<vmem>>, vector<16xf32>,
    %get3A_100 = vector.shape_cast %get3A_99 : vector<16xf32> to vector<16xf32>
    %eq3A_101 = arith.constant 5.000000e+00 : f32
    %eq3A_102 = vector.broadcast %eq3A_101 : f32 to vector<16xf32>
    %eq3A_103 = arith.cmpf oeq, %get3A_7, %eq3A_102 : vector<16xf32>
    %jit3A_104 = arith.constant 0.000000e+00 : f32
    %broadcast_in_dim3A_105 = vector.broadcast %jit3A_104 : f32 to vector<16xf32>
    %select_n3A_106 = arith.select %eq3A_103, %get3A_100, %broadcast_in_dim3A_105 : vector<16xi1>, vector<16xf32>
    %add3A_107 = arith.addf %add3A_90, %select_n3A_106 : vector<16xf32>
    %eq3A_108 = arith.constant 5.000000e+00 : f32
    %eq3A_109 = vector.broadcast %eq3A_108 : f32 to vector<16xf32>
    %eq3A_110 = arith.cmpf oeq, %get3A_10, %eq3A_109 : vector<16xf32>
    %jit3A_111 = arith.constant 0.000000e+00 : f32
    %broadcast_in_dim3A_112 = vector.broadcast %jit3A_111 : f32 to vector<16xf32>
    %select_n3A_113 = arith.select %eq3A_110, %get3A_100, %broadcast_in_dim3A_112 : vector<16xi1>, vector<16xf32>
    %add3A_114 = arith.addf %add3A_97, %select_n3A_113 : vector<16xf32>
    %get3A_115 = arith.constant 96 : index
    %get3A_116 = tpu.vector_load %arg8[%get3A_115] {strides = array<i32>} : memref<128xf32, #tpu.memory_space<vmem>>, vector<16xf32>,
    %get3A_117 = vector.shape_cast %get3A_116 : vector<16xf32> to vector<16xf32>
    %eq3A_118 = arith.constant 6.000000e+00 : f32
    %eq3A_119 = vector.broadcast %eq3A_118 : f32 to vector<16xf32>
    %eq3A_120 = arith.cmpf oeq, %get3A_7, %eq3A_119 : vector<16xf32>
    %jit3A_121 = arith.constant 0.000000e+00 : f32
    %broadcast_in_dim3A_122 = vector.broadcast %jit3A_121 : f32 to vector<16xf32>
    %select_n3A_123 = arith.select %eq3A_120, %get3A_117, %broadcast_in_dim3A_122 : vector<16xi1>, vector<16xf32>
    %add3A_124 = arith.addf %add3A_107, %select_n3A_123 : vector<16xf32>
    %eq3A_125 = arith.constant 6.000000e+00 : f32
    %eq3A_126 = vector.broadcast %eq3A_125 : f32 to vector<16xf32>
    %eq3A_127 = arith.cmpf oeq, %get3A_10, %eq3A_126 : vector<16xf32>
    %jit3A_128 = arith.constant 0.000000e+00 : f32
    %broadcast_in_dim3A_129 = vector.broadcast %jit3A_128 : f32 to vector<16xf32>
    %select_n3A_130 = arith.select %eq3A_127, %get3A_117, %broadcast_in_dim3A_129 : vector<16xi1>, vector<16xf32>
    %add3A_131 = arith.addf %add3A_114, %select_n3A_130 : vector<16xf32>
    %get3A_132 = arith.constant 112 : index
    %get3A_133 = tpu.vector_load %arg8[%get3A_132] {strides = array<i32>} : memref<128xf32, #tpu.memory_space<vmem>>, vector<16xf32>,
    %get3A_134 = vector.shape_cast %get3A_133 : vector<16xf32> to vector<16xf32>
    %eq3A_135 = arith.constant 7.000000e+00 : f32
    %eq3A_136 = vector.broadcast %eq3A_135 : f32 to vector<16xf32>
    %eq3A_137 = arith.cmpf oeq, %get3A_7, %eq3A_136 : vector<16xf32>
    %jit3A_138 = arith.constant 0.000000e+00 : f32
    %broadcast_in_dim3A_139 = vector.broadcast %jit3A_138 : f32 to vector<16xf32>
    %select_n3A_140 = arith.select %eq3A_137, %get3A_134, %broadcast_in_dim3A_139 : vector<16xi1>, vector<16xf32>
    %add3A_141 = arith.addf %add3A_124, %select_n3A_140 : vector<16xf32>
    %eq3A_142 = arith.constant 7.000000e+00 : f32
    %eq3A_143 = vector.broadcast %eq3A_142 : f32 to vector<16xf32>
    %eq3A_144 = arith.cmpf oeq, %get3A_10, %eq3A_143 : vector<16xf32>
    %jit3A_145 = arith.constant 0.000000e+00 : f32
    %broadcast_in_dim3A_146 = vector.broadcast %jit3A_145 : f32 to vector<16xf32>
    %select_n3A_147 = arith.select %eq3A_144, %get3A_134, %broadcast_in_dim3A_146 : vector<16xi1>, vector<16xf32>
    %add3A_148 = arith.addf %add3A_131, %select_n3A_147 : vector<16xf32>
    %convert_element_type3A = arith.fptosi %add3A_141 : vector<16xf32> to vector<16xi32>
    %convert_element_type3A_149 = arith.fptosi %add3A_148 : vector<16xf32> to vector<16xi32>
    %swap3A = arith.constant 0 : index
    %swap3A_150 = tpu.vector_load %arg9[%swap3A] {strides = array<i32>} : memref<128xi32, #tpu.memory_space<vmem>>, vector<16xi32>,
    %swap3A_151 = vector.shape_cast %swap3A_150 : vector<16xi32> to vector<16xi32>
    %swap3A_152 = vector.shape_cast %convert_element_type3A : vector<16xi32> to vector<16xi32>
    tpu.vector_store %arg9[%swap3A], %swap3A_152 {strides = array<i32>} : memref<128xi32, #tpu.memory_space<vmem>>, vector<16xi32>,
    %swap3A_153 = arith.constant 64 : index
    %swap3A_154 = tpu.vector_load %arg9[%swap3A_153] {strides = array<i32>} : memref<128xi32, #tpu.memory_space<vmem>>, vector<16xi32>,
    %swap3A_155 = vector.shape_cast %swap3A_154 : vector<16xi32> to vector<16xi32>
    %swap3A_156 = vector.shape_cast %convert_element_type3A_149 : vector<16xi32> to vector<16xi32>
    tpu.vector_store %arg9[%swap3A_153], %swap3A_156 {strides = array<i32>} : memref<128xi32, #tpu.memory_space<vmem>>, vector<16xi32>,
    %get3A_157 = arith.constant 16 : index
    %get3A_158 = tpu.vector_load %arg7[%get3A_157] {strides = array<i32>} : memref<256xf32, #tpu.memory_space<vmem>>, vector<16xf32>,
    %get3A_159 = vector.shape_cast %get3A_158 : vector<16xf32> to vector<16xf32>
    %get3A_160 = arith.constant 80 : index
    %get3A_161 = tpu.vector_load %arg7[%get3A_160] {strides = array<i32>} : memref<256xf32, #tpu.memory_space<vmem>>, vector<16xf32>,
    %get3A_162 = vector.shape_cast %get3A_161 : vector<16xf32> to vector<16xf32>
    %get3A_163 = arith.constant 144 : index
    %get3A_164 = tpu.vector_load %arg7[%get3A_163] {strides = array<i32>} : memref<256xf32, #tpu.memory_space<vmem>>, vector<16xf32>,
    %get3A_165 = vector.shape_cast %get3A_164 : vector<16xf32> to vector<16xf32>
    %get3A_166 = arith.constant 208 : index
    %get3A_167 = tpu.vector_load %arg7[%get3A_166] {strides = array<i32>} : memref<256xf32, #tpu.memory_space<vmem>>, vector<16xf32>,
    %get3A_168 = vector.shape_cast %get3A_167 : vector<16xf32> to vector<16xf32>
    %get3A_169 = arith.constant 0 : index
    %get3A_170 = tpu.vector_load %arg8[%get3A_169] {strides = array<i32>} : memref<128xf32, #tpu.memory_space<vmem>>, vector<16xf32>,
    %get3A_171 = vector.shape_cast %get3A_170 : vector<16xf32> to vector<16xf32>
    %eq3A_172 = arith.constant 0.000000e+00 : f32
    %eq3A_173 = vector.broadcast %eq3A_172 : f32 to vector<16xf32>
    %eq3A_174 = arith.cmpf oeq, %get3A_159, %eq3A_173 : vector<16xf32>
    %jit3A_175 = arith.constant 0.000000e+00 : f32
    %broadcast_in_dim3A_176 = vector.broadcast %jit3A_175 : f32 to vector<16xf32>
    %select_n3A_177 = arith.select %eq3A_174, %get3A_171, %broadcast_in_dim3A_176 : vector<16xi1>, vector<16xf32>
    %add3A_178 = arith.addf %get3A_165, %select_n3A_177 : vector<16xf32>
    %eq3A_179 = arith.constant 0.000000e+00 : f32
    %eq3A_180 = vector.broadcast %eq3A_179 : f32 to vector<16xf32>
    %eq3A_181 = arith.cmpf oeq, %get3A_162, %eq3A_180 : vector<16xf32>
    %jit3A_182 = arith.constant 0.000000e+00 : f32
    %broadcast_in_dim3A_183 = vector.broadcast %jit3A_182 : f32 to vector<16xf32>
    %select_n3A_184 = arith.select %eq3A_181, %get3A_171, %broadcast_in_dim3A_183 : vector<16xi1>, vector<16xf32>
    %add3A_185 = arith.addf %get3A_168, %select_n3A_184 : vector<16xf32>
    %get3A_186 = arith.constant 16 : index
    %get3A_187 = tpu.vector_load %arg8[%get3A_186] {strides = array<i32>} : memref<128xf32, #tpu.memory_space<vmem>>, vector<16xf32>,
    %get3A_188 = vector.shape_cast %get3A_187 : vector<16xf32> to vector<16xf32>
    %eq3A_189 = arith.constant 1.000000e+00 : f32
    %eq3A_190 = vector.broadcast %eq3A_189 : f32 to vector<16xf32>
    %eq3A_191 = arith.cmpf oeq, %get3A_159, %eq3A_190 : vector<16xf32>
    %jit3A_192 = arith.constant 0.000000e+00 : f32
    %broadcast_in_dim3A_193 = vector.broadcast %jit3A_192 : f32 to vector<16xf32>
    %select_n3A_194 = arith.select %eq3A_191, %get3A_188, %broadcast_in_dim3A_193 : vector<16xi1>, vector<16xf32>
    %add3A_195 = arith.addf %add3A_178, %select_n3A_194 : vector<16xf32>
    %eq3A_196 = arith.constant 1.000000e+00 : f32
    %eq3A_197 = vector.broadcast %eq3A_196 : f32 to vector<16xf32>
    %eq3A_198 = arith.cmpf oeq, %get3A_162, %eq3A_197 : vector<16xf32>
    %jit3A_199 = arith.constant 0.000000e+00 : f32
    %broadcast_in_dim3A_200 = vector.broadcast %jit3A_199 : f32 to vector<16xf32>
    %select_n3A_201 = arith.select %eq3A_198, %get3A_188, %broadcast_in_dim3A_200 : vector<16xi1>, vector<16xf32>
    %add3A_202 = arith.addf %add3A_185, %select_n3A_201 : vector<16xf32>
    %get3A_203 = arith.constant 32 : index
    %get3A_204 = tpu.vector_load %arg8[%get3A_203] {strides = array<i32>} : memref<128xf32, #tpu.memory_space<vmem>>, vector<16xf32>,
    %get3A_205 = vector.shape_cast %get3A_204 : vector<16xf32> to vector<16xf32>
    %eq3A_206 = arith.constant 2.000000e+00 : f32
    %eq3A_207 = vector.broadcast %eq3A_206 : f32 to vector<16xf32>
    %eq3A_208 = arith.cmpf oeq, %get3A_159, %eq3A_207 : vector<16xf32>
    %jit3A_209 = arith.constant 0.000000e+00 : f32
    %broadcast_in_dim3A_210 = vector.broadcast %jit3A_209 : f32 to vector<16xf32>
    %select_n3A_211 = arith.select %eq3A_208, %get3A_205, %broadcast_in_dim3A_210 : vector<16xi1>, vector<16xf32>
    %add3A_212 = arith.addf %add3A_195, %select_n3A_211 : vector<16xf32>
    %eq3A_213 = arith.constant 2.000000e+00 : f32
    %eq3A_214 = vector.broadcast %eq3A_213 : f32 to vector<16xf32>
    %eq3A_215 = arith.cmpf oeq, %get3A_162, %eq3A_214 : vector<16xf32>
    %jit3A_216 = arith.constant 0.000000e+00 : f32
    %broadcast_in_dim3A_217 = vector.broadcast %jit3A_216 : f32 to vector<16xf32>
    %select_n3A_218 = arith.select %eq3A_215, %get3A_205, %broadcast_in_dim3A_217 : vector<16xi1>, vector<16xf32>
    %add3A_219 = arith.addf %add3A_202, %select_n3A_218 : vector<16xf32>
    %get3A_220 = arith.constant 48 : index
    %get3A_221 = tpu.vector_load %arg8[%get3A_220] {strides = array<i32>} : memref<128xf32, #tpu.memory_space<vmem>>, vector<16xf32>,
    %get3A_222 = vector.shape_cast %get3A_221 : vector<16xf32> to vector<16xf32>
    %eq3A_223 = arith.constant 3.000000e+00 : f32
    %eq3A_224 = vector.broadcast %eq3A_223 : f32 to vector<16xf32>
    %eq3A_225 = arith.cmpf oeq, %get3A_159, %eq3A_224 : vector<16xf32>
    %jit3A_226 = arith.constant 0.000000e+00 : f32
    %broadcast_in_dim3A_227 = vector.broadcast %jit3A_226 : f32 to vector<16xf32>
    %select_n3A_228 = arith.select %eq3A_225, %get3A_222, %broadcast_in_dim3A_227 : vector<16xi1>, vector<16xf32>
    %add3A_229 = arith.addf %add3A_212, %select_n3A_228 : vector<16xf32>
    %eq3A_230 = arith.constant 3.000000e+00 : f32
    %eq3A_231 = vector.broadcast %eq3A_230 : f32 to vector<16xf32>
    %eq3A_232 = arith.cmpf oeq, %get3A_162, %eq3A_231 : vector<16xf32>
    %jit3A_233 = arith.constant 0.000000e+00 : f32
    %broadcast_in_dim3A_234 = vector.broadcast %jit3A_233 : f32 to vector<16xf32>
    %select_n3A_235 = arith.select %eq3A_232, %get3A_222, %broadcast_in_dim3A_234 : vector<16xi1>, vector<16xf32>
    %add3A_236 = arith.addf %add3A_219, %select_n3A_235 : vector<16xf32>
    %get3A_237 = arith.constant 64 : index
    %get3A_238 = tpu.vector_load %arg8[%get3A_237] {strides = array<i32>} : memref<128xf32, #tpu.memory_space<vmem>>, vector<16xf32>,
    %get3A_239 = vector.shape_cast %get3A_238 : vector<16xf32> to vector<16xf32>
    %eq3A_240 = arith.constant 4.000000e+00 : f32
    %eq3A_241 = vector.broadcast %eq3A_240 : f32 to vector<16xf32>
    %eq3A_242 = arith.cmpf oeq, %get3A_159, %eq3A_241 : vector<16xf32>
    %jit3A_243 = arith.constant 0.000000e+00 : f32
    %broadcast_in_dim3A_244 = vector.broadcast %jit3A_243 : f32 to vector<16xf32>
    %select_n3A_245 = arith.select %eq3A_242, %get3A_239, %broadcast_in_dim3A_244 : vector<16xi1>, vector<16xf32>
    %add3A_246 = arith.addf %add3A_229, %select_n3A_245 : vector<16xf32>
    %eq3A_247 = arith.constant 4.000000e+00 : f32
    %eq3A_248 = vector.broadcast %eq3A_247 : f32 to vector<16xf32>
    %eq3A_249 = arith.cmpf oeq, %get3A_162, %eq3A_248 : vector<16xf32>
    %jit3A_250 = arith.constant 0.000000e+00 : f32
    %broadcast_in_dim3A_251 = vector.broadcast %jit3A_250 : f32 to vector<16xf32>
    %select_n3A_252 = arith.select %eq3A_249, %get3A_239, %broadcast_in_dim3A_251 : vector<16xi1>, vector<16xf32>
    %add3A_253 = arith.addf %add3A_236, %select_n3A_252 : vector<16xf32>
    %get3A_254 = arith.constant 80 : index
    %get3A_255 = tpu.vector_load %arg8[%get3A_254] {strides = array<i32>} : memref<128xf32, #tpu.memory_space<vmem>>, vector<16xf32>,
    %get3A_256 = vector.shape_cast %get3A_255 : vector<16xf32> to vector<16xf32>
    %eq3A_257 = arith.constant 5.000000e+00 : f32
    %eq3A_258 = vector.broadcast %eq3A_257 : f32 to vector<16xf32>
    %eq3A_259 = arith.cmpf oeq, %get3A_159, %eq3A_258 : vector<16xf32>
    %jit3A_260 = arith.constant 0.000000e+00 : f32
    %broadcast_in_dim3A_261 = vector.broadcast %jit3A_260 : f32 to vector<16xf32>
    %select_n3A_262 = arith.select %eq3A_259, %get3A_256, %broadcast_in_dim3A_261 : vector<16xi1>, vector<16xf32>
    %add3A_263 = arith.addf %add3A_246, %select_n3A_262 : vector<16xf32>
    %eq3A_264 = arith.constant 5.000000e+00 : f32
    %eq3A_265 = vector.broadcast %eq3A_264 : f32 to vector<16xf32>
    %eq3A_266 = arith.cmpf oeq, %get3A_162, %eq3A_265 : vector<16xf32>
    %jit3A_267 = arith.constant 0.000000e+00 : f32
    %broadcast_in_dim3A_268 = vector.broadcast %jit3A_267 : f32 to vector<16xf32>
    %select_n3A_269 = arith.select %eq3A_266, %get3A_256, %broadcast_in_dim3A_268 : vector<16xi1>, vector<16xf32>
    %add3A_270 = arith.addf %add3A_253, %select_n3A_269 : vector<16xf32>
    %get3A_271 = arith.constant 96 : index
    %get3A_272 = tpu.vector_load %arg8[%get3A_271] {strides = array<i32>} : memref<128xf32, #tpu.memory_space<vmem>>, vector<16xf32>,
    %get3A_273 = vector.shape_cast %get3A_272 : vector<16xf32> to vector<16xf32>
    %eq3A_274 = arith.constant 6.000000e+00 : f32
    %eq3A_275 = vector.broadcast %eq3A_274 : f32 to vector<16xf32>
    %eq3A_276 = arith.cmpf oeq, %get3A_159, %eq3A_275 : vector<16xf32>
    %jit3A_277 = arith.constant 0.000000e+00 : f32
    %broadcast_in_dim3A_278 = vector.broadcast %jit3A_277 : f32 to vector<16xf32>
    %select_n3A_279 = arith.select %eq3A_276, %get3A_273, %broadcast_in_dim3A_278 : vector<16xi1>, vector<16xf32>
    %add3A_280 = arith.addf %add3A_263, %select_n3A_279 : vector<16xf32>
    %eq3A_281 = arith.constant 6.000000e+00 : f32
    %eq3A_282 = vector.broadcast %eq3A_281 : f32 to vector<16xf32>
    %eq3A_283 = arith.cmpf oeq, %get3A_162, %eq3A_282 : vector<16xf32>
    %jit3A_284 = arith.constant 0.000000e+00 : f32
    %broadcast_in_dim3A_285 = vector.broadcast %jit3A_284 : f32 to vector<16xf32>
    %select_n3A_286 = arith.select %eq3A_283, %get3A_273, %broadcast_in_dim3A_285 : vector<16xi1>, vector<16xf32>
    %add3A_287 = arith.addf %add3A_270, %select_n3A_286 : vector<16xf32>
    %get3A_288 = arith.constant 112 : index
    %get3A_289 = tpu.vector_load %arg8[%get3A_288] {strides = array<i32>} : memref<128xf32, #tpu.memory_space<vmem>>, vector<16xf32>,
    %get3A_290 = vector.shape_cast %get3A_289 : vector<16xf32> to vector<16xf32>
    %eq3A_291 = arith.constant 7.000000e+00 : f32
    %eq3A_292 = vector.broadcast %eq3A_291 : f32 to vector<16xf32>
    %eq3A_293 = arith.cmpf oeq, %get3A_159, %eq3A_292 : vector<16xf32>
    %jit3A_294 = arith.constant 0.000000e+00 : f32
    %broadcast_in_dim3A_295 = vector.broadcast %jit3A_294 : f32 to vector<16xf32>
    %select_n3A_296 = arith.select %eq3A_293, %get3A_290, %broadcast_in_dim3A_295 : vector<16xi1>, vector<16xf32>
    %add3A_297 = arith.addf %add3A_280, %select_n3A_296 : vector<16xf32>
    %eq3A_298 = arith.constant 7.000000e+00 : f32
    %eq3A_299 = vector.broadcast %eq3A_298 : f32 to vector<16xf32>
    %eq3A_300 = arith.cmpf oeq, %get3A_162, %eq3A_299 : vector<16xf32>
    %jit3A_301 = arith.constant 0.000000e+00 : f32
    %broadcast_in_dim3A_302 = vector.broadcast %jit3A_301 : f32 to vector<16xf32>
    %select_n3A_303 = arith.select %eq3A_300, %get3A_290, %broadcast_in_dim3A_302 : vector<16xi1>, vector<16xf32>
    %add3A_304 = arith.addf %add3A_287, %select_n3A_303 : vector<16xf32>
    %convert_element_type3A_305 = arith.fptosi %add3A_297 : vector<16xf32> to vector<16xi32>
    %convert_element_type3A_306 = arith.fptosi %add3A_304 : vector<16xf32> to vector<16xi32>
    %swap3A_307 = arith.constant 16 : index
    %swap3A_308 = tpu.vector_load %arg9[%swap3A_307] {strides = array<i32>} : memref<128xi32, #tpu.memory_space<vmem>>, vector<16xi32>,
    %swap3A_309 = vector.shape_cast %swap3A_308 : vector<16xi32> to vector<16xi32>
    %swap3A_310 = vector.shape_cast %convert_element_type3A_305 : vector<16xi32> to vector<16xi32>
    tpu.vector_store %arg9[%swap3A_307], %swap3A_310 {strides = array<i32>} : memref<128xi32, #tpu.memory_space<vmem>>, vector<16xi32>,
    %swap3A_311 = arith.constant 80 : index
    %swap3A_312 = tpu.vector_load %arg9[%swap3A_311] {strides = array<i32>} : memref<128xi32, #tpu.memory_space<vmem>>, vector<16xi32>,
    %swap3A_313 = vector.shape_cast %swap3A_312 : vector<16xi32> to vector<16xi32>
    %swap3A_314 = vector.shape_cast %convert_element_type3A_306 : vector<16xi32> to vector<16xi32>
    tpu.vector_store %arg9[%swap3A_311], %swap3A_314 {strides = array<i32>} : memref<128xi32, #tpu.memory_space<vmem>>, vector<16xi32>,
    %get3A_315 = arith.constant 32 : index
    %get3A_316 = tpu.vector_load %arg7[%get3A_315] {strides = array<i32>} : memref<256xf32, #tpu.memory_space<vmem>>, vector<16xf32>,
    %get3A_317 = vector.shape_cast %get3A_316 : vector<16xf32> to vector<16xf32>
    %get3A_318 = arith.constant 96 : index
    %get3A_319 = tpu.vector_load %arg7[%get3A_318] {strides = array<i32>} : memref<256xf32, #tpu.memory_space<vmem>>, vector<16xf32>,
    %get3A_320 = vector.shape_cast %get3A_319 : vector<16xf32> to vector<16xf32>
    %get3A_321 = arith.constant 160 : index
    %get3A_322 = tpu.vector_load %arg7[%get3A_321] {strides = array<i32>} : memref<256xf32, #tpu.memory_space<vmem>>, vector<16xf32>,
    %get3A_323 = vector.shape_cast %get3A_322 : vector<16xf32> to vector<16xf32>
    %get3A_324 = arith.constant 224 : index
    %get3A_325 = tpu.vector_load %arg7[%get3A_324] {strides = array<i32>} : memref<256xf32, #tpu.memory_space<vmem>>, vector<16xf32>,
    %get3A_326 = vector.shape_cast %get3A_325 : vector<16xf32> to vector<16xf32>
    %get3A_327 = arith.constant 0 : index
    %get3A_328 = tpu.vector_load %arg8[%get3A_327] {strides = array<i32>} : memref<128xf32, #tpu.memory_space<vmem>>, vector<16xf32>,
    %get3A_329 = vector.shape_cast %get3A_328 : vector<16xf32> to vector<16xf32>
    %eq3A_330 = arith.constant 0.000000e+00 : f32
    %eq3A_331 = vector.broadcast %eq3A_330 : f32 to vector<16xf32>
    %eq3A_332 = arith.cmpf oeq, %get3A_317, %eq3A_331 : vector<16xf32>
    %jit3A_333 = arith.constant 0.000000e+00 : f32
    %broadcast_in_dim3A_334 = vector.broadcast %jit3A_333 : f32 to vector<16xf32>
    %select_n3A_335 = arith.select %eq3A_332, %get3A_329, %broadcast_in_dim3A_334 : vector<16xi1>, vector<16xf32>
    %add3A_336 = arith.addf %get3A_323, %select_n3A_335 : vector<16xf32>
    %eq3A_337 = arith.constant 0.000000e+00 : f32
    %eq3A_338 = vector.broadcast %eq3A_337 : f32 to vector<16xf32>
    %eq3A_339 = arith.cmpf oeq, %get3A_320, %eq3A_338 : vector<16xf32>
    %jit3A_340 = arith.constant 0.000000e+00 : f32
    %broadcast_in_dim3A_341 = vector.broadcast %jit3A_340 : f32 to vector<16xf32>
    %select_n3A_342 = arith.select %eq3A_339, %get3A_329, %broadcast_in_dim3A_341 : vector<16xi1>, vector<16xf32>
    %add3A_343 = arith.addf %get3A_326, %select_n3A_342 : vector<16xf32>
    %get3A_344 = arith.constant 16 : index
    %get3A_345 = tpu.vector_load %arg8[%get3A_344] {strides = array<i32>} : memref<128xf32, #tpu.memory_space<vmem>>, vector<16xf32>,
    %get3A_346 = vector.shape_cast %get3A_345 : vector<16xf32> to vector<16xf32>
    %eq3A_347 = arith.constant 1.000000e+00 : f32
    %eq3A_348 = vector.broadcast %eq3A_347 : f32 to vector<16xf32>
    %eq3A_349 = arith.cmpf oeq, %get3A_317, %eq3A_348 : vector<16xf32>
    %jit3A_350 = arith.constant 0.000000e+00 : f32
    %broadcast_in_dim3A_351 = vector.broadcast %jit3A_350 : f32 to vector<16xf32>
    %select_n3A_352 = arith.select %eq3A_349, %get3A_346, %broadcast_in_dim3A_351 : vector<16xi1>, vector<16xf32>
    %add3A_353 = arith.addf %add3A_336, %select_n3A_352 : vector<16xf32>
    %eq3A_354 = arith.constant 1.000000e+00 : f32
    %eq3A_355 = vector.broadcast %eq3A_354 : f32 to vector<16xf32>
    %eq3A_356 = arith.cmpf oeq, %get3A_320, %eq3A_355 : vector<16xf32>
    %jit3A_357 = arith.constant 0.000000e+00 : f32
    %broadcast_in_dim3A_358 = vector.broadcast %jit3A_357 : f32 to vector<16xf32>
    %select_n3A_359 = arith.select %eq3A_356, %get3A_346, %broadcast_in_dim3A_358 : vector<16xi1>, vector<16xf32>
    %add3A_360 = arith.addf %add3A_343, %select_n3A_359 : vector<16xf32>
    %get3A_361 = arith.constant 32 : index
    %get3A_362 = tpu.vector_load %arg8[%get3A_361] {strides = array<i32>} : memref<128xf32, #tpu.memory_space<vmem>>, vector<16xf32>,
    %get3A_363 = vector.shape_cast %get3A_362 : vector<16xf32> to vector<16xf32>
    %eq3A_364 = arith.constant 2.000000e+00 : f32
    %eq3A_365 = vector.broadcast %eq3A_364 : f32 to vector<16xf32>
    %eq3A_366 = arith.cmpf oeq, %get3A_317, %eq3A_365 : vector<16xf32>
    %jit3A_367 = arith.constant 0.000000e+00 : f32
    %broadcast_in_dim3A_368 = vector.broadcast %jit3A_367 : f32 to vector<16xf32>
    %select_n3A_369 = arith.select %eq3A_366, %get3A_363, %broadcast_in_dim3A_368 : vector<16xi1>, vector<16xf32>
    %add3A_370 = arith.addf %add3A_353, %select_n3A_369 : vector<16xf32>
    %eq3A_371 = arith.constant 2.000000e+00 : f32
    %eq3A_372 = vector.broadcast %eq3A_371 : f32 to vector<16xf32>
    %eq3A_373 = arith.cmpf oeq, %get3A_320, %eq3A_372 : vector<16xf32>
    %jit3A_374 = arith.constant 0.000000e+00 : f32
    %broadcast_in_dim3A_375 = vector.broadcast %jit3A_374 : f32 to vector<16xf32>
    %select_n3A_376 = arith.select %eq3A_373, %get3A_363, %broadcast_in_dim3A_375 : vector<16xi1>, vector<16xf32>
    %add3A_377 = arith.addf %add3A_360, %select_n3A_376 : vector<16xf32>
    %get3A_378 = arith.constant 48 : index
    %get3A_379 = tpu.vector_load %arg8[%get3A_378] {strides = array<i32>} : memref<128xf32, #tpu.memory_space<vmem>>, vector<16xf32>,
    %get3A_380 = vector.shape_cast %get3A_379 : vector<16xf32> to vector<16xf32>
    %eq3A_381 = arith.constant 3.000000e+00 : f32
    %eq3A_382 = vector.broadcast %eq3A_381 : f32 to vector<16xf32>
    %eq3A_383 = arith.cmpf oeq, %get3A_317, %eq3A_382 : vector<16xf32>
    %jit3A_384 = arith.constant 0.000000e+00 : f32
    %broadcast_in_dim3A_385 = vector.broadcast %jit3A_384 : f32 to vector<16xf32>
    %select_n3A_386 = arith.select %eq3A_383, %get3A_380, %broadcast_in_dim3A_385 : vector<16xi1>, vector<16xf32>
    %add3A_387 = arith.addf %add3A_370, %select_n3A_386 : vector<16xf32>
    %eq3A_388 = arith.constant 3.000000e+00 : f32
    %eq3A_389 = vector.broadcast %eq3A_388 : f32 to vector<16xf32>
    %eq3A_390 = arith.cmpf oeq, %get3A_320, %eq3A_389 : vector<16xf32>
    %jit3A_391 = arith.constant 0.000000e+00 : f32
    %broadcast_in_dim3A_392 = vector.broadcast %jit3A_391 : f32 to vector<16xf32>
    %select_n3A_393 = arith.select %eq3A_390, %get3A_380, %broadcast_in_dim3A_392 : vector<16xi1>, vector<16xf32>
    %add3A_394 = arith.addf %add3A_377, %select_n3A_393 : vector<16xf32>
    %get3A_395 = arith.constant 64 : index
    %get3A_396 = tpu.vector_load %arg8[%get3A_395] {strides = array<i32>} : memref<128xf32, #tpu.memory_space<vmem>>, vector<16xf32>,
    %get3A_397 = vector.shape_cast %get3A_396 : vector<16xf32> to vector<16xf32>
    %eq3A_398 = arith.constant 4.000000e+00 : f32
    %eq3A_399 = vector.broadcast %eq3A_398 : f32 to vector<16xf32>
    %eq3A_400 = arith.cmpf oeq, %get3A_317, %eq3A_399 : vector<16xf32>
    %jit3A_401 = arith.constant 0.000000e+00 : f32
    %broadcast_in_dim3A_402 = vector.broadcast %jit3A_401 : f32 to vector<16xf32>
    %select_n3A_403 = arith.select %eq3A_400, %get3A_397, %broadcast_in_dim3A_402 : vector<16xi1>, vector<16xf32>
    %add3A_404 = arith.addf %add3A_387, %select_n3A_403 : vector<16xf32>
    %eq3A_405 = arith.constant 4.000000e+00 : f32
    %eq3A_406 = vector.broadcast %eq3A_405 : f32 to vector<16xf32>
    %eq3A_407 = arith.cmpf oeq, %get3A_320, %eq3A_406 : vector<16xf32>
    %jit3A_408 = arith.constant 0.000000e+00 : f32
    %broadcast_in_dim3A_409 = vector.broadcast %jit3A_408 : f32 to vector<16xf32>
    %select_n3A_410 = arith.select %eq3A_407, %get3A_397, %broadcast_in_dim3A_409 : vector<16xi1>, vector<16xf32>
    %add3A_411 = arith.addf %add3A_394, %select_n3A_410 : vector<16xf32>
    %get3A_412 = arith.constant 80 : index
    %get3A_413 = tpu.vector_load %arg8[%get3A_412] {strides = array<i32>} : memref<128xf32, #tpu.memory_space<vmem>>, vector<16xf32>,
    %get3A_414 = vector.shape_cast %get3A_413 : vector<16xf32> to vector<16xf32>
    %eq3A_415 = arith.constant 5.000000e+00 : f32
    %eq3A_416 = vector.broadcast %eq3A_415 : f32 to vector<16xf32>
    %eq3A_417 = arith.cmpf oeq, %get3A_317, %eq3A_416 : vector<16xf32>
    %jit3A_418 = arith.constant 0.000000e+00 : f32
    %broadcast_in_dim3A_419 = vector.broadcast %jit3A_418 : f32 to vector<16xf32>
    %select_n3A_420 = arith.select %eq3A_417, %get3A_414, %broadcast_in_dim3A_419 : vector<16xi1>, vector<16xf32>
    %add3A_421 = arith.addf %add3A_404, %select_n3A_420 : vector<16xf32>
    %eq3A_422 = arith.constant 5.000000e+00 : f32
    %eq3A_423 = vector.broadcast %eq3A_422 : f32 to vector<16xf32>
    %eq3A_424 = arith.cmpf oeq, %get3A_320, %eq3A_423 : vector<16xf32>
    %jit3A_425 = arith.constant 0.000000e+00 : f32
    %broadcast_in_dim3A_426 = vector.broadcast %jit3A_425 : f32 to vector<16xf32>
    %select_n3A_427 = arith.select %eq3A_424, %get3A_414, %broadcast_in_dim3A_426 : vector<16xi1>, vector<16xf32>
    %add3A_428 = arith.addf %add3A_411, %select_n3A_427 : vector<16xf32>
    %get3A_429 = arith.constant 96 : index
    %get3A_430 = tpu.vector_load %arg8[%get3A_429] {strides = array<i32>} : memref<128xf32, #tpu.memory_space<vmem>>, vector<16xf32>,
    %get3A_431 = vector.shape_cast %get3A_430 : vector<16xf32> to vector<16xf32>
    %eq3A_432 = arith.constant 6.000000e+00 : f32
    %eq3A_433 = vector.broadcast %eq3A_432 : f32 to vector<16xf32>
    %eq3A_434 = arith.cmpf oeq, %get3A_317, %eq3A_433 : vector<16xf32>
    %jit3A_435 = arith.constant 0.000000e+00 : f32
    %broadcast_in_dim3A_436 = vector.broadcast %jit3A_435 : f32 to vector<16xf32>
    %select_n3A_437 = arith.select %eq3A_434, %get3A_431, %broadcast_in_dim3A_436 : vector<16xi1>, vector<16xf32>
    %add3A_438 = arith.addf %add3A_421, %select_n3A_437 : vector<16xf32>
    %eq3A_439 = arith.constant 6.000000e+00 : f32
    %eq3A_440 = vector.broadcast %eq3A_439 : f32 to vector<16xf32>
    %eq3A_441 = arith.cmpf oeq, %get3A_320, %eq3A_440 : vector<16xf32>
    %jit3A_442 = arith.constant 0.000000e+00 : f32
    %broadcast_in_dim3A_443 = vector.broadcast %jit3A_442 : f32 to vector<16xf32>
    %select_n3A_444 = arith.select %eq3A_441, %get3A_431, %broadcast_in_dim3A_443 : vector<16xi1>, vector<16xf32>
    %add3A_445 = arith.addf %add3A_428, %select_n3A_444 : vector<16xf32>
    %get3A_446 = arith.constant 112 : index
    %get3A_447 = tpu.vector_load %arg8[%get3A_446] {strides = array<i32>} : memref<128xf32, #tpu.memory_space<vmem>>, vector<16xf32>,
    %get3A_448 = vector.shape_cast %get3A_447 : vector<16xf32> to vector<16xf32>
    %eq3A_449 = arith.constant 7.000000e+00 : f32
    %eq3A_450 = vector.broadcast %eq3A_449 : f32 to vector<16xf32>
    %eq3A_451 = arith.cmpf oeq, %get3A_317, %eq3A_450 : vector<16xf32>
    %jit3A_452 = arith.constant 0.000000e+00 : f32
    %broadcast_in_dim3A_453 = vector.broadcast %jit3A_452 : f32 to vector<16xf32>
    %select_n3A_454 = arith.select %eq3A_451, %get3A_448, %broadcast_in_dim3A_453 : vector<16xi1>, vector<16xf32>
    %add3A_455 = arith.addf %add3A_438, %select_n3A_454 : vector<16xf32>
    %eq3A_456 = arith.constant 7.000000e+00 : f32
    %eq3A_457 = vector.broadcast %eq3A_456 : f32 to vector<16xf32>
    %eq3A_458 = arith.cmpf oeq, %get3A_320, %eq3A_457 : vector<16xf32>
    %jit3A_459 = arith.constant 0.000000e+00 : f32
    %broadcast_in_dim3A_460 = vector.broadcast %jit3A_459 : f32 to vector<16xf32>
    %select_n3A_461 = arith.select %eq3A_458, %get3A_448, %broadcast_in_dim3A_460 : vector<16xi1>, vector<16xf32>
    %add3A_462 = arith.addf %add3A_445, %select_n3A_461 : vector<16xf32>
    %convert_element_type3A_463 = arith.fptosi %add3A_455 : vector<16xf32> to vector<16xi32>
    %convert_element_type3A_464 = arith.fptosi %add3A_462 : vector<16xf32> to vector<16xi32>
    %swap3A_465 = arith.constant 32 : index
    %swap3A_466 = tpu.vector_load %arg9[%swap3A_465] {strides = array<i32>} : memref<128xi32, #tpu.memory_space<vmem>>, vector<16xi32>,
    %swap3A_467 = vector.shape_cast %swap3A_466 : vector<16xi32> to vector<16xi32>
    %swap3A_468 = vector.shape_cast %convert_element_type3A_463 : vector<16xi32> to vector<16xi32>
    tpu.vector_store %arg9[%swap3A_465], %swap3A_468 {strides = array<i32>} : memref<128xi32, #tpu.memory_space<vmem>>, vector<16xi32>,
    %swap3A_469 = arith.constant 96 : index
    %swap3A_470 = tpu.vector_load %arg9[%swap3A_469] {strides = array<i32>} : memref<128xi32, #tpu.memory_space<vmem>>, vector<16xi32>,
    %swap3A_471 = vector.shape_cast %swap3A_470 : vector<16xi32> to vector<16xi32>
    %swap3A_472 = vector.shape_cast %convert_element_type3A_464 : vector<16xi32> to vector<16xi32>
    tpu.vector_store %arg9[%swap3A_469], %swap3A_472 {strides = array<i32>} : memref<128xi32, #tpu.memory_space<vmem>>, vector<16xi32>,
    %get3A_473 = arith.constant 48 : index
    %get3A_474 = tpu.vector_load %arg7[%get3A_473] {strides = array<i32>} : memref<256xf32, #tpu.memory_space<vmem>>, vector<16xf32>,
    %get3A_475 = vector.shape_cast %get3A_474 : vector<16xf32> to vector<16xf32>
    %get3A_476 = arith.constant 112 : index
    %get3A_477 = tpu.vector_load %arg7[%get3A_476] {strides = array<i32>} : memref<256xf32, #tpu.memory_space<vmem>>, vector<16xf32>,
    %get3A_478 = vector.shape_cast %get3A_477 : vector<16xf32> to vector<16xf32>
    %get3A_479 = arith.constant 176 : index
    %get3A_480 = tpu.vector_load %arg7[%get3A_479] {strides = array<i32>} : memref<256xf32, #tpu.memory_space<vmem>>, vector<16xf32>,
    %get3A_481 = vector.shape_cast %get3A_480 : vector<16xf32> to vector<16xf32>
    %get3A_482 = arith.constant 240 : index
    %get3A_483 = tpu.vector_load %arg7[%get3A_482] {strides = array<i32>} : memref<256xf32, #tpu.memory_space<vmem>>, vector<16xf32>,
    %get3A_484 = vector.shape_cast %get3A_483 : vector<16xf32> to vector<16xf32>
    %get3A_485 = arith.constant 0 : index
    %get3A_486 = tpu.vector_load %arg8[%get3A_485] {strides = array<i32>} : memref<128xf32, #tpu.memory_space<vmem>>, vector<16xf32>,
    %get3A_487 = vector.shape_cast %get3A_486 : vector<16xf32> to vector<16xf32>
    %eq3A_488 = arith.constant 0.000000e+00 : f32
    %eq3A_489 = vector.broadcast %eq3A_488 : f32 to vector<16xf32>
    %eq3A_490 = arith.cmpf oeq, %get3A_475, %eq3A_489 : vector<16xf32>
    %jit3A_491 = arith.constant 0.000000e+00 : f32
    %broadcast_in_dim3A_492 = vector.broadcast %jit3A_491 : f32 to vector<16xf32>
    %select_n3A_493 = arith.select %eq3A_490, %get3A_487, %broadcast_in_dim3A_492 : vector<16xi1>, vector<16xf32>
    %add3A_494 = arith.addf %get3A_481, %select_n3A_493 : vector<16xf32>
    %eq3A_495 = arith.constant 0.000000e+00 : f32
    %eq3A_496 = vector.broadcast %eq3A_495 : f32 to vector<16xf32>
    %eq3A_497 = arith.cmpf oeq, %get3A_478, %eq3A_496 : vector<16xf32>
    %jit3A_498 = arith.constant 0.000000e+00 : f32
    %broadcast_in_dim3A_499 = vector.broadcast %jit3A_498 : f32 to vector<16xf32>
    %select_n3A_500 = arith.select %eq3A_497, %get3A_487, %broadcast_in_dim3A_499 : vector<16xi1>, vector<16xf32>
    %add3A_501 = arith.addf %get3A_484, %select_n3A_500 : vector<16xf32>
    %get3A_502 = arith.constant 16 : index
    %get3A_503 = tpu.vector_load %arg8[%get3A_502] {strides = array<i32>} : memref<128xf32, #tpu.memory_space<vmem>>, vector<16xf32>,
    %get3A_504 = vector.shape_cast %get3A_503 : vector<16xf32> to vector<16xf32>
    %eq3A_505 = arith.constant 1.000000e+00 : f32
    %eq3A_506 = vector.broadcast %eq3A_505 : f32 to vector<16xf32>
    %eq3A_507 = arith.cmpf oeq, %get3A_475, %eq3A_506 : vector<16xf32>
    %jit3A_508 = arith.constant 0.000000e+00 : f32
    %broadcast_in_dim3A_509 = vector.broadcast %jit3A_508 : f32 to vector<16xf32>
    %select_n3A_510 = arith.select %eq3A_507, %get3A_504, %broadcast_in_dim3A_509 : vector<16xi1>, vector<16xf32>
    %add3A_511 = arith.addf %add3A_494, %select_n3A_510 : vector<16xf32>
    %eq3A_512 = arith.constant 1.000000e+00 : f32
    %eq3A_513 = vector.broadcast %eq3A_512 : f32 to vector<16xf32>
    %eq3A_514 = arith.cmpf oeq, %get3A_478, %eq3A_513 : vector<16xf32>
    %jit3A_515 = arith.constant 0.000000e+00 : f32
    %broadcast_in_dim3A_516 = vector.broadcast %jit3A_515 : f32 to vector<16xf32>
    %select_n3A_517 = arith.select %eq3A_514, %get3A_504, %broadcast_in_dim3A_516 : vector<16xi1>, vector<16xf32>
    %add3A_518 = arith.addf %add3A_501, %select_n3A_517 : vector<16xf32>
    %get3A_519 = arith.constant 32 : index
    %get3A_520 = tpu.vector_load %arg8[%get3A_519] {strides = array<i32>} : memref<128xf32, #tpu.memory_space<vmem>>, vector<16xf32>,
    %get3A_521 = vector.shape_cast %get3A_520 : vector<16xf32> to vector<16xf32>
    %eq3A_522 = arith.constant 2.000000e+00 : f32
    %eq3A_523 = vector.broadcast %eq3A_522 : f32 to vector<16xf32>
    %eq3A_524 = arith.cmpf oeq, %get3A_475, %eq3A_523 : vector<16xf32>
    %jit3A_525 = arith.constant 0.000000e+00 : f32
    %broadcast_in_dim3A_526 = vector.broadcast %jit3A_525 : f32 to vector<16xf32>
    %select_n3A_527 = arith.select %eq3A_524, %get3A_521, %broadcast_in_dim3A_526 : vector<16xi1>, vector<16xf32>
    %add3A_528 = arith.addf %add3A_511, %select_n3A_527 : vector<16xf32>
    %eq3A_529 = arith.constant 2.000000e+00 : f32
    %eq3A_530 = vector.broadcast %eq3A_529 : f32 to vector<16xf32>
    %eq3A_531 = arith.cmpf oeq, %get3A_478, %eq3A_530 : vector<16xf32>
    %jit3A_532 = arith.constant 0.000000e+00 : f32
    %broadcast_in_dim3A_533 = vector.broadcast %jit3A_532 : f32 to vector<16xf32>
    %select_n3A_534 = arith.select %eq3A_531, %get3A_521, %broadcast_in_dim3A_533 : vector<16xi1>, vector<16xf32>
    %add3A_535 = arith.addf %add3A_518, %select_n3A_534 : vector<16xf32>
    %get3A_536 = arith.constant 48 : index
    %get3A_537 = tpu.vector_load %arg8[%get3A_536] {strides = array<i32>} : memref<128xf32, #tpu.memory_space<vmem>>, vector<16xf32>,
    %get3A_538 = vector.shape_cast %get3A_537 : vector<16xf32> to vector<16xf32>
    %eq3A_539 = arith.constant 3.000000e+00 : f32
    %eq3A_540 = vector.broadcast %eq3A_539 : f32 to vector<16xf32>
    %eq3A_541 = arith.cmpf oeq, %get3A_475, %eq3A_540 : vector<16xf32>
    %jit3A_542 = arith.constant 0.000000e+00 : f32
    %broadcast_in_dim3A_543 = vector.broadcast %jit3A_542 : f32 to vector<16xf32>
    %select_n3A_544 = arith.select %eq3A_541, %get3A_538, %broadcast_in_dim3A_543 : vector<16xi1>, vector<16xf32>
    %add3A_545 = arith.addf %add3A_528, %select_n3A_544 : vector<16xf32>
    %eq3A_546 = arith.constant 3.000000e+00 : f32
    %eq3A_547 = vector.broadcast %eq3A_546 : f32 to vector<16xf32>
    %eq3A_548 = arith.cmpf oeq, %get3A_478, %eq3A_547 : vector<16xf32>
    %jit3A_549 = arith.constant 0.000000e+00 : f32
    %broadcast_in_dim3A_550 = vector.broadcast %jit3A_549 : f32 to vector<16xf32>
    %select_n3A_551 = arith.select %eq3A_548, %get3A_538, %broadcast_in_dim3A_550 : vector<16xi1>, vector<16xf32>
    %add3A_552 = arith.addf %add3A_535, %select_n3A_551 : vector<16xf32>
    %get3A_553 = arith.constant 64 : index
    %get3A_554 = tpu.vector_load %arg8[%get3A_553] {strides = array<i32>} : memref<128xf32, #tpu.memory_space<vmem>>, vector<16xf32>,
    %get3A_555 = vector.shape_cast %get3A_554 : vector<16xf32> to vector<16xf32>
    %eq3A_556 = arith.constant 4.000000e+00 : f32
    %eq3A_557 = vector.broadcast %eq3A_556 : f32 to vector<16xf32>
    %eq3A_558 = arith.cmpf oeq, %get3A_475, %eq3A_557 : vector<16xf32>
    %jit3A_559 = arith.constant 0.000000e+00 : f32
    %broadcast_in_dim3A_560 = vector.broadcast %jit3A_559 : f32 to vector<16xf32>
    %select_n3A_561 = arith.select %eq3A_558, %get3A_555, %broadcast_in_dim3A_560 : vector<16xi1>, vector<16xf32>
    %add3A_562 = arith.addf %add3A_545, %select_n3A_561 : vector<16xf32>
    %eq3A_563 = arith.constant 4.000000e+00 : f32
    %eq3A_564 = vector.broadcast %eq3A_563 : f32 to vector<16xf32>
    %eq3A_565 = arith.cmpf oeq, %get3A_478, %eq3A_564 : vector<16xf32>
    %jit3A_566 = arith.constant 0.000000e+00 : f32
    %broadcast_in_dim3A_567 = vector.broadcast %jit3A_566 : f32 to vector<16xf32>
    %select_n3A_568 = arith.select %eq3A_565, %get3A_555, %broadcast_in_dim3A_567 : vector<16xi1>, vector<16xf32>
    %add3A_569 = arith.addf %add3A_552, %select_n3A_568 : vector<16xf32>
    %get3A_570 = arith.constant 80 : index
    %get3A_571 = tpu.vector_load %arg8[%get3A_570] {strides = array<i32>} : memref<128xf32, #tpu.memory_space<vmem>>, vector<16xf32>,
    %get3A_572 = vector.shape_cast %get3A_571 : vector<16xf32> to vector<16xf32>
    %eq3A_573 = arith.constant 5.000000e+00 : f32
    %eq3A_574 = vector.broadcast %eq3A_573 : f32 to vector<16xf32>
    %eq3A_575 = arith.cmpf oeq, %get3A_475, %eq3A_574 : vector<16xf32>
    %jit3A_576 = arith.constant 0.000000e+00 : f32
    %broadcast_in_dim3A_577 = vector.broadcast %jit3A_576 : f32 to vector<16xf32>
    %select_n3A_578 = arith.select %eq3A_575, %get3A_572, %broadcast_in_dim3A_577 : vector<16xi1>, vector<16xf32>
    %add3A_579 = arith.addf %add3A_562, %select_n3A_578 : vector<16xf32>
    %eq3A_580 = arith.constant 5.000000e+00 : f32
    %eq3A_581 = vector.broadcast %eq3A_580 : f32 to vector<16xf32>
    %eq3A_582 = arith.cmpf oeq, %get3A_478, %eq3A_581 : vector<16xf32>
    %jit3A_583 = arith.constant 0.000000e+00 : f32
    %broadcast_in_dim3A_584 = vector.broadcast %jit3A_583 : f32 to vector<16xf32>
    %select_n3A_585 = arith.select %eq3A_582, %get3A_572, %broadcast_in_dim3A_584 : vector<16xi1>, vector<16xf32>
    %add3A_586 = arith.addf %add3A_569, %select_n3A_585 : vector<16xf32>
    %get3A_587 = arith.constant 96 : index
    %get3A_588 = tpu.vector_load %arg8[%get3A_587] {strides = array<i32>} : memref<128xf32, #tpu.memory_space<vmem>>, vector<16xf32>,
    %get3A_589 = vector.shape_cast %get3A_588 : vector<16xf32> to vector<16xf32>
    %eq3A_590 = arith.constant 6.000000e+00 : f32
    %eq3A_591 = vector.broadcast %eq3A_590 : f32 to vector<16xf32>
    %eq3A_592 = arith.cmpf oeq, %get3A_475, %eq3A_591 : vector<16xf32>
    %jit3A_593 = arith.constant 0.000000e+00 : f32
    %broadcast_in_dim3A_594 = vector.broadcast %jit3A_593 : f32 to vector<16xf32>
    %select_n3A_595 = arith.select %eq3A_592, %get3A_589, %broadcast_in_dim3A_594 : vector<16xi1>, vector<16xf32>
    %add3A_596 = arith.addf %add3A_579, %select_n3A_595 : vector<16xf32>
    %eq3A_597 = arith.constant 6.000000e+00 : f32
    %eq3A_598 = vector.broadcast %eq3A_597 : f32 to vector<16xf32>
    %eq3A_599 = arith.cmpf oeq, %get3A_478, %eq3A_598 : vector<16xf32>
    %jit3A_600 = arith.constant 0.000000e+00 : f32
    %broadcast_in_dim3A_601 = vector.broadcast %jit3A_600 : f32 to vector<16xf32>
    %select_n3A_602 = arith.select %eq3A_599, %get3A_589, %broadcast_in_dim3A_601 : vector<16xi1>, vector<16xf32>
    %add3A_603 = arith.addf %add3A_586, %select_n3A_602 : vector<16xf32>
    %get3A_604 = arith.constant 112 : index
    %get3A_605 = tpu.vector_load %arg8[%get3A_604] {strides = array<i32>} : memref<128xf32, #tpu.memory_space<vmem>>, vector<16xf32>,
    %get3A_606 = vector.shape_cast %get3A_605 : vector<16xf32> to vector<16xf32>
    %eq3A_607 = arith.constant 7.000000e+00 : f32
    %eq3A_608 = vector.broadcast %eq3A_607 : f32 to vector<16xf32>
    %eq3A_609 = arith.cmpf oeq, %get3A_475, %eq3A_608 : vector<16xf32>
    %jit3A_610 = arith.constant 0.000000e+00 : f32
    %broadcast_in_dim3A_611 = vector.broadcast %jit3A_610 : f32 to vector<16xf32>
    %select_n3A_612 = arith.select %eq3A_609, %get3A_606, %broadcast_in_dim3A_611 : vector<16xi1>, vector<16xf32>
    %add3A_613 = arith.addf %add3A_596, %select_n3A_612 : vector<16xf32>
    %eq3A_614 = arith.constant 7.000000e+00 : f32
    %eq3A_615 = vector.broadcast %eq3A_614 : f32 to vector<16xf32>
    %eq3A_616 = arith.cmpf oeq, %get3A_478, %eq3A_615 : vector<16xf32>
    %jit3A_617 = arith.constant 0.000000e+00 : f32
    %broadcast_in_dim3A_618 = vector.broadcast %jit3A_617 : f32 to vector<16xf32>
    %select_n3A_619 = arith.select %eq3A_616, %get3A_606, %broadcast_in_dim3A_618 : vector<16xi1>, vector<16xf32>
    %add3A_620 = arith.addf %add3A_603, %select_n3A_619 : vector<16xf32>
    %convert_element_type3A_621 = arith.fptosi %add3A_613 : vector<16xf32> to vector<16xi32>
    %convert_element_type3A_622 = arith.fptosi %add3A_620 : vector<16xf32> to vector<16xi32>
    %swap3A_623 = arith.constant 48 : index
    %swap3A_624 = tpu.vector_load %arg9[%swap3A_623] {strides = array<i32>} : memref<128xi32, #tpu.memory_space<vmem>>, vector<16xi32>,
    %swap3A_625 = vector.shape_cast %swap3A_624 : vector<16xi32> to vector<16xi32>
    %swap3A_626 = vector.shape_cast %convert_element_type3A_621 : vector<16xi32> to vector<16xi32>
    tpu.vector_store %arg9[%swap3A_623], %swap3A_626 {strides = array<i32>} : memref<128xi32, #tpu.memory_space<vmem>>, vector<16xi32>,
    %swap3A_627 = arith.constant 112 : index
    %swap3A_628 = tpu.vector_load %arg9[%swap3A_627] {strides = array<i32>} : memref<128xi32, #tpu.memory_space<vmem>>, vector<16xi32>,
    %swap3A_629 = vector.shape_cast %swap3A_628 : vector<16xi32> to vector<16xi32>
    %swap3A_630 = vector.shape_cast %convert_element_type3A_622 : vector<16xi32> to vector<16xi32>
    tpu.vector_store %arg9[%swap3A_627], %swap3A_630 {strides = array<i32>} : memref<128xi32, #tpu.memory_space<vmem>>, vector<16xi32>,
    %mul3A_631 = arith.constant 2 : i32
    %mul3A_632 = arith.muli %add3A, %mul3A_631 : i32
    %mul3A_633 = arith.constant 64 : i32
    %mul3A_634 = arith.muli %mul3A_632, %mul3A_633 : i32
    "tpu.region"() ({
      %run_scoped3A_873 = tpu.sem_alloc : memref<!tpu.dma_semaphore, #tpu.memory_space<semaphore_mem>>
      %dma_start3A_874 = tpu.memref_slice %arg6[%mul3A_634] : memref<4096xi32, #tpu.memory_space<hbm>> -> memref<128xi32, #tpu.memory_space<hbm>>
      %dma_start3A_875 = tpu.memref_slice %arg6[%mul3A_634] : memref<4096xi32, #tpu.memory_space<hbm>> -> memref<128xi32, #tpu.memory_space<hbm>>
      tpu.enqueue_dma source(%arg9 : memref<128xi32, #tpu.memory_space<vmem>>) target(%dma_start3A_875 : memref<128xi32, #tpu.memory_space<hbm>>) target_semaphore(%run_scoped3A_873 : memref<!tpu.dma_semaphore, #tpu.memory_space<semaphore_mem>>)
      %dma_wait3A_876 = tpu.memref_slice %arg6[%mul3A_634] : memref<4096xi32, #tpu.memory_space<hbm>> -> memref<128xi32, #tpu.memory_space<hbm>>
      %dma_wait3A_877 = tpu.memref_slice %arg6[%mul3A_634] : memref<4096xi32, #tpu.memory_space<hbm>> -> memref<128xi32, #tpu.memory_space<hbm>>
      tpu.wait_dma2 semaphore(%run_scoped3A_873 : memref<!tpu.dma_semaphore, #tpu.memory_space<semaphore_mem>>) src(%arg9 : memref<128xi32, #tpu.memory_space<vmem>>) dst(%dma_wait3A_877 : memref<128xi32, #tpu.memory_space<hbm>>)
      tpu.yield
    }) : () -> ()
    %add3A_635 = arith.constant 0 : i32
    %add3A_636 = arith.addi %mul3A_2, %add3A_635 : i32
    %dma_start3A = arith.constant 0 : i32
    %dma_start3A_637 = arith.constant 0 : i32
    %dma_start3A_638 = arith.constant 0 : i32
    %dma_start3A_639 = tpu.memref_slice %arg10[%dma_start3A, %dma_start3A_637, %dma_start3A_638] : memref<2x16x2048xf32, #tpu.memory_space<vmem>> -> memref<1x16x2048xf32, #tpu.memory_space<vmem>>
    %dma_start3A_640 = tpu.memref_squeeze %dma_start3A_639 : memref<1x16x2048xf32, #tpu.memory_space<vmem>> -> memref<16x2048xf32, #tpu.memory_space<vmem>>
    %dma_start3A_641 = arith.constant 0 : i32
    %dma_start3A_642 = tpu.memref_slice %arg2[%add3A_636, %dma_start3A_641] : memref<2048x2048xf32, #tpu.memory_space<hbm>> -> memref<16x2048xf32, #tpu.memory_space<hbm>>
    %dma_start3A_643 = arith.constant 0 : i32
    %dma_start3A_644 = arith.constant 0 : i32
    %dma_start3A_645 = tpu.memref_slice %arg10[%dma_start3A, %dma_start3A_643, %dma_start3A_644] : memref<2x16x2048xf32, #tpu.memory_space<vmem>> -> memref<1x16x2048xf32, #tpu.memory_space<vmem>>
    %dma_start3A_646 = tpu.memref_squeeze %dma_start3A_645 : memref<1x16x2048xf32, #tpu.memory_space<vmem>> -> memref<16x2048xf32, #tpu.memory_space<vmem>>
    %dma_start3A_647 = arith.constant 0 : i32
    %dma_start3A_648 = tpu.memref_slice %arg2[%add3A_636, %dma_start3A_647] : memref<2048x2048xf32, #tpu.memory_space<hbm>> -> memref<16x2048xf32, #tpu.memory_space<hbm>>
    tpu.enqueue_dma source(%dma_start3A_648 : memref<16x2048xf32, #tpu.memory_space<hbm>>) target(%dma_start3A_646 : memref<16x2048xf32, #tpu.memory_space<vmem>>) target_semaphore(%arg11 : memref<!tpu.dma_semaphore, #tpu.memory_space<semaphore_mem>>)
    %dma_wait3A = arith.constant 0 : i32
    %dma_wait3A_649 = arith.constant 0 : i32
    %dma_wait3A_650 = arith.constant 0 : i32
    %dma_wait3A_651 = tpu.memref_slice %arg10[%dma_wait3A, %dma_wait3A_649, %dma_wait3A_650] : memref<2x16x2048xf32, #tpu.memory_space<vmem>> -> memref<1x16x2048xf32, #tpu.memory_space<vmem>>
    %dma_wait3A_652 = tpu.memref_squeeze %dma_wait3A_651 : memref<1x16x2048xf32, #tpu.memory_space<vmem>> -> memref<16x2048xf32, #tpu.memory_space<vmem>>
    %dma_wait3A_653 = arith.constant 0 : i32
    %dma_wait3A_654 = tpu.memref_slice %arg2[%add3A_636, %dma_wait3A_653] : memref<2048x2048xf32, #tpu.memory_space<hbm>> -> memref<16x2048xf32, #tpu.memory_space<hbm>>
    %dma_wait3A_655 = arith.constant 0 : i32
    %dma_wait3A_656 = arith.constant 0 : i32
    %dma_wait3A_657 = tpu.memref_slice %arg10[%dma_wait3A, %dma_wait3A_655, %dma_wait3A_656] : memref<2x16x2048xf32, #tpu.memory_space<vmem>> -> memref<1x16x2048xf32, #tpu.memory_space<vmem>>
    %dma_wait3A_658 = tpu.memref_squeeze %dma_wait3A_657 : memref<1x16x2048xf32, #tpu.memory_space<vmem>> -> memref<16x2048xf32, #tpu.memory_space<vmem>>
    %dma_wait3A_659 = arith.constant 0 : i32
    %dma_wait3A_660 = tpu.memref_slice %arg2[%add3A_636, %dma_wait3A_659] : memref<2048x2048xf32, #tpu.memory_space<hbm>> -> memref<16x2048xf32, #tpu.memory_space<hbm>>
    tpu.wait_dma2 semaphore(%arg11 : memref<!tpu.dma_semaphore, #tpu.memory_space<semaphore_mem>>) src(%dma_wait3A_660 : memref<16x2048xf32, #tpu.memory_space<hbm>>) dst(%dma_wait3A_658 : memref<16x2048xf32, #tpu.memory_space<vmem>>)
    %add3A_661 = arith.constant 16 : i32
    %add3A_662 = arith.addi %mul3A_2, %add3A_661 : i32
    %dma_start3A_663 = arith.constant 1 : i32
    %dma_start3A_664 = arith.constant 0 : i32
    %dma_start3A_665 = arith.constant 0 : i32
    %dma_start3A_666 = tpu.memref_slice %arg10[%dma_start3A_663, %dma_start3A_664, %dma_start3A_665] : memref<2x16x2048xf32, #tpu.memory_space<vmem>> -> memref<1x16x2048xf32, #tpu.memory_space<vmem>>
    %dma_start3A_667 = tpu.memref_squeeze %dma_start3A_666 : memref<1x16x2048xf32, #tpu.memory_space<vmem>> -> memref<16x2048xf32, #tpu.memory_space<vmem>>
    %dma_start3A_668 = arith.constant 0 : i32
    %dma_start3A_669 = tpu.memref_slice %arg2[%add3A_662, %dma_start3A_668] : memref<2048x2048xf32, #tpu.memory_space<hbm>> -> memref<16x2048xf32, #tpu.memory_space<hbm>>
    %dma_start3A_670 = arith.constant 0 : i32
    %dma_start3A_671 = arith.constant 0 : i32
    %dma_start3A_672 = tpu.memref_slice %arg10[%dma_start3A_663, %dma_start3A_670, %dma_start3A_671] : memref<2x16x2048xf32, #tpu.memory_space<vmem>> -> memref<1x16x2048xf32, #tpu.memory_space<vmem>>
    %dma_start3A_673 = tpu.memref_squeeze %dma_start3A_672 : memref<1x16x2048xf32, #tpu.memory_space<vmem>> -> memref<16x2048xf32, #tpu.memory_space<vmem>>
    %dma_start3A_674 = arith.constant 0 : i32
    %dma_start3A_675 = tpu.memref_slice %arg2[%add3A_662, %dma_start3A_674] : memref<2048x2048xf32, #tpu.memory_space<hbm>> -> memref<16x2048xf32, #tpu.memory_space<hbm>>
    tpu.enqueue_dma source(%dma_start3A_675 : memref<16x2048xf32, #tpu.memory_space<hbm>>) target(%dma_start3A_673 : memref<16x2048xf32, #tpu.memory_space<vmem>>) target_semaphore(%arg11 : memref<!tpu.dma_semaphore, #tpu.memory_space<semaphore_mem>>)
    %dma_start3A_676 = arith.constant 0 : i32
    %dma_start3A_677 = arith.constant 0 : i32
    %dma_start3A_678 = arith.constant 0 : i32
    %dma_start3A_679 = tpu.memref_slice %arg10[%dma_start3A_676, %dma_start3A_677, %dma_start3A_678] : memref<2x16x2048xf32, #tpu.memory_space<vmem>> -> memref<1x16x2048xf32, #tpu.memory_space<vmem>>
    %dma_start3A_680 = tpu.memref_squeeze %dma_start3A_679 : memref<1x16x2048xf32, #tpu.memory_space<vmem>> -> memref<16x2048xf32, #tpu.memory_space<vmem>>
    %dma_start3A_681 = arith.constant 0 : i32
    %dma_start3A_682 = arith.constant 0 : i32
    %dma_start3A_683 = tpu.memref_slice %arg5[%dma_start3A_681, %dma_start3A_682] : memref<6144x2048xf32, #tpu.memory_space<hbm>> -> memref<6144x2048xf32, #tpu.memory_space<hbm>>
    tpu.enqueue_indirect_dma source(%dma_start3A_680 : memref<16x2048xf32, #tpu.memory_space<vmem>>) target(%dma_start3A_683 : memref<6144x2048xf32, #tpu.memory_space<hbm>>) offsets(%convert_element_type3A : vector<16xi32>) semaphore(%arg12 : memref<!tpu.dma_semaphore, #tpu.memory_space<semaphore_mem>>)
    %dma_start3A_684 = arith.constant 0 : i32
    %dma_start3A_685 = arith.constant 0 : i32
    %dma_start3A_686 = arith.constant 0 : i32
    %dma_start3A_687 = tpu.memref_slice %arg10[%dma_start3A_684, %dma_start3A_685, %dma_start3A_686] : memref<2x16x2048xf32, #tpu.memory_space<vmem>> -> memref<1x16x2048xf32, #tpu.memory_space<vmem>>
    %dma_start3A_688 = tpu.memref_squeeze %dma_start3A_687 : memref<1x16x2048xf32, #tpu.memory_space<vmem>> -> memref<16x2048xf32, #tpu.memory_space<vmem>>
    %dma_start3A_689 = arith.constant 0 : i32
    %dma_start3A_690 = arith.constant 0 : i32
    %dma_start3A_691 = tpu.memref_slice %arg5[%dma_start3A_689, %dma_start3A_690] : memref<6144x2048xf32, #tpu.memory_space<hbm>> -> memref<6144x2048xf32, #tpu.memory_space<hbm>>
    tpu.enqueue_indirect_dma source(%dma_start3A_688 : memref<16x2048xf32, #tpu.memory_space<vmem>>) target(%dma_start3A_691 : memref<6144x2048xf32, #tpu.memory_space<hbm>>) offsets(%convert_element_type3A_149 : vector<16xi32>) semaphore(%arg12 : memref<!tpu.dma_semaphore, #tpu.memory_space<semaphore_mem>>)
    %dma_wait3A_692 = arith.constant 1 : i32
    %dma_wait3A_693 = arith.constant 0 : i32
    %dma_wait3A_694 = arith.constant 0 : i32
    %dma_wait3A_695 = tpu.memref_slice %arg10[%dma_wait3A_692, %dma_wait3A_693, %dma_wait3A_694] : memref<2x16x2048xf32, #tpu.memory_space<vmem>> -> memref<1x16x2048xf32, #tpu.memory_space<vmem>>
    %dma_wait3A_696 = tpu.memref_squeeze %dma_wait3A_695 : memref<1x16x2048xf32, #tpu.memory_space<vmem>> -> memref<16x2048xf32, #tpu.memory_space<vmem>>
    %dma_wait3A_697 = arith.constant 0 : i32
    %dma_wait3A_698 = tpu.memref_slice %arg2[%add3A_662, %dma_wait3A_697] : memref<2048x2048xf32, #tpu.memory_space<hbm>> -> memref<16x2048xf32, #tpu.memory_space<hbm>>
    %dma_wait3A_699 = arith.constant 0 : i32
    %dma_wait3A_700 = arith.constant 0 : i32
    %dma_wait3A_701 = tpu.memref_slice %arg10[%dma_wait3A_692, %dma_wait3A_699, %dma_wait3A_700] : memref<2x16x2048xf32, #tpu.memory_space<vmem>> -> memref<1x16x2048xf32, #tpu.memory_space<vmem>>
    %dma_wait3A_702 = tpu.memref_squeeze %dma_wait3A_701 : memref<1x16x2048xf32, #tpu.memory_space<vmem>> -> memref<16x2048xf32, #tpu.memory_space<vmem>>
    %dma_wait3A_703 = arith.constant 0 : i32
    %dma_wait3A_704 = tpu.memref_slice %arg2[%add3A_662, %dma_wait3A_703] : memref<2048x2048xf32, #tpu.memory_space<hbm>> -> memref<16x2048xf32, #tpu.memory_space<hbm>>
    tpu.wait_dma2 semaphore(%arg11 : memref<!tpu.dma_semaphore, #tpu.memory_space<semaphore_mem>>) src(%dma_wait3A_704 : memref<16x2048xf32, #tpu.memory_space<hbm>>) dst(%dma_wait3A_702 : memref<16x2048xf32, #tpu.memory_space<vmem>>)
    %dma_wait3A_705 = arith.constant 0 : i32
    %dma_wait3A_706 = arith.constant 0 : i32
    %dma_wait3A_707 = arith.constant 0 : i32
    %dma_wait3A_708 = tpu.memref_slice %arg10[%dma_wait3A_705, %dma_wait3A_706, %dma_wait3A_707] : memref<2x16x2048xf32, #tpu.memory_space<vmem>> -> memref<1x16x2048xf32, #tpu.memory_space<vmem>>
    %dma_wait3A_709 = tpu.memref_squeeze %dma_wait3A_708 : memref<1x16x2048xf32, #tpu.memory_space<vmem>> -> memref<16x2048xf32, #tpu.memory_space<vmem>>
    %dma_wait3A_710 = arith.constant 0 : i32
    %dma_wait3A_711 = arith.constant 0 : i32
    %dma_wait3A_712 = tpu.memref_slice %arg5[%dma_wait3A_710, %dma_wait3A_711] : memref<6144x2048xf32, #tpu.memory_space<hbm>> -> memref<6144x2048xf32, #tpu.memory_space<hbm>>
    tpu.wait_indirect_dma semaphore(%arg12 : memref<!tpu.dma_semaphore, #tpu.memory_space<semaphore_mem>>) src(%dma_wait3A_709 : memref<16x2048xf32, #tpu.memory_space<vmem>>) dst(%dma_wait3A_712 : memref<6144x2048xf32, #tpu.memory_space<hbm>>)
    %dma_wait3A_713 = arith.constant 0 : i32
    %dma_wait3A_714 = arith.constant 0 : i32
    %dma_wait3A_715 = arith.constant 0 : i32
    %dma_wait3A_716 = tpu.memref_slice %arg10[%dma_wait3A_713, %dma_wait3A_714, %dma_wait3A_715] : memref<2x16x2048xf32, #tpu.memory_space<vmem>> -> memref<1x16x2048xf32, #tpu.memory_space<vmem>>
    %dma_wait3A_717 = tpu.memref_squeeze %dma_wait3A_716 : memref<1x16x2048xf32, #tpu.memory_space<vmem>> -> memref<16x2048xf32, #tpu.memory_space<vmem>>
    %dma_wait3A_718 = arith.constant 0 : i32
    %dma_wait3A_719 = arith.constant 0 : i32
    %dma_wait3A_720 = tpu.memref_slice %arg5[%dma_wait3A_718, %dma_wait3A_719] : memref<6144x2048xf32, #tpu.memory_space<hbm>> -> memref<6144x2048xf32, #tpu.memory_space<hbm>>
    tpu.wait_indirect_dma semaphore(%arg12 : memref<!tpu.dma_semaphore, #tpu.memory_space<semaphore_mem>>) src(%dma_wait3A_717 : memref<16x2048xf32, #tpu.memory_space<vmem>>) dst(%dma_wait3A_720 : memref<6144x2048xf32, #tpu.memory_space<hbm>>)
    %add3A_721 = arith.constant 32 : i32
    %add3A_722 = arith.addi %mul3A_2, %add3A_721 : i32
    %dma_start3A_723 = arith.constant 0 : i32
    %dma_start3A_724 = arith.constant 0 : i32
    %dma_start3A_725 = arith.constant 0 : i32
    %dma_start3A_726 = tpu.memref_slice %arg10[%dma_start3A_723, %dma_start3A_724, %dma_start3A_725] : memref<2x16x2048xf32, #tpu.memory_space<vmem>> -> memref<1x16x2048xf32, #tpu.memory_space<vmem>>
    %dma_start3A_727 = tpu.memref_squeeze %dma_start3A_726 : memref<1x16x2048xf32, #tpu.memory_space<vmem>> -> memref<16x2048xf32, #tpu.memory_space<vmem>>
    %dma_start3A_728 = arith.constant 0 : i32
    %dma_start3A_729 = tpu.memref_slice %arg2[%add3A_722, %dma_start3A_728] : memref<2048x2048xf32, #tpu.memory_space<hbm>> -> memref<16x2048xf32, #tpu.memory_space<hbm>>
    %dma_start3A_730 = arith.constant 0 : i32
    %dma_start3A_731 = arith.constant 0 : i32
    %dma_start3A_732 = tpu.memref_slice %arg10[%dma_start3A_723, %dma_start3A_730, %dma_start3A_731] : memref<2x16x2048xf32, #tpu.memory_space<vmem>> -> memref<1x16x2048xf32, #tpu.memory_space<vmem>>
    %dma_start3A_733 = tpu.memref_squeeze %dma_start3A_732 : memref<1x16x2048xf32, #tpu.memory_space<vmem>> -> memref<16x2048xf32, #tpu.memory_space<vmem>>
    %dma_start3A_734 = arith.constant 0 : i32
    %dma_start3A_735 = tpu.memref_slice %arg2[%add3A_722, %dma_start3A_734] : memref<2048x2048xf32, #tpu.memory_space<hbm>> -> memref<16x2048xf32, #tpu.memory_space<hbm>>
    tpu.enqueue_dma source(%dma_start3A_735 : memref<16x2048xf32, #tpu.memory_space<hbm>>) target(%dma_start3A_733 : memref<16x2048xf32, #tpu.memory_space<vmem>>) target_semaphore(%arg11 : memref<!tpu.dma_semaphore, #tpu.memory_space<semaphore_mem>>)
    %dma_start3A_736 = arith.constant 1 : i32
    %dma_start3A_737 = arith.constant 0 : i32
    %dma_start3A_738 = arith.constant 0 : i32
    %dma_start3A_739 = tpu.memref_slice %arg10[%dma_start3A_736, %dma_start3A_737, %dma_start3A_738] : memref<2x16x2048xf32, #tpu.memory_space<vmem>> -> memref<1x16x2048xf32, #tpu.memory_space<vmem>>
    %dma_start3A_740 = tpu.memref_squeeze %dma_start3A_739 : memref<1x16x2048xf32, #tpu.memory_space<vmem>> -> memref<16x2048xf32, #tpu.memory_space<vmem>>
    %dma_start3A_741 = arith.constant 0 : i32
    %dma_start3A_742 = arith.constant 0 : i32
    %dma_start3A_743 = tpu.memref_slice %arg5[%dma_start3A_741, %dma_start3A_742] : memref<6144x2048xf32, #tpu.memory_space<hbm>> -> memref<6144x2048xf32, #tpu.memory_space<hbm>>
    tpu.enqueue_indirect_dma source(%dma_start3A_740 : memref<16x2048xf32, #tpu.memory_space<vmem>>) target(%dma_start3A_743 : memref<6144x2048xf32, #tpu.memory_space<hbm>>) offsets(%convert_element_type3A_305 : vector<16xi32>) semaphore(%arg12 : memref<!tpu.dma_semaphore, #tpu.memory_space<semaphore_mem>>)
    %dma_start3A_744 = arith.constant 1 : i32
    %dma_start3A_745 = arith.constant 0 : i32
    %dma_start3A_746 = arith.constant 0 : i32
    %dma_start3A_747 = tpu.memref_slice %arg10[%dma_start3A_744, %dma_start3A_745, %dma_start3A_746] : memref<2x16x2048xf32, #tpu.memory_space<vmem>> -> memref<1x16x2048xf32, #tpu.memory_space<vmem>>
    %dma_start3A_748 = tpu.memref_squeeze %dma_start3A_747 : memref<1x16x2048xf32, #tpu.memory_space<vmem>> -> memref<16x2048xf32, #tpu.memory_space<vmem>>
    %dma_start3A_749 = arith.constant 0 : i32
    %dma_start3A_750 = arith.constant 0 : i32
    %dma_start3A_751 = tpu.memref_slice %arg5[%dma_start3A_749, %dma_start3A_750] : memref<6144x2048xf32, #tpu.memory_space<hbm>> -> memref<6144x2048xf32, #tpu.memory_space<hbm>>
    tpu.enqueue_indirect_dma source(%dma_start3A_748 : memref<16x2048xf32, #tpu.memory_space<vmem>>) target(%dma_start3A_751 : memref<6144x2048xf32, #tpu.memory_space<hbm>>) offsets(%convert_element_type3A_306 : vector<16xi32>) semaphore(%arg12 : memref<!tpu.dma_semaphore, #tpu.memory_space<semaphore_mem>>)
    %dma_wait3A_752 = arith.constant 0 : i32
    %dma_wait3A_753 = arith.constant 0 : i32
    %dma_wait3A_754 = arith.constant 0 : i32
    %dma_wait3A_755 = tpu.memref_slice %arg10[%dma_wait3A_752, %dma_wait3A_753, %dma_wait3A_754] : memref<2x16x2048xf32, #tpu.memory_space<vmem>> -> memref<1x16x2048xf32, #tpu.memory_space<vmem>>
    %dma_wait3A_756 = tpu.memref_squeeze %dma_wait3A_755 : memref<1x16x2048xf32, #tpu.memory_space<vmem>> -> memref<16x2048xf32, #tpu.memory_space<vmem>>
    %dma_wait3A_757 = arith.constant 0 : i32
    %dma_wait3A_758 = tpu.memref_slice %arg2[%add3A_722, %dma_wait3A_757] : memref<2048x2048xf32, #tpu.memory_space<hbm>> -> memref<16x2048xf32, #tpu.memory_space<hbm>>
    %dma_wait3A_759 = arith.constant 0 : i32
    %dma_wait3A_760 = arith.constant 0 : i32
    %dma_wait3A_761 = tpu.memref_slice %arg10[%dma_wait3A_752, %dma_wait3A_759, %dma_wait3A_760] : memref<2x16x2048xf32, #tpu.memory_space<vmem>> -> memref<1x16x2048xf32, #tpu.memory_space<vmem>>
    %dma_wait3A_762 = tpu.memref_squeeze %dma_wait3A_761 : memref<1x16x2048xf32, #tpu.memory_space<vmem>> -> memref<16x2048xf32, #tpu.memory_space<vmem>>
    %dma_wait3A_763 = arith.constant 0 : i32
    %dma_wait3A_764 = tpu.memref_slice %arg2[%add3A_722, %dma_wait3A_763] : memref<2048x2048xf32, #tpu.memory_space<hbm>> -> memref<16x2048xf32, #tpu.memory_space<hbm>>
    tpu.wait_dma2 semaphore(%arg11 : memref<!tpu.dma_semaphore, #tpu.memory_space<semaphore_mem>>) src(%dma_wait3A_764 : memref<16x2048xf32, #tpu.memory_space<hbm>>) dst(%dma_wait3A_762 : memref<16x2048xf32, #tpu.memory_space<vmem>>)
    %dma_wait3A_765 = arith.constant 1 : i32
    %dma_wait3A_766 = arith.constant 0 : i32
    %dma_wait3A_767 = arith.constant 0 : i32
    %dma_wait3A_768 = tpu.memref_slice %arg10[%dma_wait3A_765, %dma_wait3A_766, %dma_wait3A_767] : memref<2x16x2048xf32, #tpu.memory_space<vmem>> -> memref<1x16x2048xf32, #tpu.memory_space<vmem>>
    %dma_wait3A_769 = tpu.memref_squeeze %dma_wait3A_768 : memref<1x16x2048xf32, #tpu.memory_space<vmem>> -> memref<16x2048xf32, #tpu.memory_space<vmem>>
    %dma_wait3A_770 = arith.constant 0 : i32
    %dma_wait3A_771 = arith.constant 0 : i32
    %dma_wait3A_772 = tpu.memref_slice %arg5[%dma_wait3A_770, %dma_wait3A_771] : memref<6144x2048xf32, #tpu.memory_space<hbm>> -> memref<6144x2048xf32, #tpu.memory_space<hbm>>
    tpu.wait_indirect_dma semaphore(%arg12 : memref<!tpu.dma_semaphore, #tpu.memory_space<semaphore_mem>>) src(%dma_wait3A_769 : memref<16x2048xf32, #tpu.memory_space<vmem>>) dst(%dma_wait3A_772 : memref<6144x2048xf32, #tpu.memory_space<hbm>>)
    %dma_wait3A_773 = arith.constant 1 : i32
    %dma_wait3A_774 = arith.constant 0 : i32
    %dma_wait3A_775 = arith.constant 0 : i32
    %dma_wait3A_776 = tpu.memref_slice %arg10[%dma_wait3A_773, %dma_wait3A_774, %dma_wait3A_775] : memref<2x16x2048xf32, #tpu.memory_space<vmem>> -> memref<1x16x2048xf32, #tpu.memory_space<vmem>>
    %dma_wait3A_777 = tpu.memref_squeeze %dma_wait3A_776 : memref<1x16x2048xf32, #tpu.memory_space<vmem>> -> memref<16x2048xf32, #tpu.memory_space<vmem>>
    %dma_wait3A_778 = arith.constant 0 : i32
    %dma_wait3A_779 = arith.constant 0 : i32
    %dma_wait3A_780 = tpu.memref_slice %arg5[%dma_wait3A_778, %dma_wait3A_779] : memref<6144x2048xf32, #tpu.memory_space<hbm>> -> memref<6144x2048xf32, #tpu.memory_space<hbm>>
    tpu.wait_indirect_dma semaphore(%arg12 : memref<!tpu.dma_semaphore, #tpu.memory_space<semaphore_mem>>) src(%dma_wait3A_777 : memref<16x2048xf32, #tpu.memory_space<vmem>>) dst(%dma_wait3A_780 : memref<6144x2048xf32, #tpu.memory_space<hbm>>)
    %add3A_781 = arith.constant 48 : i32
    %add3A_782 = arith.addi %mul3A_2, %add3A_781 : i32
    %dma_start3A_783 = arith.constant 1 : i32
    %dma_start3A_784 = arith.constant 0 : i32
    %dma_start3A_785 = arith.constant 0 : i32
    %dma_start3A_786 = tpu.memref_slice %arg10[%dma_start3A_783, %dma_start3A_784, %dma_start3A_785] : memref<2x16x2048xf32, #tpu.memory_space<vmem>> -> memref<1x16x2048xf32, #tpu.memory_space<vmem>>
    %dma_start3A_787 = tpu.memref_squeeze %dma_start3A_786 : memref<1x16x2048xf32, #tpu.memory_space<vmem>> -> memref<16x2048xf32, #tpu.memory_space<vmem>>
    %dma_start3A_788 = arith.constant 0 : i32
    %dma_start3A_789 = tpu.memref_slice %arg2[%add3A_782, %dma_start3A_788] : memref<2048x2048xf32, #tpu.memory_space<hbm>> -> memref<16x2048xf32, #tpu.memory_space<hbm>>
    %dma_start3A_790 = arith.constant 0 : i32
    %dma_start3A_791 = arith.constant 0 : i32
    %dma_start3A_792 = tpu.memref_slice %arg10[%dma_start3A_783, %dma_start3A_790, %dma_start3A_791] : memref<2x16x2048xf32, #tpu.memory_space<vmem>> -> memref<1x16x2048xf32, #tpu.memory_space<vmem>>
    %dma_start3A_793 = tpu.memref_squeeze %dma_start3A_792 : memref<1x16x2048xf32, #tpu.memory_space<vmem>> -> memref<16x2048xf32, #tpu.memory_space<vmem>>
    %dma_start3A_794 = arith.constant 0 : i32
    %dma_start3A_795 = tpu.memref_slice %arg2[%add3A_782, %dma_start3A_794] : memref<2048x2048xf32, #tpu.memory_space<hbm>> -> memref<16x2048xf32, #tpu.memory_space<hbm>>
    tpu.enqueue_dma source(%dma_start3A_795 : memref<16x2048xf32, #tpu.memory_space<hbm>>) target(%dma_start3A_793 : memref<16x2048xf32, #tpu.memory_space<vmem>>) target_semaphore(%arg11 : memref<!tpu.dma_semaphore, #tpu.memory_space<semaphore_mem>>)
    %dma_start3A_796 = arith.constant 0 : i32
    %dma_start3A_797 = arith.constant 0 : i32
    %dma_start3A_798 = arith.constant 0 : i32
    %dma_start3A_799 = tpu.memref_slice %arg10[%dma_start3A_796, %dma_start3A_797, %dma_start3A_798] : memref<2x16x2048xf32, #tpu.memory_space<vmem>> -> memref<1x16x2048xf32, #tpu.memory_space<vmem>>
    %dma_start3A_800 = tpu.memref_squeeze %dma_start3A_799 : memref<1x16x2048xf32, #tpu.memory_space<vmem>> -> memref<16x2048xf32, #tpu.memory_space<vmem>>
    %dma_start3A_801 = arith.constant 0 : i32
    %dma_start3A_802 = arith.constant 0 : i32
    %dma_start3A_803 = tpu.memref_slice %arg5[%dma_start3A_801, %dma_start3A_802] : memref<6144x2048xf32, #tpu.memory_space<hbm>> -> memref<6144x2048xf32, #tpu.memory_space<hbm>>
    tpu.enqueue_indirect_dma source(%dma_start3A_800 : memref<16x2048xf32, #tpu.memory_space<vmem>>) target(%dma_start3A_803 : memref<6144x2048xf32, #tpu.memory_space<hbm>>) offsets(%convert_element_type3A_463 : vector<16xi32>) semaphore(%arg12 : memref<!tpu.dma_semaphore, #tpu.memory_space<semaphore_mem>>)
    %dma_start3A_804 = arith.constant 0 : i32
    %dma_start3A_805 = arith.constant 0 : i32
    %dma_start3A_806 = arith.constant 0 : i32
    %dma_start3A_807 = tpu.memref_slice %arg10[%dma_start3A_804, %dma_start3A_805, %dma_start3A_806] : memref<2x16x2048xf32, #tpu.memory_space<vmem>> -> memref<1x16x2048xf32, #tpu.memory_space<vmem>>
    %dma_start3A_808 = tpu.memref_squeeze %dma_start3A_807 : memref<1x16x2048xf32, #tpu.memory_space<vmem>> -> memref<16x2048xf32, #tpu.memory_space<vmem>>
    %dma_start3A_809 = arith.constant 0 : i32
    %dma_start3A_810 = arith.constant 0 : i32
    %dma_start3A_811 = tpu.memref_slice %arg5[%dma_start3A_809, %dma_start3A_810] : memref<6144x2048xf32, #tpu.memory_space<hbm>> -> memref<6144x2048xf32, #tpu.memory_space<hbm>>
    tpu.enqueue_indirect_dma source(%dma_start3A_808 : memref<16x2048xf32, #tpu.memory_space<vmem>>) target(%dma_start3A_811 : memref<6144x2048xf32, #tpu.memory_space<hbm>>) offsets(%convert_element_type3A_464 : vector<16xi32>) semaphore(%arg12 : memref<!tpu.dma_semaphore, #tpu.memory_space<semaphore_mem>>)
    %dma_wait3A_812 = arith.constant 1 : i32
    %dma_wait3A_813 = arith.constant 0 : i32
    %dma_wait3A_814 = arith.constant 0 : i32
    %dma_wait3A_815 = tpu.memref_slice %arg10[%dma_wait3A_812, %dma_wait3A_813, %dma_wait3A_814] : memref<2x16x2048xf32, #tpu.memory_space<vmem>> -> memref<1x16x2048xf32, #tpu.memory_space<vmem>>
    %dma_wait3A_816 = tpu.memref_squeeze %dma_wait3A_815 : memref<1x16x2048xf32, #tpu.memory_space<vmem>> -> memref<16x2048xf32, #tpu.memory_space<vmem>>
    %dma_wait3A_817 = arith.constant 0 : i32
    %dma_wait3A_818 = tpu.memref_slice %arg2[%add3A_782, %dma_wait3A_817] : memref<2048x2048xf32, #tpu.memory_space<hbm>> -> memref<16x2048xf32, #tpu.memory_space<hbm>>
    %dma_wait3A_819 = arith.constant 0 : i32
    %dma_wait3A_820 = arith.constant 0 : i32
    %dma_wait3A_821 = tpu.memref_slice %arg10[%dma_wait3A_812, %dma_wait3A_819, %dma_wait3A_820] : memref<2x16x2048xf32, #tpu.memory_space<vmem>> -> memref<1x16x2048xf32, #tpu.memory_space<vmem>>
    %dma_wait3A_822 = tpu.memref_squeeze %dma_wait3A_821 : memref<1x16x2048xf32, #tpu.memory_space<vmem>> -> memref<16x2048xf32, #tpu.memory_space<vmem>>
    %dma_wait3A_823 = arith.constant 0 : i32
    %dma_wait3A_824 = tpu.memref_slice %arg2[%add3A_782, %dma_wait3A_823] : memref<2048x2048xf32, #tpu.memory_space<hbm>> -> memref<16x2048xf32, #tpu.memory_space<hbm>>
    tpu.wait_dma2 semaphore(%arg11 : memref<!tpu.dma_semaphore, #tpu.memory_space<semaphore_mem>>) src(%dma_wait3A_824 : memref<16x2048xf32, #tpu.memory_space<hbm>>) dst(%dma_wait3A_822 : memref<16x2048xf32, #tpu.memory_space<vmem>>)
    %dma_wait3A_825 = arith.constant 0 : i32
    %dma_wait3A_826 = arith.constant 0 : i32
    %dma_wait3A_827 = arith.constant 0 : i32
    %dma_wait3A_828 = tpu.memref_slice %arg10[%dma_wait3A_825, %dma_wait3A_826, %dma_wait3A_827] : memref<2x16x2048xf32, #tpu.memory_space<vmem>> -> memref<1x16x2048xf32, #tpu.memory_space<vmem>>
    %dma_wait3A_829 = tpu.memref_squeeze %dma_wait3A_828 : memref<1x16x2048xf32, #tpu.memory_space<vmem>> -> memref<16x2048xf32, #tpu.memory_space<vmem>>
    %dma_wait3A_830 = arith.constant 0 : i32
    %dma_wait3A_831 = arith.constant 0 : i32
    %dma_wait3A_832 = tpu.memref_slice %arg5[%dma_wait3A_830, %dma_wait3A_831] : memref<6144x2048xf32, #tpu.memory_space<hbm>> -> memref<6144x2048xf32, #tpu.memory_space<hbm>>
    tpu.wait_indirect_dma semaphore(%arg12 : memref<!tpu.dma_semaphore, #tpu.memory_space<semaphore_mem>>) src(%dma_wait3A_829 : memref<16x2048xf32, #tpu.memory_space<vmem>>) dst(%dma_wait3A_832 : memref<6144x2048xf32, #tpu.memory_space<hbm>>)
    %dma_wait3A_833 = arith.constant 0 : i32
    %dma_wait3A_834 = arith.constant 0 : i32
    %dma_wait3A_835 = arith.constant 0 : i32
    %dma_wait3A_836 = tpu.memref_slice %arg10[%dma_wait3A_833, %dma_wait3A_834, %dma_wait3A_835] : memref<2x16x2048xf32, #tpu.memory_space<vmem>> -> memref<1x16x2048xf32, #tpu.memory_space<vmem>>
    %dma_wait3A_837 = tpu.memref_squeeze %dma_wait3A_836 : memref<1x16x2048xf32, #tpu.memory_space<vmem>> -> memref<16x2048xf32, #tpu.memory_space<vmem>>
    %dma_wait3A_838 = arith.constant 0 : i32
    %dma_wait3A_839 = arith.constant 0 : i32
    %dma_wait3A_840 = tpu.memref_slice %arg5[%dma_wait3A_838, %dma_wait3A_839] : memref<6144x2048xf32, #tpu.memory_space<hbm>> -> memref<6144x2048xf32, #tpu.memory_space<hbm>>
    tpu.wait_indirect_dma semaphore(%arg12 : memref<!tpu.dma_semaphore, #tpu.memory_space<semaphore_mem>>) src(%dma_wait3A_837 : memref<16x2048xf32, #tpu.memory_space<vmem>>) dst(%dma_wait3A_840 : memref<6144x2048xf32, #tpu.memory_space<hbm>>)
    %dma_start3A_841 = arith.constant 1 : i32
    %dma_start3A_842 = arith.constant 0 : i32
    %dma_start3A_843 = arith.constant 0 : i32
    %dma_start3A_844 = tpu.memref_slice %arg10[%dma_start3A_841, %dma_start3A_842, %dma_start3A_843] : memref<2x16x2048xf32, #tpu.memory_space<vmem>> -> memref<1x16x2048xf32, #tpu.memory_space<vmem>>
    %dma_start3A_845 = tpu.memref_squeeze %dma_start3A_844 : memref<1x16x2048xf32, #tpu.memory_space<vmem>> -> memref<16x2048xf32, #tpu.memory_space<vmem>>
    %dma_start3A_846 = arith.constant 0 : i32
    %dma_start3A_847 = arith.constant 0 : i32
    %dma_start3A_848 = tpu.memref_slice %arg5[%dma_start3A_846, %dma_start3A_847] : memref<6144x2048xf32, #tpu.memory_space<hbm>> -> memref<6144x2048xf32, #tpu.memory_space<hbm>>
    tpu.enqueue_indirect_dma source(%dma_start3A_845 : memref<16x2048xf32, #tpu.memory_space<vmem>>) target(%dma_start3A_848 : memref<6144x2048xf32, #tpu.memory_space<hbm>>) offsets(%convert_element_type3A_621 : vector<16xi32>) semaphore(%arg12 : memref<!tpu.dma_semaphore, #tpu.memory_space<semaphore_mem>>)
    %dma_start3A_849 = arith.constant 1 : i32
    %dma_start3A_850 = arith.constant 0 : i32
    %dma_start3A_851 = arith.constant 0 : i32
    %dma_start3A_852 = tpu.memref_slice %arg10[%dma_start3A_849, %dma_start3A_850, %dma_start3A_851] : memref<2x16x2048xf32, #tpu.memory_space<vmem>> -> memref<1x16x2048xf32, #tpu.memory_space<vmem>>
    %dma_start3A_853 = tpu.memref_squeeze %dma_start3A_852 : memref<1x16x2048xf32, #tpu.memory_space<vmem>> -> memref<16x2048xf32, #tpu.memory_space<vmem>>
    %dma_start3A_854 = arith.constant 0 : i32
    %dma_start3A_855 = arith.constant 0 : i32
    %dma_start3A_856 = tpu.memref_slice %arg5[%dma_start3A_854, %dma_start3A_855] : memref<6144x2048xf32, #tpu.memory_space<hbm>> -> memref<6144x2048xf32, #tpu.memory_space<hbm>>
    tpu.enqueue_indirect_dma source(%dma_start3A_853 : memref<16x2048xf32, #tpu.memory_space<vmem>>) target(%dma_start3A_856 : memref<6144x2048xf32, #tpu.memory_space<hbm>>) offsets(%convert_element_type3A_622 : vector<16xi32>) semaphore(%arg12 : memref<!tpu.dma_semaphore, #tpu.memory_space<semaphore_mem>>)
    %dma_wait3A_857 = arith.constant 1 : i32
    %dma_wait3A_858 = arith.constant 0 : i32
    %dma_wait3A_859 = arith.constant 0 : i32
    %dma_wait3A_860 = tpu.memref_slice %arg10[%dma_wait3A_857, %dma_wait3A_858, %dma_wait3A_859] : memref<2x16x2048xf32, #tpu.memory_space<vmem>> -> memref<1x16x2048xf32, #tpu.memory_space<vmem>>
    %dma_wait3A_861 = tpu.memref_squeeze %dma_wait3A_860 : memref<1x16x2048xf32, #tpu.memory_space<vmem>> -> memref<16x2048xf32, #tpu.memory_space<vmem>>
    %dma_wait3A_862 = arith.constant 0 : i32
    %dma_wait3A_863 = arith.constant 0 : i32
    %dma_wait3A_864 = tpu.memref_slice %arg5[%dma_wait3A_862, %dma_wait3A_863] : memref<6144x2048xf32, #tpu.memory_space<hbm>> -> memref<6144x2048xf32, #tpu.memory_space<hbm>>
    tpu.wait_indirect_dma semaphore(%arg12 : memref<!tpu.dma_semaphore, #tpu.memory_space<semaphore_mem>>) src(%dma_wait3A_861 : memref<16x2048xf32, #tpu.memory_space<vmem>>) dst(%dma_wait3A_864 : memref<6144x2048xf32, #tpu.memory_space<hbm>>)
    %dma_wait3A_865 = arith.constant 1 : i32
    %dma_wait3A_866 = arith.constant 0 : i32
    %dma_wait3A_867 = arith.constant 0 : i32
    %dma_wait3A_868 = tpu.memref_slice %arg10[%dma_wait3A_865, %dma_wait3A_866, %dma_wait3A_867] : memref<2x16x2048xf32, #tpu.memory_space<vmem>> -> memref<1x16x2048xf32, #tpu.memory_space<vmem>>
    %dma_wait3A_869 = tpu.memref_squeeze %dma_wait3A_868 : memref<1x16x2048xf32, #tpu.memory_space<vmem>> -> memref<16x2048xf32, #tpu.memory_space<vmem>>
    %dma_wait3A_870 = arith.constant 0 : i32
    %dma_wait3A_871 = arith.constant 0 : i32
    %dma_wait3A_872 = tpu.memref_slice %arg5[%dma_wait3A_870, %dma_wait3A_871] : memref<6144x2048xf32, #tpu.memory_space<hbm>> -> memref<6144x2048xf32, #tpu.memory_space<hbm>>
    tpu.wait_indirect_dma semaphore(%arg12 : memref<!tpu.dma_semaphore, #tpu.memory_space<semaphore_mem>>) src(%dma_wait3A_869 : memref<16x2048xf32, #tpu.memory_space<vmem>>) dst(%dma_wait3A_872 : memref<6144x2048xf32, #tpu.memory_space<hbm>>)
    return
  }
}

#map = affine_map<(d0, d1) -> (0, 0)>
#map1 = affine_map<(d0, d1) -> (0)>
module attributes {stable_mosaic.version = 14 : i64} {
  func.func @_combine_body(%arg0: i32, %arg1: i32, %arg2: memref<6144x2048xf32, #tpu.memory_space<hbm>>, %arg3: memref<4096xi32, #tpu.memory_space<hbm>>, %arg4: memref<2048x2048xf32, #tpu.memory_space<hbm>>, %arg5: memref<2048x2048xf32, #tpu.memory_space<hbm>>, %arg6: memref<128xi32, #tpu.memory_space<vmem>>, %arg7: memref<2x16x2048xf32, #tpu.memory_space<vmem>>, %arg8: memref<!tpu.dma_semaphore, #tpu.memory_space<semaphore_mem>>, %arg9: memref<!tpu.dma_semaphore, #tpu.memory_space<semaphore_mem>>) attributes {dimension_semantics = [#tpu.dimension_semantics<core_parallel>, #tpu.dimension_semantics<subcore_parallel>], iteration_bounds = array<i64: 2, 16>, scalar_prefetch = 0 : i64, scratch_operands = 4 : i64, tpu.core_type = #tpu.core_type<sc_vector_subcore>, window_params = [{transform_indices = #map}, {transform_indices = #map1}, {transform_indices = #map}, {transform_indices = #map}]} {
    %mul3A = arith.constant 2 : i32
    %mul3A_0 = arith.muli %arg1, %mul3A : i32
    %add3A = arith.addi %mul3A_0, %arg0 : i32
    %mul3A_1 = arith.constant 64 : i32
    %mul3A_2 = arith.muli %add3A, %mul3A_1 : i32
    %mul3A_3 = arith.constant 2 : i32
    %mul3A_4 = arith.muli %add3A, %mul3A_3 : i32
    %mul3A_5 = arith.constant 64 : i32
    %mul3A_6 = arith.muli %mul3A_4, %mul3A_5 : i32
    "tpu.region"() ({
      %run_scoped3A = tpu.sem_alloc : memref<!tpu.dma_semaphore, #tpu.memory_space<semaphore_mem>>
      %dma_start3A_380 = tpu.memref_slice %arg3[%mul3A_6] : memref<4096xi32, #tpu.memory_space<hbm>> -> memref<128xi32, #tpu.memory_space<hbm>>
      %dma_start3A_381 = tpu.memref_slice %arg3[%mul3A_6] : memref<4096xi32, #tpu.memory_space<hbm>> -> memref<128xi32, #tpu.memory_space<hbm>>
      tpu.enqueue_dma source(%dma_start3A_381 : memref<128xi32, #tpu.memory_space<hbm>>) target(%arg6 : memref<128xi32, #tpu.memory_space<vmem>>) target_semaphore(%run_scoped3A : memref<!tpu.dma_semaphore, #tpu.memory_space<semaphore_mem>>)
      %dma_wait3A_382 = tpu.memref_slice %arg3[%mul3A_6] : memref<4096xi32, #tpu.memory_space<hbm>> -> memref<128xi32, #tpu.memory_space<hbm>>
      %dma_wait3A_383 = tpu.memref_slice %arg3[%mul3A_6] : memref<4096xi32, #tpu.memory_space<hbm>> -> memref<128xi32, #tpu.memory_space<hbm>>
      tpu.wait_dma2 semaphore(%run_scoped3A : memref<!tpu.dma_semaphore, #tpu.memory_space<semaphore_mem>>) src(%dma_wait3A_383 : memref<128xi32, #tpu.memory_space<hbm>>) dst(%arg6 : memref<128xi32, #tpu.memory_space<vmem>>)
      tpu.yield
    }) : () -> ()
    %get3A = arith.constant 0 : index
    %get3A_7 = tpu.vector_load %arg6[%get3A] {strides = array<i32>} : memref<128xi32, #tpu.memory_space<vmem>>, vector<16xi32>,
    %get3A_8 = vector.shape_cast %get3A_7 : vector<16xi32> to vector<16xi32>
    %dma_start3A = arith.constant 0 : i32
    %dma_start3A_9 = arith.constant 0 : i32
    %dma_start3A_10 = arith.constant 0 : i32
    %dma_start3A_11 = tpu.memref_slice %arg7[%dma_start3A, %dma_start3A_9, %dma_start3A_10] : memref<2x16x2048xf32, #tpu.memory_space<vmem>> -> memref<1x16x2048xf32, #tpu.memory_space<vmem>>
    %dma_start3A_12 = tpu.memref_squeeze %dma_start3A_11 : memref<1x16x2048xf32, #tpu.memory_space<vmem>> -> memref<16x2048xf32, #tpu.memory_space<vmem>>
    %dma_start3A_13 = arith.constant 0 : i32
    %dma_start3A_14 = arith.constant 0 : i32
    %dma_start3A_15 = tpu.memref_slice %arg2[%dma_start3A_13, %dma_start3A_14] : memref<6144x2048xf32, #tpu.memory_space<hbm>> -> memref<6144x2048xf32, #tpu.memory_space<hbm>>
    tpu.enqueue_indirect_dma source(%dma_start3A_15 : memref<6144x2048xf32, #tpu.memory_space<hbm>>) target(%dma_start3A_12 : memref<16x2048xf32, #tpu.memory_space<vmem>>) offsets(%get3A_8 : vector<16xi32>) semaphore(%arg8 : memref<!tpu.dma_semaphore, #tpu.memory_space<semaphore_mem>>)
    %dma_wait3A = arith.constant 0 : i32
    %dma_wait3A_16 = arith.constant 0 : i32
    %dma_wait3A_17 = arith.constant 0 : i32
    %dma_wait3A_18 = tpu.memref_slice %arg7[%dma_wait3A, %dma_wait3A_16, %dma_wait3A_17] : memref<2x16x2048xf32, #tpu.memory_space<vmem>> -> memref<1x16x2048xf32, #tpu.memory_space<vmem>>
    %dma_wait3A_19 = tpu.memref_squeeze %dma_wait3A_18 : memref<1x16x2048xf32, #tpu.memory_space<vmem>> -> memref<16x2048xf32, #tpu.memory_space<vmem>>
    %dma_wait3A_20 = arith.constant 0 : i32
    %dma_wait3A_21 = arith.constant 0 : i32
    %dma_wait3A_22 = tpu.memref_slice %arg2[%dma_wait3A_20, %dma_wait3A_21] : memref<6144x2048xf32, #tpu.memory_space<hbm>> -> memref<6144x2048xf32, #tpu.memory_space<hbm>>
    tpu.wait_indirect_dma semaphore(%arg8 : memref<!tpu.dma_semaphore, #tpu.memory_space<semaphore_mem>>) src(%dma_wait3A_22 : memref<6144x2048xf32, #tpu.memory_space<hbm>>) dst(%dma_wait3A_19 : memref<16x2048xf32, #tpu.memory_space<vmem>>)
    %get3A_23 = arith.constant 16 : index
    %get3A_24 = tpu.vector_load %arg6[%get3A_23] {strides = array<i32>} : memref<128xi32, #tpu.memory_space<vmem>>, vector<16xi32>,
    %get3A_25 = vector.shape_cast %get3A_24 : vector<16xi32> to vector<16xi32>
    %dma_start3A_26 = arith.constant 1 : i32
    %dma_start3A_27 = arith.constant 0 : i32
    %dma_start3A_28 = arith.constant 0 : i32
    %dma_start3A_29 = tpu.memref_slice %arg7[%dma_start3A_26, %dma_start3A_27, %dma_start3A_28] : memref<2x16x2048xf32, #tpu.memory_space<vmem>> -> memref<1x16x2048xf32, #tpu.memory_space<vmem>>
    %dma_start3A_30 = tpu.memref_squeeze %dma_start3A_29 : memref<1x16x2048xf32, #tpu.memory_space<vmem>> -> memref<16x2048xf32, #tpu.memory_space<vmem>>
    %dma_start3A_31 = arith.constant 0 : i32
    %dma_start3A_32 = arith.constant 0 : i32
    %dma_start3A_33 = tpu.memref_slice %arg2[%dma_start3A_31, %dma_start3A_32] : memref<6144x2048xf32, #tpu.memory_space<hbm>> -> memref<6144x2048xf32, #tpu.memory_space<hbm>>
    tpu.enqueue_indirect_dma source(%dma_start3A_33 : memref<6144x2048xf32, #tpu.memory_space<hbm>>) target(%dma_start3A_30 : memref<16x2048xf32, #tpu.memory_space<vmem>>) offsets(%get3A_25 : vector<16xi32>) semaphore(%arg8 : memref<!tpu.dma_semaphore, #tpu.memory_space<semaphore_mem>>)
    %add3A_34 = arith.constant 0 : i32
    %add3A_35 = arith.addi %mul3A_2, %add3A_34 : i32
    %dma_start3A_36 = arith.constant 0 : i32
    %dma_start3A_37 = arith.constant 0 : i32
    %dma_start3A_38 = arith.constant 0 : i32
    %dma_start3A_39 = tpu.memref_slice %arg7[%dma_start3A_36, %dma_start3A_37, %dma_start3A_38] : memref<2x16x2048xf32, #tpu.memory_space<vmem>> -> memref<1x16x2048xf32, #tpu.memory_space<vmem>>
    %dma_start3A_40 = tpu.memref_squeeze %dma_start3A_39 : memref<1x16x2048xf32, #tpu.memory_space<vmem>> -> memref<16x2048xf32, #tpu.memory_space<vmem>>
    %dma_start3A_41 = arith.constant 0 : i32
    %dma_start3A_42 = tpu.memref_slice %arg4[%add3A_35, %dma_start3A_41] : memref<2048x2048xf32, #tpu.memory_space<hbm>> -> memref<16x2048xf32, #tpu.memory_space<hbm>>
    %dma_start3A_43 = arith.constant 0 : i32
    %dma_start3A_44 = tpu.memref_slice %arg4[%add3A_35, %dma_start3A_43] : memref<2048x2048xf32, #tpu.memory_space<hbm>> -> memref<16x2048xf32, #tpu.memory_space<hbm>>
    %dma_start3A_45 = arith.constant 0 : i32
    %dma_start3A_46 = arith.constant 0 : i32
    %dma_start3A_47 = tpu.memref_slice %arg7[%dma_start3A_36, %dma_start3A_45, %dma_start3A_46] : memref<2x16x2048xf32, #tpu.memory_space<vmem>> -> memref<1x16x2048xf32, #tpu.memory_space<vmem>>
    %dma_start3A_48 = tpu.memref_squeeze %dma_start3A_47 : memref<1x16x2048xf32, #tpu.memory_space<vmem>> -> memref<16x2048xf32, #tpu.memory_space<vmem>>
    tpu.enqueue_dma source(%dma_start3A_48 : memref<16x2048xf32, #tpu.memory_space<vmem>>) target(%dma_start3A_44 : memref<16x2048xf32, #tpu.memory_space<hbm>>) target_semaphore(%arg9 : memref<!tpu.dma_semaphore, #tpu.memory_space<semaphore_mem>>)
    %dma_wait3A_49 = arith.constant 1 : i32
    %dma_wait3A_50 = arith.constant 0 : i32
    %dma_wait3A_51 = arith.constant 0 : i32
    %dma_wait3A_52 = tpu.memref_slice %arg7[%dma_wait3A_49, %dma_wait3A_50, %dma_wait3A_51] : memref<2x16x2048xf32, #tpu.memory_space<vmem>> -> memref<1x16x2048xf32, #tpu.memory_space<vmem>>
    %dma_wait3A_53 = tpu.memref_squeeze %dma_wait3A_52 : memref<1x16x2048xf32, #tpu.memory_space<vmem>> -> memref<16x2048xf32, #tpu.memory_space<vmem>>
    %dma_wait3A_54 = arith.constant 0 : i32
    %dma_wait3A_55 = arith.constant 0 : i32
    %dma_wait3A_56 = tpu.memref_slice %arg2[%dma_wait3A_54, %dma_wait3A_55] : memref<6144x2048xf32, #tpu.memory_space<hbm>> -> memref<6144x2048xf32, #tpu.memory_space<hbm>>
    tpu.wait_indirect_dma semaphore(%arg8 : memref<!tpu.dma_semaphore, #tpu.memory_space<semaphore_mem>>) src(%dma_wait3A_56 : memref<6144x2048xf32, #tpu.memory_space<hbm>>) dst(%dma_wait3A_53 : memref<16x2048xf32, #tpu.memory_space<vmem>>)
    %dma_wait3A_57 = arith.constant 0 : i32
    %dma_wait3A_58 = arith.constant 0 : i32
    %dma_wait3A_59 = arith.constant 0 : i32
    %dma_wait3A_60 = tpu.memref_slice %arg7[%dma_wait3A_57, %dma_wait3A_58, %dma_wait3A_59] : memref<2x16x2048xf32, #tpu.memory_space<vmem>> -> memref<1x16x2048xf32, #tpu.memory_space<vmem>>
    %dma_wait3A_61 = tpu.memref_squeeze %dma_wait3A_60 : memref<1x16x2048xf32, #tpu.memory_space<vmem>> -> memref<16x2048xf32, #tpu.memory_space<vmem>>
    %dma_wait3A_62 = arith.constant 0 : i32
    %dma_wait3A_63 = tpu.memref_slice %arg4[%add3A_35, %dma_wait3A_62] : memref<2048x2048xf32, #tpu.memory_space<hbm>> -> memref<16x2048xf32, #tpu.memory_space<hbm>>
    %dma_wait3A_64 = arith.constant 0 : i32
    %dma_wait3A_65 = tpu.memref_slice %arg4[%add3A_35, %dma_wait3A_64] : memref<2048x2048xf32, #tpu.memory_space<hbm>> -> memref<16x2048xf32, #tpu.memory_space<hbm>>
    %dma_wait3A_66 = arith.constant 0 : i32
    %dma_wait3A_67 = arith.constant 0 : i32
    %dma_wait3A_68 = tpu.memref_slice %arg7[%dma_wait3A_57, %dma_wait3A_66, %dma_wait3A_67] : memref<2x16x2048xf32, #tpu.memory_space<vmem>> -> memref<1x16x2048xf32, #tpu.memory_space<vmem>>
    %dma_wait3A_69 = tpu.memref_squeeze %dma_wait3A_68 : memref<1x16x2048xf32, #tpu.memory_space<vmem>> -> memref<16x2048xf32, #tpu.memory_space<vmem>>
    tpu.wait_dma2 semaphore(%arg9 : memref<!tpu.dma_semaphore, #tpu.memory_space<semaphore_mem>>) src(%dma_wait3A_69 : memref<16x2048xf32, #tpu.memory_space<vmem>>) dst(%dma_wait3A_65 : memref<16x2048xf32, #tpu.memory_space<hbm>>)
    %get3A_70 = arith.constant 32 : index
    %get3A_71 = tpu.vector_load %arg6[%get3A_70] {strides = array<i32>} : memref<128xi32, #tpu.memory_space<vmem>>, vector<16xi32>,
    %get3A_72 = vector.shape_cast %get3A_71 : vector<16xi32> to vector<16xi32>
    %dma_start3A_73 = arith.constant 0 : i32
    %dma_start3A_74 = arith.constant 0 : i32
    %dma_start3A_75 = arith.constant 0 : i32
    %dma_start3A_76 = tpu.memref_slice %arg7[%dma_start3A_73, %dma_start3A_74, %dma_start3A_75] : memref<2x16x2048xf32, #tpu.memory_space<vmem>> -> memref<1x16x2048xf32, #tpu.memory_space<vmem>>
    %dma_start3A_77 = tpu.memref_squeeze %dma_start3A_76 : memref<1x16x2048xf32, #tpu.memory_space<vmem>> -> memref<16x2048xf32, #tpu.memory_space<vmem>>
    %dma_start3A_78 = arith.constant 0 : i32
    %dma_start3A_79 = arith.constant 0 : i32
    %dma_start3A_80 = tpu.memref_slice %arg2[%dma_start3A_78, %dma_start3A_79] : memref<6144x2048xf32, #tpu.memory_space<hbm>> -> memref<6144x2048xf32, #tpu.memory_space<hbm>>
    tpu.enqueue_indirect_dma source(%dma_start3A_80 : memref<6144x2048xf32, #tpu.memory_space<hbm>>) target(%dma_start3A_77 : memref<16x2048xf32, #tpu.memory_space<vmem>>) offsets(%get3A_72 : vector<16xi32>) semaphore(%arg8 : memref<!tpu.dma_semaphore, #tpu.memory_space<semaphore_mem>>)
    %add3A_81 = arith.constant 16 : i32
    %add3A_82 = arith.addi %mul3A_2, %add3A_81 : i32
    %dma_start3A_83 = arith.constant 1 : i32
    %dma_start3A_84 = arith.constant 0 : i32
    %dma_start3A_85 = arith.constant 0 : i32
    %dma_start3A_86 = tpu.memref_slice %arg7[%dma_start3A_83, %dma_start3A_84, %dma_start3A_85] : memref<2x16x2048xf32, #tpu.memory_space<vmem>> -> memref<1x16x2048xf32, #tpu.memory_space<vmem>>
    %dma_start3A_87 = tpu.memref_squeeze %dma_start3A_86 : memref<1x16x2048xf32, #tpu.memory_space<vmem>> -> memref<16x2048xf32, #tpu.memory_space<vmem>>
    %dma_start3A_88 = arith.constant 0 : i32
    %dma_start3A_89 = tpu.memref_slice %arg4[%add3A_82, %dma_start3A_88] : memref<2048x2048xf32, #tpu.memory_space<hbm>> -> memref<16x2048xf32, #tpu.memory_space<hbm>>
    %dma_start3A_90 = arith.constant 0 : i32
    %dma_start3A_91 = tpu.memref_slice %arg4[%add3A_82, %dma_start3A_90] : memref<2048x2048xf32, #tpu.memory_space<hbm>> -> memref<16x2048xf32, #tpu.memory_space<hbm>>
    %dma_start3A_92 = arith.constant 0 : i32
    %dma_start3A_93 = arith.constant 0 : i32
    %dma_start3A_94 = tpu.memref_slice %arg7[%dma_start3A_83, %dma_start3A_92, %dma_start3A_93] : memref<2x16x2048xf32, #tpu.memory_space<vmem>> -> memref<1x16x2048xf32, #tpu.memory_space<vmem>>
    %dma_start3A_95 = tpu.memref_squeeze %dma_start3A_94 : memref<1x16x2048xf32, #tpu.memory_space<vmem>> -> memref<16x2048xf32, #tpu.memory_space<vmem>>
    tpu.enqueue_dma source(%dma_start3A_95 : memref<16x2048xf32, #tpu.memory_space<vmem>>) target(%dma_start3A_91 : memref<16x2048xf32, #tpu.memory_space<hbm>>) target_semaphore(%arg9 : memref<!tpu.dma_semaphore, #tpu.memory_space<semaphore_mem>>)
    %dma_wait3A_96 = arith.constant 0 : i32
    %dma_wait3A_97 = arith.constant 0 : i32
    %dma_wait3A_98 = arith.constant 0 : i32
    %dma_wait3A_99 = tpu.memref_slice %arg7[%dma_wait3A_96, %dma_wait3A_97, %dma_wait3A_98] : memref<2x16x2048xf32, #tpu.memory_space<vmem>> -> memref<1x16x2048xf32, #tpu.memory_space<vmem>>
    %dma_wait3A_100 = tpu.memref_squeeze %dma_wait3A_99 : memref<1x16x2048xf32, #tpu.memory_space<vmem>> -> memref<16x2048xf32, #tpu.memory_space<vmem>>
    %dma_wait3A_101 = arith.constant 0 : i32
    %dma_wait3A_102 = arith.constant 0 : i32
    %dma_wait3A_103 = tpu.memref_slice %arg2[%dma_wait3A_101, %dma_wait3A_102] : memref<6144x2048xf32, #tpu.memory_space<hbm>> -> memref<6144x2048xf32, #tpu.memory_space<hbm>>
    tpu.wait_indirect_dma semaphore(%arg8 : memref<!tpu.dma_semaphore, #tpu.memory_space<semaphore_mem>>) src(%dma_wait3A_103 : memref<6144x2048xf32, #tpu.memory_space<hbm>>) dst(%dma_wait3A_100 : memref<16x2048xf32, #tpu.memory_space<vmem>>)
    %dma_wait3A_104 = arith.constant 1 : i32
    %dma_wait3A_105 = arith.constant 0 : i32
    %dma_wait3A_106 = arith.constant 0 : i32
    %dma_wait3A_107 = tpu.memref_slice %arg7[%dma_wait3A_104, %dma_wait3A_105, %dma_wait3A_106] : memref<2x16x2048xf32, #tpu.memory_space<vmem>> -> memref<1x16x2048xf32, #tpu.memory_space<vmem>>
    %dma_wait3A_108 = tpu.memref_squeeze %dma_wait3A_107 : memref<1x16x2048xf32, #tpu.memory_space<vmem>> -> memref<16x2048xf32, #tpu.memory_space<vmem>>
    %dma_wait3A_109 = arith.constant 0 : i32
    %dma_wait3A_110 = tpu.memref_slice %arg4[%add3A_82, %dma_wait3A_109] : memref<2048x2048xf32, #tpu.memory_space<hbm>> -> memref<16x2048xf32, #tpu.memory_space<hbm>>
    %dma_wait3A_111 = arith.constant 0 : i32
    %dma_wait3A_112 = tpu.memref_slice %arg4[%add3A_82, %dma_wait3A_111] : memref<2048x2048xf32, #tpu.memory_space<hbm>> -> memref<16x2048xf32, #tpu.memory_space<hbm>>
    %dma_wait3A_113 = arith.constant 0 : i32
    %dma_wait3A_114 = arith.constant 0 : i32
    %dma_wait3A_115 = tpu.memref_slice %arg7[%dma_wait3A_104, %dma_wait3A_113, %dma_wait3A_114] : memref<2x16x2048xf32, #tpu.memory_space<vmem>> -> memref<1x16x2048xf32, #tpu.memory_space<vmem>>
    %dma_wait3A_116 = tpu.memref_squeeze %dma_wait3A_115 : memref<1x16x2048xf32, #tpu.memory_space<vmem>> -> memref<16x2048xf32, #tpu.memory_space<vmem>>
    tpu.wait_dma2 semaphore(%arg9 : memref<!tpu.dma_semaphore, #tpu.memory_space<semaphore_mem>>) src(%dma_wait3A_116 : memref<16x2048xf32, #tpu.memory_space<vmem>>) dst(%dma_wait3A_112 : memref<16x2048xf32, #tpu.memory_space<hbm>>)
    %get3A_117 = arith.constant 48 : index
    %get3A_118 = tpu.vector_load %arg6[%get3A_117] {strides = array<i32>} : memref<128xi32, #tpu.memory_space<vmem>>, vector<16xi32>,
    %get3A_119 = vector.shape_cast %get3A_118 : vector<16xi32> to vector<16xi32>
    %dma_start3A_120 = arith.constant 1 : i32
    %dma_start3A_121 = arith.constant 0 : i32
    %dma_start3A_122 = arith.constant 0 : i32
    %dma_start3A_123 = tpu.memref_slice %arg7[%dma_start3A_120, %dma_start3A_121, %dma_start3A_122] : memref<2x16x2048xf32, #tpu.memory_space<vmem>> -> memref<1x16x2048xf32, #tpu.memory_space<vmem>>
    %dma_start3A_124 = tpu.memref_squeeze %dma_start3A_123 : memref<1x16x2048xf32, #tpu.memory_space<vmem>> -> memref<16x2048xf32, #tpu.memory_space<vmem>>
    %dma_start3A_125 = arith.constant 0 : i32
    %dma_start3A_126 = arith.constant 0 : i32
    %dma_start3A_127 = tpu.memref_slice %arg2[%dma_start3A_125, %dma_start3A_126] : memref<6144x2048xf32, #tpu.memory_space<hbm>> -> memref<6144x2048xf32, #tpu.memory_space<hbm>>
    tpu.enqueue_indirect_dma source(%dma_start3A_127 : memref<6144x2048xf32, #tpu.memory_space<hbm>>) target(%dma_start3A_124 : memref<16x2048xf32, #tpu.memory_space<vmem>>) offsets(%get3A_119 : vector<16xi32>) semaphore(%arg8 : memref<!tpu.dma_semaphore, #tpu.memory_space<semaphore_mem>>)
    %add3A_128 = arith.constant 32 : i32
    %add3A_129 = arith.addi %mul3A_2, %add3A_128 : i32
    %dma_start3A_130 = arith.constant 0 : i32
    %dma_start3A_131 = arith.constant 0 : i32
    %dma_start3A_132 = arith.constant 0 : i32
    %dma_start3A_133 = tpu.memref_slice %arg7[%dma_start3A_130, %dma_start3A_131, %dma_start3A_132] : memref<2x16x2048xf32, #tpu.memory_space<vmem>> -> memref<1x16x2048xf32, #tpu.memory_space<vmem>>
    %dma_start3A_134 = tpu.memref_squeeze %dma_start3A_133 : memref<1x16x2048xf32, #tpu.memory_space<vmem>> -> memref<16x2048xf32, #tpu.memory_space<vmem>>
    %dma_start3A_135 = arith.constant 0 : i32
    %dma_start3A_136 = tpu.memref_slice %arg4[%add3A_129, %dma_start3A_135] : memref<2048x2048xf32, #tpu.memory_space<hbm>> -> memref<16x2048xf32, #tpu.memory_space<hbm>>
    %dma_start3A_137 = arith.constant 0 : i32
    %dma_start3A_138 = tpu.memref_slice %arg4[%add3A_129, %dma_start3A_137] : memref<2048x2048xf32, #tpu.memory_space<hbm>> -> memref<16x2048xf32, #tpu.memory_space<hbm>>
    %dma_start3A_139 = arith.constant 0 : i32
    %dma_start3A_140 = arith.constant 0 : i32
    %dma_start3A_141 = tpu.memref_slice %arg7[%dma_start3A_130, %dma_start3A_139, %dma_start3A_140] : memref<2x16x2048xf32, #tpu.memory_space<vmem>> -> memref<1x16x2048xf32, #tpu.memory_space<vmem>>
    %dma_start3A_142 = tpu.memref_squeeze %dma_start3A_141 : memref<1x16x2048xf32, #tpu.memory_space<vmem>> -> memref<16x2048xf32, #tpu.memory_space<vmem>>
    tpu.enqueue_dma source(%dma_start3A_142 : memref<16x2048xf32, #tpu.memory_space<vmem>>) target(%dma_start3A_138 : memref<16x2048xf32, #tpu.memory_space<hbm>>) target_semaphore(%arg9 : memref<!tpu.dma_semaphore, #tpu.memory_space<semaphore_mem>>)
    %dma_wait3A_143 = arith.constant 1 : i32
    %dma_wait3A_144 = arith.constant 0 : i32
    %dma_wait3A_145 = arith.constant 0 : i32
    %dma_wait3A_146 = tpu.memref_slice %arg7[%dma_wait3A_143, %dma_wait3A_144, %dma_wait3A_145] : memref<2x16x2048xf32, #tpu.memory_space<vmem>> -> memref<1x16x2048xf32, #tpu.memory_space<vmem>>
    %dma_wait3A_147 = tpu.memref_squeeze %dma_wait3A_146 : memref<1x16x2048xf32, #tpu.memory_space<vmem>> -> memref<16x2048xf32, #tpu.memory_space<vmem>>
    %dma_wait3A_148 = arith.constant 0 : i32
    %dma_wait3A_149 = arith.constant 0 : i32
    %dma_wait3A_150 = tpu.memref_slice %arg2[%dma_wait3A_148, %dma_wait3A_149] : memref<6144x2048xf32, #tpu.memory_space<hbm>> -> memref<6144x2048xf32, #tpu.memory_space<hbm>>
    tpu.wait_indirect_dma semaphore(%arg8 : memref<!tpu.dma_semaphore, #tpu.memory_space<semaphore_mem>>) src(%dma_wait3A_150 : memref<6144x2048xf32, #tpu.memory_space<hbm>>) dst(%dma_wait3A_147 : memref<16x2048xf32, #tpu.memory_space<vmem>>)
    %dma_wait3A_151 = arith.constant 0 : i32
    %dma_wait3A_152 = arith.constant 0 : i32
    %dma_wait3A_153 = arith.constant 0 : i32
    %dma_wait3A_154 = tpu.memref_slice %arg7[%dma_wait3A_151, %dma_wait3A_152, %dma_wait3A_153] : memref<2x16x2048xf32, #tpu.memory_space<vmem>> -> memref<1x16x2048xf32, #tpu.memory_space<vmem>>
    %dma_wait3A_155 = tpu.memref_squeeze %dma_wait3A_154 : memref<1x16x2048xf32, #tpu.memory_space<vmem>> -> memref<16x2048xf32, #tpu.memory_space<vmem>>
    %dma_wait3A_156 = arith.constant 0 : i32
    %dma_wait3A_157 = tpu.memref_slice %arg4[%add3A_129, %dma_wait3A_156] : memref<2048x2048xf32, #tpu.memory_space<hbm>> -> memref<16x2048xf32, #tpu.memory_space<hbm>>
    %dma_wait3A_158 = arith.constant 0 : i32
    %dma_wait3A_159 = tpu.memref_slice %arg4[%add3A_129, %dma_wait3A_158] : memref<2048x2048xf32, #tpu.memory_space<hbm>> -> memref<16x2048xf32, #tpu.memory_space<hbm>>
    %dma_wait3A_160 = arith.constant 0 : i32
    %dma_wait3A_161 = arith.constant 0 : i32
    %dma_wait3A_162 = tpu.memref_slice %arg7[%dma_wait3A_151, %dma_wait3A_160, %dma_wait3A_161] : memref<2x16x2048xf32, #tpu.memory_space<vmem>> -> memref<1x16x2048xf32, #tpu.memory_space<vmem>>
    %dma_wait3A_163 = tpu.memref_squeeze %dma_wait3A_162 : memref<1x16x2048xf32, #tpu.memory_space<vmem>> -> memref<16x2048xf32, #tpu.memory_space<vmem>>
    tpu.wait_dma2 semaphore(%arg9 : memref<!tpu.dma_semaphore, #tpu.memory_space<semaphore_mem>>) src(%dma_wait3A_163 : memref<16x2048xf32, #tpu.memory_space<vmem>>) dst(%dma_wait3A_159 : memref<16x2048xf32, #tpu.memory_space<hbm>>)
    %add3A_164 = arith.constant 48 : i32
    %add3A_165 = arith.addi %mul3A_2, %add3A_164 : i32
    %dma_start3A_166 = arith.constant 1 : i32
    %dma_start3A_167 = arith.constant 0 : i32
    %dma_start3A_168 = arith.constant 0 : i32
    %dma_start3A_169 = tpu.memref_slice %arg7[%dma_start3A_166, %dma_start3A_167, %dma_start3A_168] : memref<2x16x2048xf32, #tpu.memory_space<vmem>> -> memref<1x16x2048xf32, #tpu.memory_space<vmem>>
    %dma_start3A_170 = tpu.memref_squeeze %dma_start3A_169 : memref<1x16x2048xf32, #tpu.memory_space<vmem>> -> memref<16x2048xf32, #tpu.memory_space<vmem>>
    %dma_start3A_171 = arith.constant 0 : i32
    %dma_start3A_172 = tpu.memref_slice %arg4[%add3A_165, %dma_start3A_171] : memref<2048x2048xf32, #tpu.memory_space<hbm>> -> memref<16x2048xf32, #tpu.memory_space<hbm>>
    %dma_start3A_173 = arith.constant 0 : i32
    %dma_start3A_174 = tpu.memref_slice %arg4[%add3A_165, %dma_start3A_173] : memref<2048x2048xf32, #tpu.memory_space<hbm>> -> memref<16x2048xf32, #tpu.memory_space<hbm>>
    %dma_start3A_175 = arith.constant 0 : i32
    %dma_start3A_176 = arith.constant 0 : i32
    %dma_start3A_177 = tpu.memref_slice %arg7[%dma_start3A_166, %dma_start3A_175, %dma_start3A_176] : memref<2x16x2048xf32, #tpu.memory_space<vmem>> -> memref<1x16x2048xf32, #tpu.memory_space<vmem>>
    %dma_start3A_178 = tpu.memref_squeeze %dma_start3A_177 : memref<1x16x2048xf32, #tpu.memory_space<vmem>> -> memref<16x2048xf32, #tpu.memory_space<vmem>>
    tpu.enqueue_dma source(%dma_start3A_178 : memref<16x2048xf32, #tpu.memory_space<vmem>>) target(%dma_start3A_174 : memref<16x2048xf32, #tpu.memory_space<hbm>>) target_semaphore(%arg9 : memref<!tpu.dma_semaphore, #tpu.memory_space<semaphore_mem>>)
    %dma_wait3A_179 = arith.constant 1 : i32
    %dma_wait3A_180 = arith.constant 0 : i32
    %dma_wait3A_181 = arith.constant 0 : i32
    %dma_wait3A_182 = tpu.memref_slice %arg7[%dma_wait3A_179, %dma_wait3A_180, %dma_wait3A_181] : memref<2x16x2048xf32, #tpu.memory_space<vmem>> -> memref<1x16x2048xf32, #tpu.memory_space<vmem>>
    %dma_wait3A_183 = tpu.memref_squeeze %dma_wait3A_182 : memref<1x16x2048xf32, #tpu.memory_space<vmem>> -> memref<16x2048xf32, #tpu.memory_space<vmem>>
    %dma_wait3A_184 = arith.constant 0 : i32
    %dma_wait3A_185 = tpu.memref_slice %arg4[%add3A_165, %dma_wait3A_184] : memref<2048x2048xf32, #tpu.memory_space<hbm>> -> memref<16x2048xf32, #tpu.memory_space<hbm>>
    %dma_wait3A_186 = arith.constant 0 : i32
    %dma_wait3A_187 = tpu.memref_slice %arg4[%add3A_165, %dma_wait3A_186] : memref<2048x2048xf32, #tpu.memory_space<hbm>> -> memref<16x2048xf32, #tpu.memory_space<hbm>>
    %dma_wait3A_188 = arith.constant 0 : i32
    %dma_wait3A_189 = arith.constant 0 : i32
    %dma_wait3A_190 = tpu.memref_slice %arg7[%dma_wait3A_179, %dma_wait3A_188, %dma_wait3A_189] : memref<2x16x2048xf32, #tpu.memory_space<vmem>> -> memref<1x16x2048xf32, #tpu.memory_space<vmem>>
    %dma_wait3A_191 = tpu.memref_squeeze %dma_wait3A_190 : memref<1x16x2048xf32, #tpu.memory_space<vmem>> -> memref<16x2048xf32, #tpu.memory_space<vmem>>
    tpu.wait_dma2 semaphore(%arg9 : memref<!tpu.dma_semaphore, #tpu.memory_space<semaphore_mem>>) src(%dma_wait3A_191 : memref<16x2048xf32, #tpu.memory_space<vmem>>) dst(%dma_wait3A_187 : memref<16x2048xf32, #tpu.memory_space<hbm>>)
    %get3A_192 = arith.constant 64 : index
    %get3A_193 = tpu.vector_load %arg6[%get3A_192] {strides = array<i32>} : memref<128xi32, #tpu.memory_space<vmem>>, vector<16xi32>,
    %get3A_194 = vector.shape_cast %get3A_193 : vector<16xi32> to vector<16xi32>
    %dma_start3A_195 = arith.constant 0 : i32
    %dma_start3A_196 = arith.constant 0 : i32
    %dma_start3A_197 = arith.constant 0 : i32
    %dma_start3A_198 = tpu.memref_slice %arg7[%dma_start3A_195, %dma_start3A_196, %dma_start3A_197] : memref<2x16x2048xf32, #tpu.memory_space<vmem>> -> memref<1x16x2048xf32, #tpu.memory_space<vmem>>
    %dma_start3A_199 = tpu.memref_squeeze %dma_start3A_198 : memref<1x16x2048xf32, #tpu.memory_space<vmem>> -> memref<16x2048xf32, #tpu.memory_space<vmem>>
    %dma_start3A_200 = arith.constant 0 : i32
    %dma_start3A_201 = arith.constant 0 : i32
    %dma_start3A_202 = tpu.memref_slice %arg2[%dma_start3A_200, %dma_start3A_201] : memref<6144x2048xf32, #tpu.memory_space<hbm>> -> memref<6144x2048xf32, #tpu.memory_space<hbm>>
    tpu.enqueue_indirect_dma source(%dma_start3A_202 : memref<6144x2048xf32, #tpu.memory_space<hbm>>) target(%dma_start3A_199 : memref<16x2048xf32, #tpu.memory_space<vmem>>) offsets(%get3A_194 : vector<16xi32>) semaphore(%arg8 : memref<!tpu.dma_semaphore, #tpu.memory_space<semaphore_mem>>)
    %dma_wait3A_203 = arith.constant 0 : i32
    %dma_wait3A_204 = arith.constant 0 : i32
    %dma_wait3A_205 = arith.constant 0 : i32
    %dma_wait3A_206 = tpu.memref_slice %arg7[%dma_wait3A_203, %dma_wait3A_204, %dma_wait3A_205] : memref<2x16x2048xf32, #tpu.memory_space<vmem>> -> memref<1x16x2048xf32, #tpu.memory_space<vmem>>
    %dma_wait3A_207 = tpu.memref_squeeze %dma_wait3A_206 : memref<1x16x2048xf32, #tpu.memory_space<vmem>> -> memref<16x2048xf32, #tpu.memory_space<vmem>>
    %dma_wait3A_208 = arith.constant 0 : i32
    %dma_wait3A_209 = arith.constant 0 : i32
    %dma_wait3A_210 = tpu.memref_slice %arg2[%dma_wait3A_208, %dma_wait3A_209] : memref<6144x2048xf32, #tpu.memory_space<hbm>> -> memref<6144x2048xf32, #tpu.memory_space<hbm>>
    tpu.wait_indirect_dma semaphore(%arg8 : memref<!tpu.dma_semaphore, #tpu.memory_space<semaphore_mem>>) src(%dma_wait3A_210 : memref<6144x2048xf32, #tpu.memory_space<hbm>>) dst(%dma_wait3A_207 : memref<16x2048xf32, #tpu.memory_space<vmem>>)
    %get3A_211 = arith.constant 80 : index
    %get3A_212 = tpu.vector_load %arg6[%get3A_211] {strides = array<i32>} : memref<128xi32, #tpu.memory_space<vmem>>, vector<16xi32>,
    %get3A_213 = vector.shape_cast %get3A_212 : vector<16xi32> to vector<16xi32>
    %dma_start3A_214 = arith.constant 1 : i32
    %dma_start3A_215 = arith.constant 0 : i32
    %dma_start3A_216 = arith.constant 0 : i32
    %dma_start3A_217 = tpu.memref_slice %arg7[%dma_start3A_214, %dma_start3A_215, %dma_start3A_216] : memref<2x16x2048xf32, #tpu.memory_space<vmem>> -> memref<1x16x2048xf32, #tpu.memory_space<vmem>>
    %dma_start3A_218 = tpu.memref_squeeze %dma_start3A_217 : memref<1x16x2048xf32, #tpu.memory_space<vmem>> -> memref<16x2048xf32, #tpu.memory_space<vmem>>
    %dma_start3A_219 = arith.constant 0 : i32
    %dma_start3A_220 = arith.constant 0 : i32
    %dma_start3A_221 = tpu.memref_slice %arg2[%dma_start3A_219, %dma_start3A_220] : memref<6144x2048xf32, #tpu.memory_space<hbm>> -> memref<6144x2048xf32, #tpu.memory_space<hbm>>
    tpu.enqueue_indirect_dma source(%dma_start3A_221 : memref<6144x2048xf32, #tpu.memory_space<hbm>>) target(%dma_start3A_218 : memref<16x2048xf32, #tpu.memory_space<vmem>>) offsets(%get3A_213 : vector<16xi32>) semaphore(%arg8 : memref<!tpu.dma_semaphore, #tpu.memory_space<semaphore_mem>>)
    %add3A_222 = arith.constant 0 : i32
    %add3A_223 = arith.addi %mul3A_2, %add3A_222 : i32
    %dma_start3A_224 = arith.constant 0 : i32
    %dma_start3A_225 = arith.constant 0 : i32
    %dma_start3A_226 = arith.constant 0 : i32
    %dma_start3A_227 = tpu.memref_slice %arg7[%dma_start3A_224, %dma_start3A_225, %dma_start3A_226] : memref<2x16x2048xf32, #tpu.memory_space<vmem>> -> memref<1x16x2048xf32, #tpu.memory_space<vmem>>
    %dma_start3A_228 = tpu.memref_squeeze %dma_start3A_227 : memref<1x16x2048xf32, #tpu.memory_space<vmem>> -> memref<16x2048xf32, #tpu.memory_space<vmem>>
    %dma_start3A_229 = arith.constant 0 : i32
    %dma_start3A_230 = tpu.memref_slice %arg5[%add3A_223, %dma_start3A_229] : memref<2048x2048xf32, #tpu.memory_space<hbm>> -> memref<16x2048xf32, #tpu.memory_space<hbm>>
    %dma_start3A_231 = arith.constant 0 : i32
    %dma_start3A_232 = tpu.memref_slice %arg5[%add3A_223, %dma_start3A_231] : memref<2048x2048xf32, #tpu.memory_space<hbm>> -> memref<16x2048xf32, #tpu.memory_space<hbm>>
    %dma_start3A_233 = arith.constant 0 : i32
    %dma_start3A_234 = arith.constant 0 : i32
    %dma_start3A_235 = tpu.memref_slice %arg7[%dma_start3A_224, %dma_start3A_233, %dma_start3A_234] : memref<2x16x2048xf32, #tpu.memory_space<vmem>> -> memref<1x16x2048xf32, #tpu.memory_space<vmem>>
    %dma_start3A_236 = tpu.memref_squeeze %dma_start3A_235 : memref<1x16x2048xf32, #tpu.memory_space<vmem>> -> memref<16x2048xf32, #tpu.memory_space<vmem>>
    tpu.enqueue_dma source(%dma_start3A_236 : memref<16x2048xf32, #tpu.memory_space<vmem>>) target(%dma_start3A_232 : memref<16x2048xf32, #tpu.memory_space<hbm>>) target_semaphore(%arg9 : memref<!tpu.dma_semaphore, #tpu.memory_space<semaphore_mem>>)
    %dma_wait3A_237 = arith.constant 1 : i32
    %dma_wait3A_238 = arith.constant 0 : i32
    %dma_wait3A_239 = arith.constant 0 : i32
    %dma_wait3A_240 = tpu.memref_slice %arg7[%dma_wait3A_237, %dma_wait3A_238, %dma_wait3A_239] : memref<2x16x2048xf32, #tpu.memory_space<vmem>> -> memref<1x16x2048xf32, #tpu.memory_space<vmem>>
    %dma_wait3A_241 = tpu.memref_squeeze %dma_wait3A_240 : memref<1x16x2048xf32, #tpu.memory_space<vmem>> -> memref<16x2048xf32, #tpu.memory_space<vmem>>
    %dma_wait3A_242 = arith.constant 0 : i32
    %dma_wait3A_243 = arith.constant 0 : i32
    %dma_wait3A_244 = tpu.memref_slice %arg2[%dma_wait3A_242, %dma_wait3A_243] : memref<6144x2048xf32, #tpu.memory_space<hbm>> -> memref<6144x2048xf32, #tpu.memory_space<hbm>>
    tpu.wait_indirect_dma semaphore(%arg8 : memref<!tpu.dma_semaphore, #tpu.memory_space<semaphore_mem>>) src(%dma_wait3A_244 : memref<6144x2048xf32, #tpu.memory_space<hbm>>) dst(%dma_wait3A_241 : memref<16x2048xf32, #tpu.memory_space<vmem>>)
    %dma_wait3A_245 = arith.constant 0 : i32
    %dma_wait3A_246 = arith.constant 0 : i32
    %dma_wait3A_247 = arith.constant 0 : i32
    %dma_wait3A_248 = tpu.memref_slice %arg7[%dma_wait3A_245, %dma_wait3A_246, %dma_wait3A_247] : memref<2x16x2048xf32, #tpu.memory_space<vmem>> -> memref<1x16x2048xf32, #tpu.memory_space<vmem>>
    %dma_wait3A_249 = tpu.memref_squeeze %dma_wait3A_248 : memref<1x16x2048xf32, #tpu.memory_space<vmem>> -> memref<16x2048xf32, #tpu.memory_space<vmem>>
    %dma_wait3A_250 = arith.constant 0 : i32
    %dma_wait3A_251 = tpu.memref_slice %arg5[%add3A_223, %dma_wait3A_250] : memref<2048x2048xf32, #tpu.memory_space<hbm>> -> memref<16x2048xf32, #tpu.memory_space<hbm>>
    %dma_wait3A_252 = arith.constant 0 : i32
    %dma_wait3A_253 = tpu.memref_slice %arg5[%add3A_223, %dma_wait3A_252] : memref<2048x2048xf32, #tpu.memory_space<hbm>> -> memref<16x2048xf32, #tpu.memory_space<hbm>>
    %dma_wait3A_254 = arith.constant 0 : i32
    %dma_wait3A_255 = arith.constant 0 : i32
    %dma_wait3A_256 = tpu.memref_slice %arg7[%dma_wait3A_245, %dma_wait3A_254, %dma_wait3A_255] : memref<2x16x2048xf32, #tpu.memory_space<vmem>> -> memref<1x16x2048xf32, #tpu.memory_space<vmem>>
    %dma_wait3A_257 = tpu.memref_squeeze %dma_wait3A_256 : memref<1x16x2048xf32, #tpu.memory_space<vmem>> -> memref<16x2048xf32, #tpu.memory_space<vmem>>
    tpu.wait_dma2 semaphore(%arg9 : memref<!tpu.dma_semaphore, #tpu.memory_space<semaphore_mem>>) src(%dma_wait3A_257 : memref<16x2048xf32, #tpu.memory_space<vmem>>) dst(%dma_wait3A_253 : memref<16x2048xf32, #tpu.memory_space<hbm>>)
    %get3A_258 = arith.constant 96 : index
    %get3A_259 = tpu.vector_load %arg6[%get3A_258] {strides = array<i32>} : memref<128xi32, #tpu.memory_space<vmem>>, vector<16xi32>,
    %get3A_260 = vector.shape_cast %get3A_259 : vector<16xi32> to vector<16xi32>
    %dma_start3A_261 = arith.constant 0 : i32
    %dma_start3A_262 = arith.constant 0 : i32
    %dma_start3A_263 = arith.constant 0 : i32
    %dma_start3A_264 = tpu.memref_slice %arg7[%dma_start3A_261, %dma_start3A_262, %dma_start3A_263] : memref<2x16x2048xf32, #tpu.memory_space<vmem>> -> memref<1x16x2048xf32, #tpu.memory_space<vmem>>
    %dma_start3A_265 = tpu.memref_squeeze %dma_start3A_264 : memref<1x16x2048xf32, #tpu.memory_space<vmem>> -> memref<16x2048xf32, #tpu.memory_space<vmem>>
    %dma_start3A_266 = arith.constant 0 : i32
    %dma_start3A_267 = arith.constant 0 : i32
    %dma_start3A_268 = tpu.memref_slice %arg2[%dma_start3A_266, %dma_start3A_267] : memref<6144x2048xf32, #tpu.memory_space<hbm>> -> memref<6144x2048xf32, #tpu.memory_space<hbm>>
    tpu.enqueue_indirect_dma source(%dma_start3A_268 : memref<6144x2048xf32, #tpu.memory_space<hbm>>) target(%dma_start3A_265 : memref<16x2048xf32, #tpu.memory_space<vmem>>) offsets(%get3A_260 : vector<16xi32>) semaphore(%arg8 : memref<!tpu.dma_semaphore, #tpu.memory_space<semaphore_mem>>)
    %add3A_269 = arith.constant 16 : i32
    %add3A_270 = arith.addi %mul3A_2, %add3A_269 : i32
    %dma_start3A_271 = arith.constant 1 : i32
    %dma_start3A_272 = arith.constant 0 : i32
    %dma_start3A_273 = arith.constant 0 : i32
    %dma_start3A_274 = tpu.memref_slice %arg7[%dma_start3A_271, %dma_start3A_272, %dma_start3A_273] : memref<2x16x2048xf32, #tpu.memory_space<vmem>> -> memref<1x16x2048xf32, #tpu.memory_space<vmem>>
    %dma_start3A_275 = tpu.memref_squeeze %dma_start3A_274 : memref<1x16x2048xf32, #tpu.memory_space<vmem>> -> memref<16x2048xf32, #tpu.memory_space<vmem>>
    %dma_start3A_276 = arith.constant 0 : i32
    %dma_start3A_277 = tpu.memref_slice %arg5[%add3A_270, %dma_start3A_276] : memref<2048x2048xf32, #tpu.memory_space<hbm>> -> memref<16x2048xf32, #tpu.memory_space<hbm>>
    %dma_start3A_278 = arith.constant 0 : i32
    %dma_start3A_279 = tpu.memref_slice %arg5[%add3A_270, %dma_start3A_278] : memref<2048x2048xf32, #tpu.memory_space<hbm>> -> memref<16x2048xf32, #tpu.memory_space<hbm>>
    %dma_start3A_280 = arith.constant 0 : i32
    %dma_start3A_281 = arith.constant 0 : i32
    %dma_start3A_282 = tpu.memref_slice %arg7[%dma_start3A_271, %dma_start3A_280, %dma_start3A_281] : memref<2x16x2048xf32, #tpu.memory_space<vmem>> -> memref<1x16x2048xf32, #tpu.memory_space<vmem>>
    %dma_start3A_283 = tpu.memref_squeeze %dma_start3A_282 : memref<1x16x2048xf32, #tpu.memory_space<vmem>> -> memref<16x2048xf32, #tpu.memory_space<vmem>>
    tpu.enqueue_dma source(%dma_start3A_283 : memref<16x2048xf32, #tpu.memory_space<vmem>>) target(%dma_start3A_279 : memref<16x2048xf32, #tpu.memory_space<hbm>>) target_semaphore(%arg9 : memref<!tpu.dma_semaphore, #tpu.memory_space<semaphore_mem>>)
    %dma_wait3A_284 = arith.constant 0 : i32
    %dma_wait3A_285 = arith.constant 0 : i32
    %dma_wait3A_286 = arith.constant 0 : i32
    %dma_wait3A_287 = tpu.memref_slice %arg7[%dma_wait3A_284, %dma_wait3A_285, %dma_wait3A_286] : memref<2x16x2048xf32, #tpu.memory_space<vmem>> -> memref<1x16x2048xf32, #tpu.memory_space<vmem>>
    %dma_wait3A_288 = tpu.memref_squeeze %dma_wait3A_287 : memref<1x16x2048xf32, #tpu.memory_space<vmem>> -> memref<16x2048xf32, #tpu.memory_space<vmem>>
    %dma_wait3A_289 = arith.constant 0 : i32
    %dma_wait3A_290 = arith.constant 0 : i32
    %dma_wait3A_291 = tpu.memref_slice %arg2[%dma_wait3A_289, %dma_wait3A_290] : memref<6144x2048xf32, #tpu.memory_space<hbm>> -> memref<6144x2048xf32, #tpu.memory_space<hbm>>
    tpu.wait_indirect_dma semaphore(%arg8 : memref<!tpu.dma_semaphore, #tpu.memory_space<semaphore_mem>>) src(%dma_wait3A_291 : memref<6144x2048xf32, #tpu.memory_space<hbm>>) dst(%dma_wait3A_288 : memref<16x2048xf32, #tpu.memory_space<vmem>>)
    %dma_wait3A_292 = arith.constant 1 : i32
    %dma_wait3A_293 = arith.constant 0 : i32
    %dma_wait3A_294 = arith.constant 0 : i32
    %dma_wait3A_295 = tpu.memref_slice %arg7[%dma_wait3A_292, %dma_wait3A_293, %dma_wait3A_294] : memref<2x16x2048xf32, #tpu.memory_space<vmem>> -> memref<1x16x2048xf32, #tpu.memory_space<vmem>>
    %dma_wait3A_296 = tpu.memref_squeeze %dma_wait3A_295 : memref<1x16x2048xf32, #tpu.memory_space<vmem>> -> memref<16x2048xf32, #tpu.memory_space<vmem>>
    %dma_wait3A_297 = arith.constant 0 : i32
    %dma_wait3A_298 = tpu.memref_slice %arg5[%add3A_270, %dma_wait3A_297] : memref<2048x2048xf32, #tpu.memory_space<hbm>> -> memref<16x2048xf32, #tpu.memory_space<hbm>>
    %dma_wait3A_299 = arith.constant 0 : i32
    %dma_wait3A_300 = tpu.memref_slice %arg5[%add3A_270, %dma_wait3A_299] : memref<2048x2048xf32, #tpu.memory_space<hbm>> -> memref<16x2048xf32, #tpu.memory_space<hbm>>
    %dma_wait3A_301 = arith.constant 0 : i32
    %dma_wait3A_302 = arith.constant 0 : i32
    %dma_wait3A_303 = tpu.memref_slice %arg7[%dma_wait3A_292, %dma_wait3A_301, %dma_wait3A_302] : memref<2x16x2048xf32, #tpu.memory_space<vmem>> -> memref<1x16x2048xf32, #tpu.memory_space<vmem>>
    %dma_wait3A_304 = tpu.memref_squeeze %dma_wait3A_303 : memref<1x16x2048xf32, #tpu.memory_space<vmem>> -> memref<16x2048xf32, #tpu.memory_space<vmem>>
    tpu.wait_dma2 semaphore(%arg9 : memref<!tpu.dma_semaphore, #tpu.memory_space<semaphore_mem>>) src(%dma_wait3A_304 : memref<16x2048xf32, #tpu.memory_space<vmem>>) dst(%dma_wait3A_300 : memref<16x2048xf32, #tpu.memory_space<hbm>>)
    %get3A_305 = arith.constant 112 : index
    %get3A_306 = tpu.vector_load %arg6[%get3A_305] {strides = array<i32>} : memref<128xi32, #tpu.memory_space<vmem>>, vector<16xi32>,
    %get3A_307 = vector.shape_cast %get3A_306 : vector<16xi32> to vector<16xi32>
    %dma_start3A_308 = arith.constant 1 : i32
    %dma_start3A_309 = arith.constant 0 : i32
    %dma_start3A_310 = arith.constant 0 : i32
    %dma_start3A_311 = tpu.memref_slice %arg7[%dma_start3A_308, %dma_start3A_309, %dma_start3A_310] : memref<2x16x2048xf32, #tpu.memory_space<vmem>> -> memref<1x16x2048xf32, #tpu.memory_space<vmem>>
    %dma_start3A_312 = tpu.memref_squeeze %dma_start3A_311 : memref<1x16x2048xf32, #tpu.memory_space<vmem>> -> memref<16x2048xf32, #tpu.memory_space<vmem>>
    %dma_start3A_313 = arith.constant 0 : i32
    %dma_start3A_314 = arith.constant 0 : i32
    %dma_start3A_315 = tpu.memref_slice %arg2[%dma_start3A_313, %dma_start3A_314] : memref<6144x2048xf32, #tpu.memory_space<hbm>> -> memref<6144x2048xf32, #tpu.memory_space<hbm>>
    tpu.enqueue_indirect_dma source(%dma_start3A_315 : memref<6144x2048xf32, #tpu.memory_space<hbm>>) target(%dma_start3A_312 : memref<16x2048xf32, #tpu.memory_space<vmem>>) offsets(%get3A_307 : vector<16xi32>) semaphore(%arg8 : memref<!tpu.dma_semaphore, #tpu.memory_space<semaphore_mem>>)
    %add3A_316 = arith.constant 32 : i32
    %add3A_317 = arith.addi %mul3A_2, %add3A_316 : i32
    %dma_start3A_318 = arith.constant 0 : i32
    %dma_start3A_319 = arith.constant 0 : i32
    %dma_start3A_320 = arith.constant 0 : i32
    %dma_start3A_321 = tpu.memref_slice %arg7[%dma_start3A_318, %dma_start3A_319, %dma_start3A_320] : memref<2x16x2048xf32, #tpu.memory_space<vmem>> -> memref<1x16x2048xf32, #tpu.memory_space<vmem>>
    %dma_start3A_322 = tpu.memref_squeeze %dma_start3A_321 : memref<1x16x2048xf32, #tpu.memory_space<vmem>> -> memref<16x2048xf32, #tpu.memory_space<vmem>>
    %dma_start3A_323 = arith.constant 0 : i32
    %dma_start3A_324 = tpu.memref_slice %arg5[%add3A_317, %dma_start3A_323] : memref<2048x2048xf32, #tpu.memory_space<hbm>> -> memref<16x2048xf32, #tpu.memory_space<hbm>>
    %dma_start3A_325 = arith.constant 0 : i32
    %dma_start3A_326 = tpu.memref_slice %arg5[%add3A_317, %dma_start3A_325] : memref<2048x2048xf32, #tpu.memory_space<hbm>> -> memref<16x2048xf32, #tpu.memory_space<hbm>>
    %dma_start3A_327 = arith.constant 0 : i32
    %dma_start3A_328 = arith.constant 0 : i32
    %dma_start3A_329 = tpu.memref_slice %arg7[%dma_start3A_318, %dma_start3A_327, %dma_start3A_328] : memref<2x16x2048xf32, #tpu.memory_space<vmem>> -> memref<1x16x2048xf32, #tpu.memory_space<vmem>>
    %dma_start3A_330 = tpu.memref_squeeze %dma_start3A_329 : memref<1x16x2048xf32, #tpu.memory_space<vmem>> -> memref<16x2048xf32, #tpu.memory_space<vmem>>
    tpu.enqueue_dma source(%dma_start3A_330 : memref<16x2048xf32, #tpu.memory_space<vmem>>) target(%dma_start3A_326 : memref<16x2048xf32, #tpu.memory_space<hbm>>) target_semaphore(%arg9 : memref<!tpu.dma_semaphore, #tpu.memory_space<semaphore_mem>>)
    %dma_wait3A_331 = arith.constant 1 : i32
    %dma_wait3A_332 = arith.constant 0 : i32
    %dma_wait3A_333 = arith.constant 0 : i32
    %dma_wait3A_334 = tpu.memref_slice %arg7[%dma_wait3A_331, %dma_wait3A_332, %dma_wait3A_333] : memref<2x16x2048xf32, #tpu.memory_space<vmem>> -> memref<1x16x2048xf32, #tpu.memory_space<vmem>>
    %dma_wait3A_335 = tpu.memref_squeeze %dma_wait3A_334 : memref<1x16x2048xf32, #tpu.memory_space<vmem>> -> memref<16x2048xf32, #tpu.memory_space<vmem>>
    %dma_wait3A_336 = arith.constant 0 : i32
    %dma_wait3A_337 = arith.constant 0 : i32
    %dma_wait3A_338 = tpu.memref_slice %arg2[%dma_wait3A_336, %dma_wait3A_337] : memref<6144x2048xf32, #tpu.memory_space<hbm>> -> memref<6144x2048xf32, #tpu.memory_space<hbm>>
    tpu.wait_indirect_dma semaphore(%arg8 : memref<!tpu.dma_semaphore, #tpu.memory_space<semaphore_mem>>) src(%dma_wait3A_338 : memref<6144x2048xf32, #tpu.memory_space<hbm>>) dst(%dma_wait3A_335 : memref<16x2048xf32, #tpu.memory_space<vmem>>)
    %dma_wait3A_339 = arith.constant 0 : i32
    %dma_wait3A_340 = arith.constant 0 : i32
    %dma_wait3A_341 = arith.constant 0 : i32
    %dma_wait3A_342 = tpu.memref_slice %arg7[%dma_wait3A_339, %dma_wait3A_340, %dma_wait3A_341] : memref<2x16x2048xf32, #tpu.memory_space<vmem>> -> memref<1x16x2048xf32, #tpu.memory_space<vmem>>
    %dma_wait3A_343 = tpu.memref_squeeze %dma_wait3A_342 : memref<1x16x2048xf32, #tpu.memory_space<vmem>> -> memref<16x2048xf32, #tpu.memory_space<vmem>>
    %dma_wait3A_344 = arith.constant 0 : i32
    %dma_wait3A_345 = tpu.memref_slice %arg5[%add3A_317, %dma_wait3A_344] : memref<2048x2048xf32, #tpu.memory_space<hbm>> -> memref<16x2048xf32, #tpu.memory_space<hbm>>
    %dma_wait3A_346 = arith.constant 0 : i32
    %dma_wait3A_347 = tpu.memref_slice %arg5[%add3A_317, %dma_wait3A_346] : memref<2048x2048xf32, #tpu.memory_space<hbm>> -> memref<16x2048xf32, #tpu.memory_space<hbm>>
    %dma_wait3A_348 = arith.constant 0 : i32
    %dma_wait3A_349 = arith.constant 0 : i32
    %dma_wait3A_350 = tpu.memref_slice %arg7[%dma_wait3A_339, %dma_wait3A_348, %dma_wait3A_349] : memref<2x16x2048xf32, #tpu.memory_space<vmem>> -> memref<1x16x2048xf32, #tpu.memory_space<vmem>>
    %dma_wait3A_351 = tpu.memref_squeeze %dma_wait3A_350 : memref<1x16x2048xf32, #tpu.memory_space<vmem>> -> memref<16x2048xf32, #tpu.memory_space<vmem>>
    tpu.wait_dma2 semaphore(%arg9 : memref<!tpu.dma_semaphore, #tpu.memory_space<semaphore_mem>>) src(%dma_wait3A_351 : memref<16x2048xf32, #tpu.memory_space<vmem>>) dst(%dma_wait3A_347 : memref<16x2048xf32, #tpu.memory_space<hbm>>)
    %add3A_352 = arith.constant 48 : i32
    %add3A_353 = arith.addi %mul3A_2, %add3A_352 : i32
    %dma_start3A_354 = arith.constant 1 : i32
    %dma_start3A_355 = arith.constant 0 : i32
    %dma_start3A_356 = arith.constant 0 : i32
    %dma_start3A_357 = tpu.memref_slice %arg7[%dma_start3A_354, %dma_start3A_355, %dma_start3A_356] : memref<2x16x2048xf32, #tpu.memory_space<vmem>> -> memref<1x16x2048xf32, #tpu.memory_space<vmem>>
    %dma_start3A_358 = tpu.memref_squeeze %dma_start3A_357 : memref<1x16x2048xf32, #tpu.memory_space<vmem>> -> memref<16x2048xf32, #tpu.memory_space<vmem>>
    %dma_start3A_359 = arith.constant 0 : i32
    %dma_start3A_360 = tpu.memref_slice %arg5[%add3A_353, %dma_start3A_359] : memref<2048x2048xf32, #tpu.memory_space<hbm>> -> memref<16x2048xf32, #tpu.memory_space<hbm>>
    %dma_start3A_361 = arith.constant 0 : i32
    %dma_start3A_362 = tpu.memref_slice %arg5[%add3A_353, %dma_start3A_361] : memref<2048x2048xf32, #tpu.memory_space<hbm>> -> memref<16x2048xf32, #tpu.memory_space<hbm>>
    %dma_start3A_363 = arith.constant 0 : i32
    %dma_start3A_364 = arith.constant 0 : i32
    %dma_start3A_365 = tpu.memref_slice %arg7[%dma_start3A_354, %dma_start3A_363, %dma_start3A_364] : memref<2x16x2048xf32, #tpu.memory_space<vmem>> -> memref<1x16x2048xf32, #tpu.memory_space<vmem>>
    %dma_start3A_366 = tpu.memref_squeeze %dma_start3A_365 : memref<1x16x2048xf32, #tpu.memory_space<vmem>> -> memref<16x2048xf32, #tpu.memory_space<vmem>>
    tpu.enqueue_dma source(%dma_start3A_366 : memref<16x2048xf32, #tpu.memory_space<vmem>>) target(%dma_start3A_362 : memref<16x2048xf32, #tpu.memory_space<hbm>>) target_semaphore(%arg9 : memref<!tpu.dma_semaphore, #tpu.memory_space<semaphore_mem>>)
    %dma_wait3A_367 = arith.constant 1 : i32
    %dma_wait3A_368 = arith.constant 0 : i32
    %dma_wait3A_369 = arith.constant 0 : i32
    %dma_wait3A_370 = tpu.memref_slice %arg7[%dma_wait3A_367, %dma_wait3A_368, %dma_wait3A_369] : memref<2x16x2048xf32, #tpu.memory_space<vmem>> -> memref<1x16x2048xf32, #tpu.memory_space<vmem>>
    %dma_wait3A_371 = tpu.memref_squeeze %dma_wait3A_370 : memref<1x16x2048xf32, #tpu.memory_space<vmem>> -> memref<16x2048xf32, #tpu.memory_space<vmem>>
    %dma_wait3A_372 = arith.constant 0 : i32
    %dma_wait3A_373 = tpu.memref_slice %arg5[%add3A_353, %dma_wait3A_372] : memref<2048x2048xf32, #tpu.memory_space<hbm>> -> memref<16x2048xf32, #tpu.memory_space<hbm>>
    %dma_wait3A_374 = arith.constant 0 : i32
    %dma_wait3A_375 = tpu.memref_slice %arg5[%add3A_353, %dma_wait3A_374] : memref<2048x2048xf32, #tpu.memory_space<hbm>> -> memref<16x2048xf32, #tpu.memory_space<hbm>>
    %dma_wait3A_376 = arith.constant 0 : i32
    %dma_wait3A_377 = arith.constant 0 : i32
    %dma_wait3A_378 = tpu.memref_slice %arg7[%dma_wait3A_367, %dma_wait3A_376, %dma_wait3A_377] : memref<2x16x2048xf32, #tpu.memory_space<vmem>> -> memref<1x16x2048xf32, #tpu.memory_space<vmem>>
    %dma_wait3A_379 = tpu.memref_squeeze %dma_wait3A_378 : memref<1x16x2048xf32, #tpu.memory_space<vmem>> -> memref<16x2048xf32, #tpu.memory_space<vmem>>
    tpu.wait_dma2 semaphore(%arg9 : memref<!tpu.dma_semaphore, #tpu.memory_space<semaphore_mem>>) src(%dma_wait3A_379 : memref<16x2048xf32, #tpu.memory_space<vmem>>) dst(%dma_wait3A_375 : memref<16x2048xf32, #tpu.memory_space<hbm>>)
    return
  }
}

module attributes {stable_mosaic.version = 14 : i64} {
  func.func @_mlp_body(%arg0: i32, %arg1: i32, %arg2: memref<24xi32, #tpu.memory_space<smem>>, %arg3: memref<256x2048xf32, #tpu.memory_space<vmem>>, %arg4: memref<1x256x2048xf32, #tpu.memory_space<vmem>>, %arg5: memref<1x256x2048xf32, #tpu.memory_space<vmem>>, %arg6: memref<1x2048x256xf32, #tpu.memory_space<vmem>>, %arg7: memref<256x2048xf32, #tpu.memory_space<vmem>>) attributes {dimension_semantics = [#tpu.dimension_semantics<arbitrary>, #tpu.dimension_semantics<arbitrary>], iteration_bounds = array<i64: 24, 2>, scalar_prefetch = 1 : i64, scratch_operands = 0 : i64, tpu.core_type = #tpu.core_type<tc>, window_params = [{transform_indices = @transform_0, window_bounds = array<i64: 256, 2048>}, {transform_indices = @transform_1, window_bounds = array<i64: 1, 256, 2048>}, {transform_indices = @transform_2, window_bounds = array<i64: 1, 256, 2048>}, {transform_indices = @transform_3, window_bounds = array<i64: 1, 2048, 256>}, {transform_indices = @transform_4, window_bounds = array<i64: 256, 2048>}]} {
    %get3A = arith.constant 0 : index
    %get3A_0 = arith.constant 0 : index
    %get3A_1 = vector.load %arg3[%get3A, %get3A_0] : memref<256x2048xf32, #tpu.memory_space<vmem>>, vector<256x2048xf32>
    %get3A_2 = arith.constant 0 : index
    %get3A_3 = arith.constant 0 : index
    %get3A_4 = arith.constant 0 : index
    %get3A_5 = vector.load %arg4[%get3A_2, %get3A_3, %get3A_4] : memref<1x256x2048xf32, #tpu.memory_space<vmem>>, vector<1x256x2048xf32>
    %get3A_6 = vector.shape_cast %get3A_5 : vector<1x256x2048xf32> to vector<256x2048xf32>
    %get3A_7 = arith.constant 0 : index
    %get3A_8 = arith.constant 0 : index
    %get3A_9 = arith.constant 0 : index
    %get3A_10 = vector.load %arg5[%get3A_7, %get3A_8, %get3A_9] : memref<1x256x2048xf32, #tpu.memory_space<vmem>>, vector<1x256x2048xf32>
    %get3A_11 = vector.shape_cast %get3A_10 : vector<1x256x2048xf32> to vector<256x2048xf32>
    %get3A_12 = arith.constant 0 : index
    %get3A_13 = arith.constant 0 : index
    %get3A_14 = arith.constant 0 : index
    %get3A_15 = vector.load %arg6[%get3A_12, %get3A_13, %get3A_14] : memref<1x2048x256xf32, #tpu.memory_space<vmem>>, vector<1x2048x256xf32>
    %get3A_16 = vector.shape_cast %get3A_15 : vector<1x2048x256xf32> to vector<2048x256xf32>
    %dot_general3A = arith.constant dense<0.000000e+00> : vector<256x256xf32>
    %dot_general3A_17 = tpu.matmul %get3A_1, %get3A_6, %dot_general3A {dimension_numbers = #tpu.dot_dimension_numbers<[1], [1], [0], [0], [0, 0, 1, 0], [], []>, transpose_lhs_hint = false} : vector<256x2048xf32>, vector<256x2048xf32>, vector<256x256xf32> -> vector<256x256xf32>
    %dot_general3A_18 = arith.constant dense<0.000000e+00> : vector<256x256xf32>
    %dot_general3A_19 = tpu.matmul %get3A_1, %get3A_11, %dot_general3A_18 {dimension_numbers = #tpu.dot_dimension_numbers<[1], [1], [0], [0], [0, 0, 1, 0], [], []>, transpose_lhs_hint = false} : vector<256x2048xf32>, vector<256x2048xf32>, vector<256x256xf32> -> vector<256x256xf32>
    %logistic3A = arith.negf %dot_general3A_17 : vector<256x256xf32>
    %logistic3A_20 = math.exp %logistic3A : vector<256x256xf32>
    %logistic3A_21 = arith.constant 1.000000e+00 : f32
    %logistic3A_22 = vector.broadcast %logistic3A_21 : f32 to vector<256x256xf32>
    %logistic3A_23 = arith.addf %logistic3A_22, %logistic3A_20 : vector<256x256xf32>
    %logistic3A_24 = arith.divf %logistic3A_22, %logistic3A_23 : vector<256x256xf32>
    %mul3A = arith.mulf %dot_general3A_17, %logistic3A_24 : vector<256x256xf32>
    %mul3A_25 = arith.mulf %mul3A, %dot_general3A_19 : vector<256x256xf32>
    %dot_general3A_26 = arith.constant dense<0.000000e+00> : vector<256x2048xf32>
    %dot_general3A_27 = tpu.matmul %mul3A_25, %get3A_16, %dot_general3A_26 {dimension_numbers = #tpu.dot_dimension_numbers<[1], [1], [0], [0], [0, 0, 1, 0], [], []>, transpose_lhs_hint = false} : vector<256x256xf32>, vector<2048x256xf32>, vector<256x2048xf32> -> vector<256x2048xf32>
    %eq3A = arith.constant 0 : i32
    %eq3A_28 = arith.cmpi eq, %arg1, %eq3A : i32
    %convert_element_type3A = arith.extui %eq3A_28 : i1 to i32
    %cond3A = arith.constant 0 : i32
    %cond3A_29 = arith.cmpi ne, %convert_element_type3A, %cond3A : i32
    scf.if %cond3A_29 {
      %swap3A = arith.constant 0 : index
      %swap3A_34 = arith.constant 0 : index
      %swap3A_35 = vector.load %arg7[%swap3A, %swap3A_34] : memref<256x2048xf32, #tpu.memory_space<vmem>>, vector<256x2048xf32>
      tpu.vector_store %arg7[%swap3A, %swap3A_34], %dot_general3A_27 {strides = array<i32>} : memref<256x2048xf32, #tpu.memory_space<vmem>>, vector<256x2048xf32>,
    } else {
    }
    %ne3A = arith.constant 0 : i32
    %ne3A_30 = arith.cmpi ne, %arg1, %ne3A : i32
    %convert_element_type3A_31 = arith.extui %ne3A_30 : i1 to i32
    %cond3A_32 = arith.constant 0 : i32
    %cond3A_33 = arith.cmpi ne, %convert_element_type3A_31, %cond3A_32 : i32
    scf.if %cond3A_33 {
      %get3A_34 = arith.constant 0 : index
      %get3A_35 = arith.constant 0 : index
      %get3A_36 = vector.load %arg7[%get3A_34, %get3A_35] : memref<256x2048xf32, #tpu.memory_space<vmem>>, vector<256x2048xf32>
      %add3A = arith.addf %get3A_36, %dot_general3A_27 : vector<256x2048xf32>
      %swap3A = arith.constant 0 : index
      %swap3A_37 = arith.constant 0 : index
      %swap3A_38 = vector.load %arg7[%swap3A, %swap3A_37] : memref<256x2048xf32, #tpu.memory_space<vmem>>, vector<256x2048xf32>
      tpu.vector_store %arg7[%swap3A, %swap3A_37], %add3A {strides = array<i32>} : memref<256x2048xf32, #tpu.memory_space<vmem>>, vector<256x2048xf32>,
    } else {
    }
    return
  }
  func.func @transform_0(%arg0: i32, %arg1: i32, %arg2: memref<24xi32, #tpu.memory_space<smem>>) -> (i32, i32) {
    %c0_i32 = arith.constant 0 : i32
    %c0_i32_0 = arith.constant 0 : i32
    return %arg0, %c0_i32 : i32, i32
  }
  func.func @transform_1(%arg0: i32, %arg1: i32, %arg2: memref<24xi32, #tpu.memory_space<smem>>) -> (i32, i32, i32) {
    %get3A = arith.index_cast %arg0 : i32 to index
    %get3A_0 = memref.load %arg2[%get3A] : memref<24xi32, #tpu.memory_space<smem>>
    %c0_i32 = arith.constant 0 : i32
    %c0_i32_1 = arith.constant 0 : i32
    return %get3A_0, %arg1, %c0_i32 : i32, i32, i32
  }
  func.func @transform_2(%arg0: i32, %arg1: i32, %arg2: memref<24xi32, #tpu.memory_space<smem>>) -> (i32, i32, i32) {
    %get3A = arith.index_cast %arg0 : i32 to index
    %get3A_0 = memref.load %arg2[%get3A] : memref<24xi32, #tpu.memory_space<smem>>
    %c0_i32 = arith.constant 0 : i32
    %c0_i32_1 = arith.constant 0 : i32
    return %get3A_0, %arg1, %c0_i32 : i32, i32, i32
  }
  func.func @transform_3(%arg0: i32, %arg1: i32, %arg2: memref<24xi32, #tpu.memory_space<smem>>) -> (i32, i32, i32) {
    %get3A = arith.index_cast %arg0 : i32 to index
    %get3A_0 = memref.load %arg2[%get3A] : memref<24xi32, #tpu.memory_space<smem>>
    %c0_i32 = arith.constant 0 : i32
    %c0_i32_1 = arith.constant 0 : i32
    return %get3A_0, %c0_i32, %arg1 : i32, i32, i32
  }
  func.func @transform_4(%arg0: i32, %arg1: i32, %arg2: memref<24xi32, #tpu.memory_space<smem>>) -> (i32, i32) {
    %c0_i32 = arith.constant 0 : i32
    %c0_i32_0 = arith.constant 0 : i32
    return %arg0, %c0_i32 : i32, i32
  }
}

module attributes {stable_mosaic.version = 14 : i64} {
  func.func @_shared_body(%arg0: i32, %arg1: memref<256x2048xf32, #tpu.memory_space<vmem>>, %arg2: memref<1024x2048xf32, #tpu.memory_space<vmem>>, %arg3: memref<1024x2048xf32, #tpu.memory_space<vmem>>, %arg4: memref<2048x1024xf32, #tpu.memory_space<vmem>>, %arg5: memref<256x2048xf32, #tpu.memory_space<vmem>>) attributes {dimension_semantics = [#tpu.dimension_semantics<arbitrary>], iteration_bounds = array<i64: 8>, scalar_prefetch = 0 : i64, scratch_operands = 0 : i64, tpu.core_type = #tpu.core_type<tc>, window_params = [{transform_indices = @transform_0, window_bounds = array<i64: 256, 2048>}, {pipeline_mode = #tpu.pipeline_mode<synchronous>, transform_indices = @transform_1, window_bounds = array<i64: 1024, 2048>}, {pipeline_mode = #tpu.pipeline_mode<synchronous>, transform_indices = @transform_2, window_bounds = array<i64: 1024, 2048>}, {pipeline_mode = #tpu.pipeline_mode<synchronous>, transform_indices = @transform_3, window_bounds = array<i64: 2048, 1024>}, {transform_indices = @transform_4, window_bounds = array<i64: 256, 2048>}]} {
    %get3A = arith.constant 0 : index
    %get3A_0 = arith.constant 0 : index
    %get3A_1 = vector.load %arg1[%get3A, %get3A_0] : memref<256x2048xf32, #tpu.memory_space<vmem>>, vector<256x2048xf32>
    %get3A_2 = arith.constant 0 : index
    %get3A_3 = arith.constant 0 : index
    %get3A_4 = vector.load %arg2[%get3A_2, %get3A_3] : memref<1024x2048xf32, #tpu.memory_space<vmem>>, vector<1024x2048xf32>
    %get3A_5 = arith.constant 0 : index
    %get3A_6 = arith.constant 0 : index
    %get3A_7 = vector.load %arg3[%get3A_5, %get3A_6] : memref<1024x2048xf32, #tpu.memory_space<vmem>>, vector<1024x2048xf32>
    %get3A_8 = arith.constant 0 : index
    %get3A_9 = arith.constant 0 : index
    %get3A_10 = vector.load %arg4[%get3A_8, %get3A_9] : memref<2048x1024xf32, #tpu.memory_space<vmem>>, vector<2048x1024xf32>
    %dot_general3A = arith.constant dense<0.000000e+00> : vector<256x1024xf32>
    %dot_general3A_11 = tpu.matmul %get3A_1, %get3A_4, %dot_general3A {dimension_numbers = #tpu.dot_dimension_numbers<[1], [1], [0], [0], [0, 0, 1, 0], [], []>, transpose_lhs_hint = false} : vector<256x2048xf32>, vector<1024x2048xf32>, vector<256x1024xf32> -> vector<256x1024xf32>
    %dot_general3A_12 = arith.constant dense<0.000000e+00> : vector<256x1024xf32>
    %dot_general3A_13 = tpu.matmul %get3A_1, %get3A_7, %dot_general3A_12 {dimension_numbers = #tpu.dot_dimension_numbers<[1], [1], [0], [0], [0, 0, 1, 0], [], []>, transpose_lhs_hint = false} : vector<256x2048xf32>, vector<1024x2048xf32>, vector<256x1024xf32> -> vector<256x1024xf32>
    %logistic3A = arith.negf %dot_general3A_11 : vector<256x1024xf32>
    %logistic3A_14 = math.exp %logistic3A : vector<256x1024xf32>
    %logistic3A_15 = arith.constant 1.000000e+00 : f32
    %logistic3A_16 = vector.broadcast %logistic3A_15 : f32 to vector<256x1024xf32>
    %logistic3A_17 = arith.addf %logistic3A_16, %logistic3A_14 : vector<256x1024xf32>
    %logistic3A_18 = arith.divf %logistic3A_16, %logistic3A_17 : vector<256x1024xf32>
    %mul3A = arith.mulf %dot_general3A_11, %logistic3A_18 : vector<256x1024xf32>
    %mul3A_19 = arith.mulf %mul3A, %dot_general3A_13 : vector<256x1024xf32>
    %dot_general3A_20 = arith.constant dense<0.000000e+00> : vector<256x2048xf32>
    %dot_general3A_21 = tpu.matmul %mul3A_19, %get3A_10, %dot_general3A_20 {dimension_numbers = #tpu.dot_dimension_numbers<[1], [1], [0], [0], [0, 0, 1, 0], [], []>, transpose_lhs_hint = false} : vector<256x1024xf32>, vector<2048x1024xf32>, vector<256x2048xf32> -> vector<256x2048xf32>
    %swap3A = arith.constant 0 : index
    %swap3A_22 = arith.constant 0 : index
    %swap3A_23 = vector.load %arg5[%swap3A, %swap3A_22] : memref<256x2048xf32, #tpu.memory_space<vmem>>, vector<256x2048xf32>
    tpu.vector_store %arg5[%swap3A, %swap3A_22], %dot_general3A_21 {strides = array<i32>} : memref<256x2048xf32, #tpu.memory_space<vmem>>, vector<256x2048xf32>,
    return
  }
  func.func @transform_0(%arg0: i32) -> (i32, i32) {
    %c0_i32 = arith.constant 0 : i32
    %c0_i32_0 = arith.constant 0 : i32
    return %arg0, %c0_i32 : i32, i32
  }
  func.func @transform_1(%arg0: i32) -> (i32, i32) {
    %c0_i32 = arith.constant 0 : i32
    %c0_i32_0 = arith.constant 0 : i32
    %c0_i32_1 = arith.constant 0 : i32
    return %c0_i32, %c0_i32_0 : i32, i32
  }
  func.func @transform_2(%arg0: i32) -> (i32, i32) {
    %c0_i32 = arith.constant 0 : i32
    %c0_i32_0 = arith.constant 0 : i32
    %c0_i32_1 = arith.constant 0 : i32
    return %c0_i32, %c0_i32_0 : i32, i32
  }
  func.func @transform_3(%arg0: i32) -> (i32, i32) {
    %c0_i32 = arith.constant 0 : i32
    %c0_i32_0 = arith.constant 0 : i32
    %c0_i32_1 = arith.constant 0 : i32
    return %c0_i32, %c0_i32_0 : i32, i32
  }
  func.func @transform_4(%arg0: i32) -> (i32, i32) {
    %c0_i32 = arith.constant 0 : i32
    %c0_i32_0 = arith.constant 0 : i32
    return %arg0, %c0_i32 : i32, i32
  }
}

module attributes {stable_mosaic.version = 14 : i64} {
  func.func @_router_body(%arg0: i32, %arg1: memref<256x2048xf32, #tpu.memory_space<vmem>>, %arg2: memref<8x2048xf32, #tpu.memory_space<vmem>>, %arg3: memref<8x256xf32, #tpu.memory_space<vmem>>, %arg4: memref<256x32xf32, #tpu.memory_space<vmem>>, %arg5: memref<8x16xf32, #tpu.memory_space<vmem>>, %arg6: memref<1x1x24xi32, #tpu.memory_space<vmem>>, %arg7: memref<1x8xf32, #tpu.memory_space<vmem>>) attributes {dimension_semantics = [#tpu.dimension_semantics<arbitrary>], iteration_bounds = array<i64: 8>, scalar_prefetch = 0 : i64, scratch_operands = 1 : i64, tpu.core_type = #tpu.core_type<tc>, window_params = [{transform_indices = @transform_0, window_bounds = array<i64: 256, 2048>}, {pipeline_mode = #tpu.pipeline_mode<synchronous>, transform_indices = @transform_1, window_bounds = array<i64: 8, 2048>}, {transform_indices = @transform_2, window_bounds = array<i64: 8, 256>}, {transform_indices = @transform_3, window_bounds = array<i64: 256, 32>}, {pipeline_mode = #tpu.pipeline_mode<synchronous>, transform_indices = @transform_4, window_bounds = array<i64: 8, 16>}, {pipeline_mode = #tpu.pipeline_mode<synchronous>, transform_indices = @transform_5, window_bounds = array<i64: 1, 1, 24>}]} {
    %eq3A = arith.constant 0 : i32
    %eq3A_0 = arith.cmpi eq, %arg0, %eq3A : i32
    %convert_element_type3A = arith.extui %eq3A_0 : i1 to i32
    %cond3A = arith.constant 0 : i32
    %cond3A_1 = arith.cmpi ne, %convert_element_type3A, %cond3A : i32
    scf.if %cond3A_1 {
      %broadcast_in_dim3A_177 = arith.constant 0.000000e+00 : f32
      %broadcast_in_dim3A_178 = vector.broadcast %broadcast_in_dim3A_177 : f32 to vector<1x8xf32>
      %swap3A_179 = arith.constant 0 : index
      %swap3A_180 = arith.constant 0 : index
      %swap3A_181 = vector.load %arg7[%swap3A_179, %swap3A_180] : memref<1x8xf32, #tpu.memory_space<vmem>>, vector<1x8xf32>
      tpu.vector_store %arg7[%swap3A_179, %swap3A_180], %broadcast_in_dim3A_178 {strides = array<i32>} : memref<1x8xf32, #tpu.memory_space<vmem>>, vector<1x8xf32>,
    } else {
    }
    %get3A = arith.constant 0 : index
    %get3A_2 = arith.constant 0 : index
    %get3A_3 = vector.load %arg1[%get3A, %get3A_2] : memref<256x2048xf32, #tpu.memory_space<vmem>>, vector<256x2048xf32>
    %get3A_4 = arith.constant 0 : index
    %get3A_5 = arith.constant 0 : index
    %get3A_6 = vector.load %arg2[%get3A_4, %get3A_5] : memref<8x2048xf32, #tpu.memory_space<vmem>>, vector<8x2048xf32>
    %dot_general3A = arith.constant dense<0.000000e+00> : vector<256x8xf32>
    %dot_general3A_7 = tpu.matmul %get3A_3, %get3A_6, %dot_general3A {dimension_numbers = #tpu.dot_dimension_numbers<[1], [1], [0], [0], [0, 0, 1, 0], [], []>, transpose_lhs_hint = false} : vector<256x2048xf32>, vector<8x2048xf32>, vector<256x8xf32> -> vector<256x8xf32>
    %reduce_max3A = arith.constant dense<0xFF800000> : vector<256xf32>
    %reduce_max3A_8 = vector.multi_reduction <maximumf>, %dot_general3A_7, %reduce_max3A [1] : vector<256x8xf32> to vector<256xf32>
    %broadcast_in_dim3A = vector.shape_cast %reduce_max3A_8 : vector<256xf32> to vector<256x1xf32>
    %sub3A = vector.broadcast %broadcast_in_dim3A : vector<256x1xf32> to vector<256x8xf32>
    %sub3A_9 = arith.subf %dot_general3A_7, %sub3A : vector<256x8xf32>
    %exp3A = math.exp %sub3A_9 : vector<256x8xf32>
    %reduce_sum3A = arith.constant dense<0.000000e+00> : vector<256xf32>
    %reduce_sum3A_10 = vector.multi_reduction <add>, %exp3A, %reduce_sum3A [1] : vector<256x8xf32> to vector<256xf32>
    %broadcast_in_dim3A_11 = vector.shape_cast %reduce_sum3A_10 : vector<256xf32> to vector<256x1xf32>
    %div3A = vector.broadcast %broadcast_in_dim3A_11 : vector<256x1xf32> to vector<256x8xf32>
    %div3A_12 = arith.divf %exp3A, %div3A : vector<256x8xf32>
    %iota3A = tpu.iota {dimensions = array<i32: 0>} : vector<8x64xi32>
    %iota3A_13 = tpu.iota {dimensions = array<i32: 1>} : vector<8x64xi32>
    %shift_right_logical3A = arith.constant 3 : i32
    %shift_right_logical3A_14 = vector.broadcast %shift_right_logical3A : i32 to vector<8x64xi32>
    %shift_right_logical3A_15 = arith.shrui %iota3A_13, %shift_right_logical3A_14 : vector<8x64xi32>
    %eq3A_16 = arith.cmpi eq, %iota3A, %shift_right_logical3A_15 : vector<8x64xi32>
    %jit3A = arith.constant 1.000000e+00 : f32
    %jit3A_17 = arith.constant 0.000000e+00 : f32
    %broadcast_in_dim3A_18 = vector.broadcast %jit3A : f32 to vector<8x64xf32>
    %broadcast_in_dim3A_19 = vector.broadcast %jit3A_17 : f32 to vector<8x64xf32>
    %select_n3A = arith.select %eq3A_16, %broadcast_in_dim3A_18, %broadcast_in_dim3A_19 : vector<8x64xi1>, vector<8x64xf32>
    %and3A = arith.constant 7 : i32
    %and3A_20 = vector.broadcast %and3A : i32 to vector<8x64xi32>
    %and3A_21 = arith.andi %iota3A_13, %and3A_20 : vector<8x64xi32>
    %eq3A_22 = arith.cmpi eq, %iota3A, %and3A_21 : vector<8x64xi32>
    %jit3A_23 = arith.constant 1.000000e+00 : f32
    %jit3A_24 = arith.constant 0.000000e+00 : f32
    %broadcast_in_dim3A_25 = vector.broadcast %jit3A_23 : f32 to vector<8x64xf32>
    %broadcast_in_dim3A_26 = vector.broadcast %jit3A_24 : f32 to vector<8x64xf32>
    %select_n3A_27 = arith.select %eq3A_22, %broadcast_in_dim3A_25, %broadcast_in_dim3A_26 : vector<8x64xi1>, vector<8x64xf32>
    %iota3A_28 = tpu.iota {dimensions = array<i32: 0>} : vector<64x8xi32>
    %iota3A_29 = tpu.iota {dimensions = array<i32: 1>} : vector<64x8xi32>
    %and3A_30 = arith.constant 7 : i32
    %and3A_31 = vector.broadcast %and3A_30 : i32 to vector<64x8xi32>
    %and3A_32 = arith.andi %iota3A_28, %and3A_31 : vector<64x8xi32>
    %eq3A_33 = arith.cmpi eq, %and3A_32, %iota3A_29 : vector<64x8xi32>
    %jit3A_34 = arith.constant 1.000000e+00 : f32
    %jit3A_35 = arith.constant 0.000000e+00 : f32
    %broadcast_in_dim3A_36 = vector.broadcast %jit3A_34 : f32 to vector<64x8xf32>
    %broadcast_in_dim3A_37 = vector.broadcast %jit3A_35 : f32 to vector<64x8xf32>
    %select_n3A_38 = arith.select %eq3A_33, %broadcast_in_dim3A_36, %broadcast_in_dim3A_37 : vector<64x8xi1>, vector<64x8xf32>
    %iota3A_39 = tpu.iota {dimensions = array<i32: 1>} : vector<256x64xi32>
    %shift_right_logical3A_40 = arith.constant 3 : i32
    %shift_right_logical3A_41 = vector.broadcast %shift_right_logical3A_40 : i32 to vector<256x64xi32>
    %shift_right_logical3A_42 = arith.shrui %iota3A_39, %shift_right_logical3A_41 : vector<256x64xi32>
    %and3A_43 = arith.constant 7 : i32
    %and3A_44 = vector.broadcast %and3A_43 : i32 to vector<256x64xi32>
    %and3A_45 = arith.andi %iota3A_39, %and3A_44 : vector<256x64xi32>
    %slice3A = vector.extract_strided_slice %div3A_12 {offsets = [0, 1], sizes = [256, 1], strides = [1, 1]} : vector<256x8xf32> to vector<256x1xf32>
    %slice3A_46 = vector.extract_strided_slice %div3A_12 {offsets = [0, 0], sizes = [256, 1], strides = [1, 1]} : vector<256x8xf32> to vector<256x1xf32>
    %slice3A_47 = vector.extract_strided_slice %div3A_12 {offsets = [0, 3], sizes = [256, 1], strides = [1, 1]} : vector<256x8xf32> to vector<256x1xf32>
    %slice3A_48 = vector.extract_strided_slice %div3A_12 {offsets = [0, 2], sizes = [256, 1], strides = [1, 1]} : vector<256x8xf32> to vector<256x1xf32>
    %slice3A_49 = vector.extract_strided_slice %div3A_12 {offsets = [0, 5], sizes = [256, 1], strides = [1, 1]} : vector<256x8xf32> to vector<256x1xf32>
    %slice3A_50 = vector.extract_strided_slice %div3A_12 {offsets = [0, 4], sizes = [256, 1], strides = [1, 1]} : vector<256x8xf32> to vector<256x1xf32>
    %slice3A_51 = vector.extract_strided_slice %div3A_12 {offsets = [0, 7], sizes = [256, 1], strides = [1, 1]} : vector<256x8xf32> to vector<256x1xf32>
    %slice3A_52 = vector.extract_strided_slice %div3A_12 {offsets = [0, 6], sizes = [256, 1], strides = [1, 1]} : vector<256x8xf32> to vector<256x1xf32>
    %concatenate3A = tpu.concatenate %slice3A, %slice3A_46, %slice3A_47, %slice3A_48, %slice3A_49, %slice3A_50, %slice3A_51, %slice3A_52 in 1 : vector<256x1xf32>, vector<256x1xf32>, vector<256x1xf32>, vector<256x1xf32>, vector<256x1xf32>, vector<256x1xf32>, vector<256x1xf32>, vector<256x1xf32> -> vector<256x8xf32>
    %max3A = arith.maximumf %div3A_12, %concatenate3A : vector<256x8xf32>
    %dot_general3A_53 = arith.constant dense<0.000000e+00> : vector<256x64xf32>
    %dot_general3A_54 = tpu.matmul %max3A, %select_n3A, %dot_general3A_53 {dimension_numbers = #tpu.dot_dimension_numbers<[1], [0], [0], [1], [0, 0, 1, 1], [], []>, precision = #tpu.contract_precision<fp32>, transpose_lhs_hint = false} : vector<256x8xf32>, vector<8x64xf32>, vector<256x64xf32> -> vector<256x64xf32>
    %dot_general3A_55 = arith.constant dense<0.000000e+00> : vector<256x64xf32>
    %dot_general3A_56 = tpu.matmul %max3A, %select_n3A_27, %dot_general3A_55 {dimension_numbers = #tpu.dot_dimension_numbers<[1], [0], [0], [1], [0, 0, 1, 1], [], []>, precision = #tpu.contract_precision<fp32>, transpose_lhs_hint = false} : vector<256x8xf32>, vector<8x64xf32>, vector<256x64xf32> -> vector<256x64xf32>
    %gt3A = arith.cmpf ogt, %dot_general3A_54, %dot_general3A_56 : vector<256x64xf32>
    %eq3A_57 = arith.cmpf oeq, %dot_general3A_54, %dot_general3A_56 : vector<256x64xf32>
    %shift_right_logical3A_58 = arith.constant 1 : i32
    %shift_right_logical3A_59 = vector.broadcast %shift_right_logical3A_58 : i32 to vector<256x64xi32>
    %shift_right_logical3A_60 = arith.shrui %shift_right_logical3A_42, %shift_right_logical3A_59 : vector<256x64xi32>
    %shift_right_logical3A_61 = arith.constant 1 : i32
    %shift_right_logical3A_62 = vector.broadcast %shift_right_logical3A_61 : i32 to vector<256x64xi32>
    %shift_right_logical3A_63 = arith.shrui %and3A_45, %shift_right_logical3A_62 : vector<256x64xi32>
    %lt3A = arith.cmpi slt, %shift_right_logical3A_60, %shift_right_logical3A_63 : vector<256x64xi32>
    %and3A_64 = arith.andi %eq3A_57, %lt3A : vector<256x64xi1>
    %or3A = arith.ori %gt3A, %and3A_64 : vector<256x64xi1>
    %jit3A_65 = arith.constant 1.000000e+00 : f32
    %jit3A_66 = arith.constant 0.000000e+00 : f32
    %broadcast_in_dim3A_67 = vector.broadcast %jit3A_65 : f32 to vector<256x64xf32>
    %broadcast_in_dim3A_68 = vector.broadcast %jit3A_66 : f32 to vector<256x64xf32>
    %select_n3A_69 = arith.select %or3A, %broadcast_in_dim3A_67, %broadcast_in_dim3A_68 : vector<256x64xi1>, vector<256x64xf32>
    %dot_general3A_70 = arith.constant dense<0.000000e+00> : vector<256x8xf32>
    %dot_general3A_71 = tpu.matmul %select_n3A_69, %select_n3A_38, %dot_general3A_70 {dimension_numbers = #tpu.dot_dimension_numbers<[1], [0], [0], [1], [0, 0, 1, 1], [], []>, transpose_lhs_hint = false} : vector<256x64xf32>, vector<64x8xf32>, vector<256x8xf32> -> vector<256x8xf32>
    %mul3A = arith.constant 5.000000e-01 : f32
    %mul3A_72 = vector.broadcast %mul3A : f32 to vector<256x8xf32>
    %mul3A_73 = arith.mulf %dot_general3A_71, %mul3A_72 : vector<256x8xf32>
    %lt3A_74 = arith.constant 2.000000e+00 : f32
    %lt3A_75 = vector.broadcast %lt3A_74 : f32 to vector<256x8xf32>
    %lt3A_76 = arith.cmpf olt, %mul3A_73, %lt3A_75 : vector<256x8xf32>
    %jit3A_77 = arith.constant 0.000000e+00 : f32
    %broadcast_in_dim3A_78 = vector.broadcast %jit3A_77 : f32 to vector<256x8xf32>
    %select_n3A_79 = arith.select %lt3A_76, %div3A_12, %broadcast_in_dim3A_78 : vector<256x8xi1>, vector<256x8xf32>
    %dot_general3A_80 = arith.constant dense<0.000000e+00> : vector<256x64xf32>
    %dot_general3A_81 = tpu.matmul %select_n3A_79, %select_n3A, %dot_general3A_80 {dimension_numbers = #tpu.dot_dimension_numbers<[1], [0], [0], [1], [0, 0, 1, 1], [], []>, precision = #tpu.contract_precision<fp32>, transpose_lhs_hint = false} : vector<256x8xf32>, vector<8x64xf32>, vector<256x64xf32> -> vector<256x64xf32>
    %dot_general3A_82 = arith.constant dense<0.000000e+00> : vector<256x64xf32>
    %dot_general3A_83 = tpu.matmul %select_n3A_79, %select_n3A_27, %dot_general3A_82 {dimension_numbers = #tpu.dot_dimension_numbers<[1], [0], [0], [1], [0, 0, 1, 1], [], []>, precision = #tpu.contract_precision<fp32>, transpose_lhs_hint = false} : vector<256x8xf32>, vector<8x64xf32>, vector<256x64xf32> -> vector<256x64xf32>
    %gt3A_84 = arith.cmpf ogt, %dot_general3A_81, %dot_general3A_83 : vector<256x64xf32>
    %eq3A_85 = arith.cmpf oeq, %dot_general3A_81, %dot_general3A_83 : vector<256x64xf32>
    %lt3A_86 = arith.cmpi slt, %shift_right_logical3A_42, %and3A_45 : vector<256x64xi32>
    %and3A_87 = arith.andi %eq3A_85, %lt3A_86 : vector<256x64xi1>
    %or3A_88 = arith.ori %gt3A_84, %and3A_87 : vector<256x64xi1>
    %jit3A_89 = arith.constant 1.000000e+00 : f32
    %jit3A_90 = arith.constant 0.000000e+00 : f32
    %broadcast_in_dim3A_91 = vector.broadcast %jit3A_89 : f32 to vector<256x64xf32>
    %broadcast_in_dim3A_92 = vector.broadcast %jit3A_90 : f32 to vector<256x64xf32>
    %select_n3A_93 = arith.select %or3A_88, %broadcast_in_dim3A_91, %broadcast_in_dim3A_92 : vector<256x64xi1>, vector<256x64xf32>
    %dot_general3A_94 = arith.constant dense<0.000000e+00> : vector<256x8xf32>
    %dot_general3A_95 = tpu.matmul %select_n3A_93, %select_n3A_38, %dot_general3A_94 {dimension_numbers = #tpu.dot_dimension_numbers<[1], [0], [0], [1], [0, 0, 1, 1], [], []>, transpose_lhs_hint = false} : vector<256x64xf32>, vector<64x8xf32>, vector<256x8xf32> -> vector<256x8xf32>
    %eq3A_96 = arith.constant 0.000000e+00 : f32
    %eq3A_97 = vector.broadcast %eq3A_96 : f32 to vector<256x8xf32>
    %eq3A_98 = arith.cmpf oeq, %dot_general3A_95, %eq3A_97 : vector<256x8xf32>
    %convert_element_type3A_99 = arith.extui %eq3A_98 : vector<256x8xi1> to vector<256x8xi32>
    %convert_element_type3A_100 = arith.sitofp %convert_element_type3A_99 : vector<256x8xi32> to vector<256x8xf32>
    %eq3A_101 = arith.constant 1.000000e+00 : f32
    %eq3A_102 = vector.broadcast %eq3A_101 : f32 to vector<256x8xf32>
    %eq3A_103 = arith.cmpf oeq, %dot_general3A_95, %eq3A_102 : vector<256x8xf32>
    %convert_element_type3A_104 = arith.extui %eq3A_103 : vector<256x8xi1> to vector<256x8xi32>
    %convert_element_type3A_105 = arith.sitofp %convert_element_type3A_104 : vector<256x8xi32> to vector<256x8xf32>
    %add3A = arith.addf %convert_element_type3A_100, %convert_element_type3A_105 : vector<256x8xf32>
    %iota3A_106 = tpu.iota {dimensions = array<i32: 0>} : vector<256x256xi32>
    %iota3A_107 = tpu.iota {dimensions = array<i32: 1>} : vector<256x256xi32>
    %gt3A_108 = arith.cmpi sgt, %iota3A_106, %iota3A_107 : vector<256x256xi32>
    %jit3A_109 = arith.constant 1.000000e+00 : f32
    %jit3A_110 = arith.constant 0.000000e+00 : f32
    %broadcast_in_dim3A_111 = vector.broadcast %jit3A_109 : f32 to vector<256x256xf32>
    %broadcast_in_dim3A_112 = vector.broadcast %jit3A_110 : f32 to vector<256x256xf32>
    %select_n3A_113 = arith.select %gt3A_108, %broadcast_in_dim3A_111, %broadcast_in_dim3A_112 : vector<256x256xi1>, vector<256x256xf32>
    %dot_general3A_114 = arith.constant dense<0.000000e+00> : vector<256x8xf32>
    %dot_general3A_115 = tpu.matmul %select_n3A_113, %add3A, %dot_general3A_114 {dimension_numbers = #tpu.dot_dimension_numbers<[1], [0], [0], [1], [0, 0, 1, 1], [], []>, transpose_lhs_hint = false} : vector<256x256xf32>, vector<256x8xf32>, vector<256x8xf32> -> vector<256x8xf32>
    %get3A_116 = arith.constant 0 : index
    %get3A_117 = arith.constant 0 : index
    %get3A_118 = vector.load %arg7[%get3A_116, %get3A_117] : memref<1x8xf32, #tpu.memory_space<vmem>>, vector<1x8xf32>
    %add3A_119 = vector.broadcast %get3A_118 : vector<1x8xf32> to vector<256x8xf32>
    %add3A_120 = arith.addf %dot_general3A_115, %add3A_119 : vector<256x8xf32>
    %iota3A_121 = tpu.iota {dimensions = array<i32: 0>} : vector<8x1xi32>
    %convert_element_type3A_122 = arith.sitofp %iota3A_121 : vector<8x1xi32> to vector<8x1xf32>
    %broadcast_in_dim3A_123 = arith.constant 1.000000e+00 : f32
    %broadcast_in_dim3A_124 = vector.broadcast %broadcast_in_dim3A_123 : f32 to vector<8x1xf32>
    %dot_general3A_125 = arith.constant dense<0.000000e+00> : vector<256x1xf32>
    %dot_general3A_126 = tpu.matmul %convert_element_type3A_100, %convert_element_type3A_122, %dot_general3A_125 {dimension_numbers = #tpu.dot_dimension_numbers<[1], [0], [0], [1], [0, 0, 1, 1], [], []>, precision = #tpu.contract_precision<fp32>, transpose_lhs_hint = false} : vector<256x8xf32>, vector<8x1xf32>, vector<256x1xf32> -> vector<256x1xf32>
    %dot_general3A_127 = arith.constant dense<0.000000e+00> : vector<256x1xf32>
    %dot_general3A_128 = tpu.matmul %convert_element_type3A_105, %convert_element_type3A_122, %dot_general3A_127 {dimension_numbers = #tpu.dot_dimension_numbers<[1], [0], [0], [1], [0, 0, 1, 1], [], []>, precision = #tpu.contract_precision<fp32>, transpose_lhs_hint = false} : vector<256x8xf32>, vector<8x1xf32>, vector<256x1xf32> -> vector<256x1xf32>
    %mul3A_129 = arith.mulf %convert_element_type3A_100, %select_n3A_79 : vector<256x8xf32>
    %dot_general3A_130 = arith.constant dense<0.000000e+00> : vector<256x1xf32>
    %dot_general3A_131 = tpu.matmul %mul3A_129, %broadcast_in_dim3A_124, %dot_general3A_130 {dimension_numbers = #tpu.dot_dimension_numbers<[1], [0], [0], [1], [0, 0, 1, 1], [], []>, precision = #tpu.contract_precision<fp32>, transpose_lhs_hint = false} : vector<256x8xf32>, vector<8x1xf32>, vector<256x1xf32> -> vector<256x1xf32>
    %mul3A_132 = arith.mulf %convert_element_type3A_105, %select_n3A_79 : vector<256x8xf32>
    %dot_general3A_133 = arith.constant dense<0.000000e+00> : vector<256x1xf32>
    %dot_general3A_134 = tpu.matmul %mul3A_132, %broadcast_in_dim3A_124, %dot_general3A_133 {dimension_numbers = #tpu.dot_dimension_numbers<[1], [0], [0], [1], [0, 0, 1, 1], [], []>, precision = #tpu.contract_precision<fp32>, transpose_lhs_hint = false} : vector<256x8xf32>, vector<8x1xf32>, vector<256x1xf32> -> vector<256x1xf32>
    %mul3A_135 = arith.mulf %convert_element_type3A_100, %add3A_120 : vector<256x8xf32>
    %dot_general3A_136 = arith.constant dense<0.000000e+00> : vector<256x1xf32>
    %dot_general3A_137 = tpu.matmul %mul3A_135, %broadcast_in_dim3A_124, %dot_general3A_136 {dimension_numbers = #tpu.dot_dimension_numbers<[1], [0], [0], [1], [0, 0, 1, 1], [], []>, precision = #tpu.contract_precision<fp32>, transpose_lhs_hint = false} : vector<256x8xf32>, vector<8x1xf32>, vector<256x1xf32> -> vector<256x1xf32>
    %mul3A_138 = arith.mulf %convert_element_type3A_105, %add3A_120 : vector<256x8xf32>
    %dot_general3A_139 = arith.constant dense<0.000000e+00> : vector<256x1xf32>
    %dot_general3A_140 = tpu.matmul %mul3A_138, %broadcast_in_dim3A_124, %dot_general3A_139 {dimension_numbers = #tpu.dot_dimension_numbers<[1], [0], [0], [1], [0, 0, 1, 1], [], []>, precision = #tpu.contract_precision<fp32>, transpose_lhs_hint = false} : vector<256x8xf32>, vector<8x1xf32>, vector<256x1xf32> -> vector<256x1xf32>
    %broadcast_in_dim3A_141 = arith.constant 0.000000e+00 : f32
    %broadcast_in_dim3A_142 = vector.broadcast %broadcast_in_dim3A_141 : f32 to vector<256x1xf32>
    %concatenate3A_143 = tpu.concatenate %dot_general3A_126, %dot_general3A_128, %dot_general3A_137, %dot_general3A_140, %dot_general3A_131, %dot_general3A_134, %broadcast_in_dim3A_142, %broadcast_in_dim3A_142 in 1 : vector<256x1xf32>, vector<256x1xf32>, vector<256x1xf32>, vector<256x1xf32>, vector<256x1xf32>, vector<256x1xf32>, vector<256x1xf32>, vector<256x1xf32> -> vector<256x8xf32>
    %eq3A_144 = arith.cmpi eq, %iota3A_106, %iota3A_107 : vector<256x256xi32>
    %jit3A_145 = arith.constant 1.000000e+00 : f32
    %jit3A_146 = arith.constant 0.000000e+00 : f32
    %broadcast_in_dim3A_147 = vector.broadcast %jit3A_145 : f32 to vector<256x256xf32>
    %broadcast_in_dim3A_148 = vector.broadcast %jit3A_146 : f32 to vector<256x256xf32>
    %select_n3A_149 = arith.select %eq3A_144, %broadcast_in_dim3A_147, %broadcast_in_dim3A_148 : vector<256x256xi1>, vector<256x256xf32>
    %dot_general3A_150 = arith.constant dense<0.000000e+00> : vector<8x256xf32>
    %dot_general3A_151 = tpu.matmul %concatenate3A_143, %select_n3A_149, %dot_general3A_150 {dimension_numbers = #tpu.dot_dimension_numbers<[0], [0], [1], [1], [0, 1, 1, 1], [], []>, precision = #tpu.contract_precision<fp32>, transpose_lhs_hint = false} : vector<256x8xf32>, vector<256x256xf32>, vector<8x256xf32> -> vector<8x256xf32>
    %swap3A = arith.constant 0 : index
    %swap3A_152 = arith.constant 0 : index
    %swap3A_153 = vector.load %arg3[%swap3A, %swap3A_152] : memref<8x256xf32, #tpu.memory_space<vmem>>, vector<8x256xf32>
    tpu.vector_store %arg3[%swap3A, %swap3A_152], %dot_general3A_151 {strides = array<i32>} : memref<8x256xf32, #tpu.memory_space<vmem>>, vector<8x256xf32>,
    %broadcast_in_dim3A_154 = vector.shape_cast %dot_general3A_131 : vector<256x1xf32> to vector<256x1xf32>
    %broadcast_in_dim3A_155 = vector.broadcast %broadcast_in_dim3A_154 : vector<256x1xf32> to vector<256x16xf32>
    %broadcast_in_dim3A_156 = vector.shape_cast %dot_general3A_134 : vector<256x1xf32> to vector<256x1xf32>
    %broadcast_in_dim3A_157 = vector.broadcast %broadcast_in_dim3A_156 : vector<256x1xf32> to vector<256x16xf32>
    %concatenate3A_158 = tpu.concatenate %broadcast_in_dim3A_155, %broadcast_in_dim3A_157 in 1 : vector<256x16xf32>, vector<256x16xf32> -> vector<256x32xf32>
    %swap3A_159 = arith.constant 0 : index
    %swap3A_160 = arith.constant 0 : index
    %swap3A_161 = vector.load %arg4[%swap3A_159, %swap3A_160] : memref<256x32xf32, #tpu.memory_space<vmem>>, vector<256x32xf32>
    tpu.vector_store %arg4[%swap3A_159, %swap3A_160], %concatenate3A_158 {strides = array<i32>} : memref<256x32xf32, #tpu.memory_space<vmem>>, vector<256x32xf32>,
    %get3A_162 = arith.constant 0 : index
    %get3A_163 = arith.constant 0 : index
    %get3A_164 = vector.load %arg7[%get3A_162, %get3A_163] : memref<1x8xf32, #tpu.memory_space<vmem>>, vector<1x8xf32>
    %reduce_sum3A_165 = arith.constant dense<0.000000e+00> : vector<8xf32>
    %reduce_sum3A_166 = vector.multi_reduction <add>, %add3A, %reduce_sum3A_165 [0] : vector<256x8xf32> to vector<8xf32>
    %broadcast_in_dim3A_167 = vector.shape_cast %reduce_sum3A_166 : vector<8xf32> to vector<1x8xf32>
    %add3A_168 = arith.addf %get3A_164, %broadcast_in_dim3A_167 : vector<1x8xf32>
    %swap3A_169 = arith.constant 0 : index
    %swap3A_170 = arith.constant 0 : index
    %swap3A_171 = vector.load %arg7[%swap3A_169, %swap3A_170] : memref<1x8xf32, #tpu.memory_space<vmem>>, vector<1x8xf32>
    tpu.vector_store %arg7[%swap3A_169, %swap3A_170], %add3A_168 {strides = array<i32>} : memref<1x8xf32, #tpu.memory_space<vmem>>, vector<1x8xf32>,
    %eq3A_172 = arith.constant 7 : i32
    %eq3A_173 = arith.cmpi eq, %arg0, %eq3A_172 : i32
    %convert_element_type3A_174 = arith.extui %eq3A_173 : i1 to i32
    %cond3A_175 = arith.constant 0 : i32
    %cond3A_176 = arith.cmpi ne, %convert_element_type3A_174, %cond3A_175 : i32
    scf.if %cond3A_176 {
      %get3A_177 = arith.constant 0 : index
      %get3A_178 = arith.constant 0 : index
      %get3A_179 = vector.load %arg7[%get3A_177, %get3A_178] : memref<1x8xf32, #tpu.memory_space<vmem>>, vector<1x8xf32>
      %add3A_180 = arith.constant 2.550000e+02 : f32
      %add3A_181 = vector.broadcast %add3A_180 : f32 to vector<1x8xf32>
      %add3A_182 = arith.addf %get3A_179, %add3A_181 : vector<1x8xf32>
      %mul3A_183 = arith.constant 3.906250e-03 : f32
      %mul3A_184 = vector.broadcast %mul3A_183 : f32 to vector<1x8xf32>
      %mul3A_185 = arith.mulf %add3A_182, %mul3A_184 : vector<1x8xf32>
      %floor3A = math.floor %mul3A_185 : vector<1x8xf32>
      %broadcast_in_dim3A_186 = arith.constant 0.000000e+00 : f32
      %broadcast_in_dim3A_187 = vector.broadcast %broadcast_in_dim3A_186 : f32 to vector<1x1xf32>
      %mul3A_188 = arith.constant 2.560000e+02 : f32
      %mul3A_189 = vector.broadcast %mul3A_188 : f32 to vector<1x1xf32>
      %mul3A_190 = arith.mulf %broadcast_in_dim3A_187, %mul3A_189 : vector<1x1xf32>
      %slice3A_191 = vector.extract_strided_slice %floor3A {offsets = [0, 0], sizes = [1, 1], strides = [1, 1]} : vector<1x8xf32> to vector<1x1xf32>
      %add3A_192 = arith.addf %broadcast_in_dim3A_187, %slice3A_191 : vector<1x1xf32>
      %mul3A_193 = arith.constant 2.560000e+02 : f32
      %mul3A_194 = vector.broadcast %mul3A_193 : f32 to vector<1x1xf32>
      %mul3A_195 = arith.mulf %add3A_192, %mul3A_194 : vector<1x1xf32>
      %slice3A_196 = vector.extract_strided_slice %floor3A {offsets = [0, 1], sizes = [1, 1], strides = [1, 1]} : vector<1x8xf32> to vector<1x1xf32>
      %add3A_197 = arith.addf %add3A_192, %slice3A_196 : vector<1x1xf32>
      %mul3A_198 = arith.constant 2.560000e+02 : f32
      %mul3A_199 = vector.broadcast %mul3A_198 : f32 to vector<1x1xf32>
      %mul3A_200 = arith.mulf %add3A_197, %mul3A_199 : vector<1x1xf32>
      %slice3A_201 = vector.extract_strided_slice %floor3A {offsets = [0, 2], sizes = [1, 1], strides = [1, 1]} : vector<1x8xf32> to vector<1x1xf32>
      %add3A_202 = arith.addf %add3A_197, %slice3A_201 : vector<1x1xf32>
      %mul3A_203 = arith.constant 2.560000e+02 : f32
      %mul3A_204 = vector.broadcast %mul3A_203 : f32 to vector<1x1xf32>
      %mul3A_205 = arith.mulf %add3A_202, %mul3A_204 : vector<1x1xf32>
      %slice3A_206 = vector.extract_strided_slice %floor3A {offsets = [0, 3], sizes = [1, 1], strides = [1, 1]} : vector<1x8xf32> to vector<1x1xf32>
      %add3A_207 = arith.addf %add3A_202, %slice3A_206 : vector<1x1xf32>
      %mul3A_208 = arith.constant 2.560000e+02 : f32
      %mul3A_209 = vector.broadcast %mul3A_208 : f32 to vector<1x1xf32>
      %mul3A_210 = arith.mulf %add3A_207, %mul3A_209 : vector<1x1xf32>
      %slice3A_211 = vector.extract_strided_slice %floor3A {offsets = [0, 4], sizes = [1, 1], strides = [1, 1]} : vector<1x8xf32> to vector<1x1xf32>
      %add3A_212 = arith.addf %add3A_207, %slice3A_211 : vector<1x1xf32>
      %mul3A_213 = arith.constant 2.560000e+02 : f32
      %mul3A_214 = vector.broadcast %mul3A_213 : f32 to vector<1x1xf32>
      %mul3A_215 = arith.mulf %add3A_212, %mul3A_214 : vector<1x1xf32>
      %slice3A_216 = vector.extract_strided_slice %floor3A {offsets = [0, 5], sizes = [1, 1], strides = [1, 1]} : vector<1x8xf32> to vector<1x1xf32>
      %add3A_217 = arith.addf %add3A_212, %slice3A_216 : vector<1x1xf32>
      %mul3A_218 = arith.constant 2.560000e+02 : f32
      %mul3A_219 = vector.broadcast %mul3A_218 : f32 to vector<1x1xf32>
      %mul3A_220 = arith.mulf %add3A_217, %mul3A_219 : vector<1x1xf32>
      %slice3A_221 = vector.extract_strided_slice %floor3A {offsets = [0, 6], sizes = [1, 1], strides = [1, 1]} : vector<1x8xf32> to vector<1x1xf32>
      %add3A_222 = arith.addf %add3A_217, %slice3A_221 : vector<1x1xf32>
      %mul3A_223 = arith.constant 2.560000e+02 : f32
      %mul3A_224 = vector.broadcast %mul3A_223 : f32 to vector<1x1xf32>
      %mul3A_225 = arith.mulf %add3A_222, %mul3A_224 : vector<1x1xf32>
      %slice3A_226 = vector.extract_strided_slice %floor3A {offsets = [0, 7], sizes = [1, 1], strides = [1, 1]} : vector<1x8xf32> to vector<1x1xf32>
      %add3A_227 = arith.addf %add3A_222, %slice3A_226 : vector<1x1xf32>
      %concatenate3A_228 = tpu.concatenate %mul3A_190, %mul3A_195, %mul3A_200, %mul3A_205, %mul3A_210, %mul3A_215, %mul3A_220, %mul3A_225 in 1 : vector<1x1xf32>, vector<1x1xf32>, vector<1x1xf32>, vector<1x1xf32>, vector<1x1xf32>, vector<1x1xf32>, vector<1x1xf32>, vector<1x1xf32> -> vector<1x8xf32>
      %iota3A_229 = tpu.iota {dimensions = array<i32: 0>} : vector<8x8xi32>
      %iota3A_230 = tpu.iota {dimensions = array<i32: 1>} : vector<8x8xi32>
      %eq3A_231 = arith.cmpi eq, %iota3A_229, %iota3A_230 : vector<8x8xi32>
      %jit3A_232 = arith.constant 1.000000e+00 : f32
      %jit3A_233 = arith.constant 0.000000e+00 : f32
      %broadcast_in_dim3A_234 = vector.broadcast %jit3A_232 : f32 to vector<8x8xf32>
      %broadcast_in_dim3A_235 = vector.broadcast %jit3A_233 : f32 to vector<8x8xf32>
      %select_n3A_236 = arith.select %eq3A_231, %broadcast_in_dim3A_234, %broadcast_in_dim3A_235 : vector<8x8xi1>, vector<8x8xf32>
      %dot_general3A_237 = arith.constant dense<0.000000e+00> : vector<8x1xf32>
      %dot_general3A_238 = tpu.matmul %select_n3A_236, %concatenate3A_228, %dot_general3A_237 {dimension_numbers = #tpu.dot_dimension_numbers<[1], [1], [0], [0], [0, 0, 1, 0], [], []>, precision = #tpu.contract_precision<fp32>, transpose_lhs_hint = false} : vector<8x8xf32>, vector<1x8xf32>, vector<8x1xf32> -> vector<8x1xf32>
      %broadcast_in_dim3A_239 = arith.constant 1.000000e+00 : f32
      %broadcast_in_dim3A_240 = vector.broadcast %broadcast_in_dim3A_239 : f32 to vector<1x16xf32>
      %dot_general3A_241 = arith.constant dense<0.000000e+00> : vector<8x16xf32>
      %dot_general3A_242 = tpu.matmul %dot_general3A_238, %broadcast_in_dim3A_240, %dot_general3A_241 {dimension_numbers = #tpu.dot_dimension_numbers<[1], [0], [0], [1], [0, 0, 1, 1], [], []>, precision = #tpu.contract_precision<fp32>, transpose_lhs_hint = false} : vector<8x1xf32>, vector<1x16xf32>, vector<8x16xf32> -> vector<8x16xf32>
      %swap3A_243 = arith.constant 0 : index
      %swap3A_244 = arith.constant 0 : index
      %swap3A_245 = vector.load %arg5[%swap3A_243, %swap3A_244] : memref<8x16xf32, #tpu.memory_space<vmem>>, vector<8x16xf32>
      tpu.vector_store %arg5[%swap3A_243, %swap3A_244], %dot_general3A_242 {strides = array<i32>} : memref<8x16xf32, #tpu.memory_space<vmem>>, vector<8x16xf32>,
      %iota3A_246 = tpu.iota {dimensions = array<i32: 1>} : vector<1x24xi32>
      %convert_element_type3A_247 = arith.sitofp %iota3A_246 : vector<1x24xi32> to vector<1x24xf32>
      %ge3A = vector.broadcast %add3A_192 : vector<1x1xf32> to vector<1x24xf32>
      %ge3A_248 = arith.cmpf oge, %convert_element_type3A_247, %ge3A : vector<1x24xf32>
      %jit3A_249 = arith.constant 1.000000e+00 : f32
      %jit3A_250 = arith.constant 0.000000e+00 : f32
      %broadcast_in_dim3A_251 = vector.broadcast %jit3A_249 : f32 to vector<1x24xf32>
      %broadcast_in_dim3A_252 = vector.broadcast %jit3A_250 : f32 to vector<1x24xf32>
      %select_n3A_253 = arith.select %ge3A_248, %broadcast_in_dim3A_251, %broadcast_in_dim3A_252 : vector<1x24xi1>, vector<1x24xf32>
      %add3A_254 = arith.constant 0.000000e+00 : f32
      %add3A_255 = vector.broadcast %add3A_254 : f32 to vector<1x24xf32>
      %add3A_256 = arith.addf %add3A_255, %select_n3A_253 : vector<1x24xf32>
      %ge3A_257 = vector.broadcast %add3A_197 : vector<1x1xf32> to vector<1x24xf32>
      %ge3A_258 = arith.cmpf oge, %convert_element_type3A_247, %ge3A_257 : vector<1x24xf32>
      %jit3A_259 = arith.constant 1.000000e+00 : f32
      %jit3A_260 = arith.constant 0.000000e+00 : f32
      %broadcast_in_dim3A_261 = vector.broadcast %jit3A_259 : f32 to vector<1x24xf32>
      %broadcast_in_dim3A_262 = vector.broadcast %jit3A_260 : f32 to vector<1x24xf32>
      %select_n3A_263 = arith.select %ge3A_258, %broadcast_in_dim3A_261, %broadcast_in_dim3A_262 : vector<1x24xi1>, vector<1x24xf32>
      %add3A_264 = arith.addf %add3A_256, %select_n3A_263 : vector<1x24xf32>
      %ge3A_265 = vector.broadcast %add3A_202 : vector<1x1xf32> to vector<1x24xf32>
      %ge3A_266 = arith.cmpf oge, %convert_element_type3A_247, %ge3A_265 : vector<1x24xf32>
      %jit3A_267 = arith.constant 1.000000e+00 : f32
      %jit3A_268 = arith.constant 0.000000e+00 : f32
      %broadcast_in_dim3A_269 = vector.broadcast %jit3A_267 : f32 to vector<1x24xf32>
      %broadcast_in_dim3A_270 = vector.broadcast %jit3A_268 : f32 to vector<1x24xf32>
      %select_n3A_271 = arith.select %ge3A_266, %broadcast_in_dim3A_269, %broadcast_in_dim3A_270 : vector<1x24xi1>, vector<1x24xf32>
      %add3A_272 = arith.addf %add3A_264, %select_n3A_271 : vector<1x24xf32>
      %ge3A_273 = vector.broadcast %add3A_207 : vector<1x1xf32> to vector<1x24xf32>
      %ge3A_274 = arith.cmpf oge, %convert_element_type3A_247, %ge3A_273 : vector<1x24xf32>
      %jit3A_275 = arith.constant 1.000000e+00 : f32
      %jit3A_276 = arith.constant 0.000000e+00 : f32
      %broadcast_in_dim3A_277 = vector.broadcast %jit3A_275 : f32 to vector<1x24xf32>
      %broadcast_in_dim3A_278 = vector.broadcast %jit3A_276 : f32 to vector<1x24xf32>
      %select_n3A_279 = arith.select %ge3A_274, %broadcast_in_dim3A_277, %broadcast_in_dim3A_278 : vector<1x24xi1>, vector<1x24xf32>
      %add3A_280 = arith.addf %add3A_272, %select_n3A_279 : vector<1x24xf32>
      %ge3A_281 = vector.broadcast %add3A_212 : vector<1x1xf32> to vector<1x24xf32>
      %ge3A_282 = arith.cmpf oge, %convert_element_type3A_247, %ge3A_281 : vector<1x24xf32>
      %jit3A_283 = arith.constant 1.000000e+00 : f32
      %jit3A_284 = arith.constant 0.000000e+00 : f32
      %broadcast_in_dim3A_285 = vector.broadcast %jit3A_283 : f32 to vector<1x24xf32>
      %broadcast_in_dim3A_286 = vector.broadcast %jit3A_284 : f32 to vector<1x24xf32>
      %select_n3A_287 = arith.select %ge3A_282, %broadcast_in_dim3A_285, %broadcast_in_dim3A_286 : vector<1x24xi1>, vector<1x24xf32>
      %add3A_288 = arith.addf %add3A_280, %select_n3A_287 : vector<1x24xf32>
      %ge3A_289 = vector.broadcast %add3A_217 : vector<1x1xf32> to vector<1x24xf32>
      %ge3A_290 = arith.cmpf oge, %convert_element_type3A_247, %ge3A_289 : vector<1x24xf32>
      %jit3A_291 = arith.constant 1.000000e+00 : f32
      %jit3A_292 = arith.constant 0.000000e+00 : f32
      %broadcast_in_dim3A_293 = vector.broadcast %jit3A_291 : f32 to vector<1x24xf32>
      %broadcast_in_dim3A_294 = vector.broadcast %jit3A_292 : f32 to vector<1x24xf32>
      %select_n3A_295 = arith.select %ge3A_290, %broadcast_in_dim3A_293, %broadcast_in_dim3A_294 : vector<1x24xi1>, vector<1x24xf32>
      %add3A_296 = arith.addf %add3A_288, %select_n3A_295 : vector<1x24xf32>
      %ge3A_297 = vector.broadcast %add3A_222 : vector<1x1xf32> to vector<1x24xf32>
      %ge3A_298 = arith.cmpf oge, %convert_element_type3A_247, %ge3A_297 : vector<1x24xf32>
      %jit3A_299 = arith.constant 1.000000e+00 : f32
      %jit3A_300 = arith.constant 0.000000e+00 : f32
      %broadcast_in_dim3A_301 = vector.broadcast %jit3A_299 : f32 to vector<1x24xf32>
      %broadcast_in_dim3A_302 = vector.broadcast %jit3A_300 : f32 to vector<1x24xf32>
      %select_n3A_303 = arith.select %ge3A_298, %broadcast_in_dim3A_301, %broadcast_in_dim3A_302 : vector<1x24xi1>, vector<1x24xf32>
      %add3A_304 = arith.addf %add3A_296, %select_n3A_303 : vector<1x24xf32>
      %ge3A_305 = vector.broadcast %add3A_227 : vector<1x1xf32> to vector<1x24xf32>
      %ge3A_306 = arith.cmpf oge, %convert_element_type3A_247, %ge3A_305 : vector<1x24xf32>
      %jit3A_307 = arith.constant 1.000000e+00 : f32
      %jit3A_308 = arith.constant 0.000000e+00 : f32
      %broadcast_in_dim3A_309 = vector.broadcast %jit3A_307 : f32 to vector<1x24xf32>
      %broadcast_in_dim3A_310 = vector.broadcast %jit3A_308 : f32 to vector<1x24xf32>
      %select_n3A_311 = arith.select %ge3A_306, %broadcast_in_dim3A_309, %broadcast_in_dim3A_310 : vector<1x24xi1>, vector<1x24xf32>
      %add3A_312 = arith.addf %add3A_304, %select_n3A_311 : vector<1x24xf32>
      %min3A = arith.constant 7.000000e+00 : f32
      %min3A_313 = vector.broadcast %min3A : f32 to vector<1x24xf32>
      %min3A_314 = arith.minimumf %add3A_312, %min3A_313 : vector<1x24xf32>
      %convert_element_type3A_315 = arith.fptosi %min3A_314 : vector<1x24xf32> to vector<1x24xi32>
      %reshape3A = vector.shape_cast %convert_element_type3A_315 : vector<1x24xi32> to vector<1x1x24xi32>
      %swap3A_316 = arith.constant 0 : index
      %swap3A_317 = arith.constant 0 : index
      %swap3A_318 = arith.constant 0 : index
      %swap3A_319 = vector.load %arg6[%swap3A_316, %swap3A_317, %swap3A_318] : memref<1x1x24xi32, #tpu.memory_space<vmem>>, vector<1x1x24xi32>
      tpu.vector_store %arg6[%swap3A_316, %swap3A_317, %swap3A_318], %reshape3A {strides = array<i32>} : memref<1x1x24xi32, #tpu.memory_space<vmem>>, vector<1x1x24xi32>,
    } else {
    }
    return
  }
  func.func @transform_0(%arg0: i32) -> (i32, i32) {
    %c0_i32 = arith.constant 0 : i32
    %c0_i32_0 = arith.constant 0 : i32
    return %arg0, %c0_i32 : i32, i32
  }
  func.func @transform_1(%arg0: i32) -> (i32, i32) {
    %c0_i32 = arith.constant 0 : i32
    %c0_i32_0 = arith.constant 0 : i32
    %c0_i32_1 = arith.constant 0 : i32
    return %c0_i32, %c0_i32_0 : i32, i32
  }
  func.func @transform_2(%arg0: i32) -> (i32, i32) {
    %c0_i32 = arith.constant 0 : i32
    %c0_i32_0 = arith.constant 0 : i32
    return %c0_i32, %arg0 : i32, i32
  }
  func.func @transform_3(%arg0: i32) -> (i32, i32) {
    %c0_i32 = arith.constant 0 : i32
    %c0_i32_0 = arith.constant 0 : i32
    return %arg0, %c0_i32 : i32, i32
  }
  func.func @transform_4(%arg0: i32) -> (i32, i32) {
    %c0_i32 = arith.constant 0 : i32
    %c0_i32_0 = arith.constant 0 : i32
    %c0_i32_1 = arith.constant 0 : i32
    return %c0_i32, %c0_i32_0 : i32, i32
  }
  func.func @transform_5(%arg0: i32) -> (i32, i32, i32) {
    %c0_i32 = arith.constant 0 : i32
    %c0_i32_0 = arith.constant 0 : i32
    %c0_i32_1 = arith.constant 0 : i32
    %c0_i32_2 = arith.constant 0 : i32
    return %c0_i32, %c0_i32_0, %c0_i32_1 : i32, i32, i32
  }
}

module attributes {stable_mosaic.version = 14 : i64} {
  func.func @_merge_body(%arg0: i32, %arg1: memref<256x2048xf32, #tpu.memory_space<vmem>>, %arg2: memref<256x2048xf32, #tpu.memory_space<vmem>>, %arg3: memref<256x2048xf32, #tpu.memory_space<vmem>>, %arg4: memref<256x32xf32, #tpu.memory_space<vmem>>, %arg5: memref<256x2048xf32, #tpu.memory_space<vmem>>) attributes {dimension_semantics = [#tpu.dimension_semantics<arbitrary>], iteration_bounds = array<i64: 8>, scalar_prefetch = 0 : i64, scratch_operands = 0 : i64, tpu.core_type = #tpu.core_type<tc>, window_params = [{transform_indices = @transform_0, window_bounds = array<i64: 256, 2048>}, {transform_indices = @transform_1, window_bounds = array<i64: 256, 2048>}, {transform_indices = @transform_2, window_bounds = array<i64: 256, 2048>}, {transform_indices = @transform_3, window_bounds = array<i64: 256, 32>}, {transform_indices = @transform_4, window_bounds = array<i64: 256, 2048>}]} {
    %get3A = arith.constant 0 : index
    %get3A_0 = arith.constant 0 : index
    %get3A_1 = vector.load %arg4[%get3A, %get3A_0] : memref<256x32xf32, #tpu.memory_space<vmem>>, vector<256x1xf32>
    %get3A_2 = arith.constant 0 : index
    %get3A_3 = arith.constant 16 : index
    %get3A_4 = vector.load %arg4[%get3A_2, %get3A_3] : memref<256x32xf32, #tpu.memory_space<vmem>>, vector<256x1xf32>
    %get3A_5 = arith.constant 0 : index
    %get3A_6 = arith.constant 0 : index
    %get3A_7 = vector.load %arg1[%get3A_5, %get3A_6] : memref<256x2048xf32, #tpu.memory_space<vmem>>, vector<256x2048xf32>
    %get3A_8 = arith.constant 0 : index
    %get3A_9 = arith.constant 0 : index
    %get3A_10 = vector.load %arg2[%get3A_8, %get3A_9] : memref<256x2048xf32, #tpu.memory_space<vmem>>, vector<256x2048xf32>
    %mul3A = vector.broadcast %get3A_1 : vector<256x1xf32> to vector<256x2048xf32>
    %mul3A_11 = arith.mulf %mul3A, %get3A_10 : vector<256x2048xf32>
    %add3A = arith.addf %get3A_7, %mul3A_11 : vector<256x2048xf32>
    %get3A_12 = arith.constant 0 : index
    %get3A_13 = arith.constant 0 : index
    %get3A_14 = vector.load %arg3[%get3A_12, %get3A_13] : memref<256x2048xf32, #tpu.memory_space<vmem>>, vector<256x2048xf32>
    %mul3A_15 = vector.broadcast %get3A_4 : vector<256x1xf32> to vector<256x2048xf32>
    %mul3A_16 = arith.mulf %mul3A_15, %get3A_14 : vector<256x2048xf32>
    %add3A_17 = arith.addf %add3A, %mul3A_16 : vector<256x2048xf32>
    %swap3A = arith.constant 0 : index
    %swap3A_18 = arith.constant 0 : index
    %swap3A_19 = vector.load %arg5[%swap3A, %swap3A_18] : memref<256x2048xf32, #tpu.memory_space<vmem>>, vector<256x2048xf32>
    tpu.vector_store %arg5[%swap3A, %swap3A_18], %add3A_17 {strides = array<i32>} : memref<256x2048xf32, #tpu.memory_space<vmem>>, vector<256x2048xf32>,
    return
  }
  func.func @transform_0(%arg0: i32) -> (i32, i32) {
    %c0_i32 = arith.constant 0 : i32
    %c0_i32_0 = arith.constant 0 : i32
    return %arg0, %c0_i32 : i32, i32
  }
  func.func @transform_1(%arg0: i32) -> (i32, i32) {
    %c0_i32 = arith.constant 0 : i32
    %c0_i32_0 = arith.constant 0 : i32
    return %arg0, %c0_i32 : i32, i32
  }
  func.func @transform_2(%arg0: i32) -> (i32, i32) {
    %c0_i32 = arith.constant 0 : i32
    %c0_i32_0 = arith.constant 0 : i32
    return %arg0, %c0_i32 : i32, i32
  }
  func.func @transform_3(%arg0: i32) -> (i32, i32) {
    %c0_i32 = arith.constant 0 : i32
    %c0_i32_0 = arith.constant 0 : i32
    return %arg0, %c0_i32 : i32, i32
  }
  func.func @transform_4(%arg0: i32) -> (i32, i32) {
    %c0_i32 = arith.constant 0 : i32
    %c0_i32_0 = arith.constant 0 : i32
    return %arg0, %c0_i32 : i32, i32
  }
}

</mosaic_0001>

<sc_bundles>
// kernel: kernel.11.cloned.1.call-start
scs
__scs_entry_jumppad:
0x0: {  	(pc) =	sbr.rel $0x88, $3  }
0x1: {  	(tag) =	ssettag $0x0;
	lr =	simm.s32 $0x1  }
0x2: {  	[smem:$0x3F99] =	sst lr;
	_ =	strace $0xD0000000  }
0x3: {  	_ = 	snop  }
0x4: {  	_ = 	snop  }
0x5: {  	_ = 	snop  }
0x6: {  	_ = 	snop  }
0x7: {  	_ = 	snop  }
__scs_overlays_trampoline_lowered:
0x8: {  	[smem:$0x3FA8] =	sst s0  }
0x9: {  	[smem:$0x3FA9] =	sst s1  }
0xa: {  	[smem:$0x3FAA] =	sst s2  }
0xb: {  	[smem:$0x3FAB] =	sst s3  }
0xc: {  	[smem:$0x3FAC] =	sst s4  }
0xd: {  	[smem:$0x3FAD] =	sst s5  }
0xe: {  	[smem:$0x3FAE] =	sst s6  }
0xf: {  	[smem:$0x3FAF] =	sst s7  }
0x10: {  	[smem:$0x3FB0] =	sst s8  }
0x11: {  	[smem:$0x3FB1] =	sst s9;
	s0 =	simm.s32 @!p0 $0x0  }
0x12: {  	s1 =	sld [smem:$0x3F97];
	s0 =	simm.s32 @p0 $0x1  }
0x13: {  	[smem:$0x3FB2] =	sst s0;
	s0 =	simm.s32 @!p1 $0x0  }
0x14: {  	s2 =	sld [smem:$0x3F96];
	s0 =	simm.s32 @p1 $0x1  }
0x15: {  	[smem:$0x3FB3] =	sst s0;
	s0 =	simm.s32 @!p2 $0x0  }
0x16: {  	s3 =	sld [smem:$0x3FDB];
	s0 =	simm.s32 @p2 $0x1  }
0x17: {  	s4 =	simm.s32 $0x1BF5;
	[smem:$0x3FB5] =	sst s0  }
0x18: {  	s0 =	sld [smem:$0x3F98];
	_ =	swait.ge [sflag:s4], $0x0  }
0x19: {  	s7 =	sld [smem:$0x3F99]  }
0x1a: {  	s8 =	sadd.s32 $0xFFFFE003, lr  }
0x1b: {  	s9 =	sadd.s32 $0xFFFFFEF7, lr;
	s5 =	simm.s32 $0xFFFFFFFF;
	p2 =	slt.u32 s8, $0xFFFFF086  }
0x1c: {  	p1 =	slt.u32 s9, $0xF7A;
	s5 =	simm.s32 @!p2 $0x0  }
0x1d: {  	s5 =	simm.s32 @p1 $0x1;
	p0 =	seq.s32 s7, s2  }
0x1e: {  	s7 =	smul.u32 @!p0 $0xF7A, s2;
	p2 =	seq.s32 @!p0 s5, $0x0  }
0x1f: {  	s9 =	smul.u32 $0xF7A, s1;
	s8 =	simm.s32 @!p0 $0x1BF5;
	p2 =	por !p2, p0  }
0x20: {  	[sflag:s8] =	ssyncset.s32 @!p0 $0xFFFFF086;
	s6 =	sadd.s32 @!p0 s3, s7;
	s7 =	simm.s32 @!p0 $0x108  }
0x21: {  	s3 =	sadd.s32 s3, s9;
	s6 =	sadd.s32 @!p0 $0x88, s6;
	s7 =	simm.s32 @p2 $0x1082  }
0x22: {  	[simem:s7], [sflag:s8] =	dma.local @!p0 [hbm:s6], $0xF7A  }
0x23: {  	s9 =	sor.u32 $0xD0000000, s2;
	s6 =	simm.s32 $0x108;
	_ =	swait.ge @!p0 [sflag:s8], $0x0  }
0x24: {  	s3 =	sadd.s32 $0x88, s3;
	s6 =	simm.s32 @!p1 $0x1082;
	[sflag:s4] =	ssyncset.s32 $0xFFFFF086  }
0x25: {  	[simem:s6], [sflag:s4] =	dma.local [hbm:s3], $0xF7A  }
0x26: {  	[smem:$0x3F99] =	sst s1;
	(tag) =	ssettag s2;
	_ =	strace s9  }
0x27: {  	s1 =	sld [smem:$0x3FA9]  }
0x28: {  	s2 =	sld [smem:$0x3FAA]  }
0x29: {  	s4 =	sld [smem:$0x3FAC]  }
0x2a: {  	p0 =	seq.s32 s5, $0x0;
	s5 =	sld [smem:$0x3FAD]  }
0x2b: {  	s6 =	sld [smem:$0x3FAE]  }
0x2c: {  	s7 =	sld [smem:$0x3FAF]  }
0x2d: {  	s3 =	simm.s32 $0x108;
	s8 =	sld [smem:$0x3FB0]  }
0x2e: {  	s3 =	simm.s32 @!p0 $0x1082;
	s9 =	sld [smem:$0x3FB1]  }
0x2f: {  	lr =	sadd.s32 s0, s3;
	s0 =	sld [smem:$0x3FA8]  }
0x30: {  	s3 =	sld [smem:$0x3FAB]  }
0x31: {  	[smem:$0x3FB4] =	sst s10  }
0x32: {  	s10 =	sld [smem:$0x3FB2];
	_ =	sdelay $0x3  }
0x33: {  	p0 =	seq.s32 s10, $0x1;
	s10 =	sld [smem:$0x3FB4];
	_ =	sdelay $0x3  }
0x34: {  	[smem:$0x3FB4] =	sst s10  }
0x35: {  	s10 =	sld [smem:$0x3FB3];
	_ =	sdelay $0x3  }
0x36: {  	p1 =	seq.s32 s10, $0x1;
	s10 =	sld [smem:$0x3FB4];
	_ =	sdelay $0x3  }
0x37: {  	[smem:$0x3FB4] =	sst s10  }
0x38: {  	s10 =	sld [smem:$0x3FB5]  }
0x39: {  	_ = 	snop;
	(pc) =	sbr.ind lr, $3  }
0x3a: {  	_ = 	snop  }
0x3b: {  	_ = 	snop  }
0x3c: {  	p2 =	seq.s32 s10, $0x1;
	s10 =	sld [smem:$0x3FB4]  }
0x3d: {  	_ =	shalt  }
0x3e: {  	_ =	shalt  }
0x3f: {  	_ =	shalt  }
0x40: {  	_ =	shalt  }
0x41: {  	_ =	shalt  }
0x42: {  	_ =	shalt  }
0x43: {  	_ =	shalt  }
0x44: {  	_ =	shalt  }
0x45: {  	_ =	shalt  }
0x46: {  	_ =	shalt  }
0x47: {  	_ =	shalt  }
0x48: {  	_ =	shalt  }
0x49: {  	_ =	shalt  }
0x4a: {  	_ =	shalt  }
0x4b: {  	_ =	shalt  }
0x4c: {  	_ =	shalt  }
0x4d: {  	_ =	shalt  }
0x4e: {  	_ =	shalt  }
0x4f: {  	_ =	shalt  }
0x50: {  	_ =	shalt  }
0x51: {  	_ =	shalt  }
0x52: {  	_ =	shalt  }
0x53: {  	_ =	shalt  }
0x54: {  	_ =	shalt  }
0x55: {  	_ =	shalt  }
0x56: {  	_ =	shalt  }
0x57: {  	_ =	shalt  }
0x58: {  	_ =	shalt  }
0x59: {  	_ =	shalt  }
0x5a: {  	_ =	shalt  }
0x5b: {  	_ =	shalt  }
0x5c: {  	_ =	shalt  }
0x5d: {  	_ =	shalt  }
0x5e: {  	_ =	shalt  }
0x5f: {  	_ =	shalt  }
0x60: {  	_ =	shalt  }
0x61: {  	_ =	shalt  }
0x62: {  	_ =	shalt  }
0x63: {  	_ =	shalt  }
0x64: {  	_ =	shalt  }
0x65: {  	_ =	shalt  }
0x66: {  	_ =	shalt  }
0x67: {  	_ =	shalt  }
0x68: {  	_ =	shalt  }
0x69: {  	_ =	shalt  }
0x6a: {  	_ =	shalt  }
0x6b: {  	_ =	shalt  }
0x6c: {  	_ =	shalt  }
0x6d: {  	_ =	shalt  }
0x6e: {  	_ =	shalt  }
0x6f: {  	_ =	shalt  }
0x70: {  	_ =	shalt  }
0x71: {  	_ =	shalt  }
0x72: {  	_ =	shalt  }
0x73: {  	_ =	shalt  }
0x74: {  	_ =	shalt  }
0x75: {  	_ =	shalt  }
0x76: {  	_ =	shalt  }
0x77: {  	_ =	shalt  }
0x78: {  	_ =	shalt  }
0x79: {  	_ =	shalt  }
0x7a: {  	_ =	shalt  }
0x7b: {  	_ =	shalt  }
0x7c: {  	_ =	shalt  }
0x7d: {  	_ =	shalt  }
0x7e: {  	_ =	shalt  }
0x7f: {  	_ =	shalt  }
0x80: {  	_ =	shalt  }
0x81: {  	_ =	shalt  }
0x82: {  	_ =	shalt  }
0x83: {  	_ =	shalt  }
0x84: {  	_ =	shalt  }
0x85: {  	_ =	shalt  }
0x86: {  	_ =	shalt  }
0x87: {  	_ =	shalt  }
.Lfunc_end0:
.L_simem_size_0:
called_computation.1_lowered:
.L_overlay_start_0:
0x88: {  	s2 =	sld [smem:$0x3FD9]  }
0x89: {  	s3 =	sld [smem:$0x3FFE];
	_ =	sdelay $0x1  }
0x8a: {  	s1 =	srdreg.scid  }
0x8b: {  	s0 =	sand.u32 $0x1, s1  }
0x8c: {  	s16 =	sshll.u32 s0, $0xA;
	s2 =	sadd.s32 s3, s2  }
0x8d: {  	s2 =	sadd.s32 s2, s16  }
0x8e: {  	[smem:$0x3FC0] =	sst s2  }
0x8f: {  	_ = 	snop  }
0x90: {  	(tm) =	ssettm $0x1  }
0x91: {  	s17 =	sld [smem:$0x3FFB];
	_ =	sdelay $0x3  }
0x92: {  	_ =	strace s17  }
0x93: {  	s2 =	sld [smem:$0x3FFC];
	_ =	sdelay $0x3  }
0x94: {  	_ =	strace s2  }
0x95: {  	s2 =	sld [smem:$0x3FFD];
	_ =	sdelay $0x3  }
0x96: {  	_ =	strace s2  }
0x97: {  	_ =	strace $0x8FFFFFFF  }
0x98: {  	s18 =	sld [smem:$0x3FDB];
	_ =	sdelay $0x1  }
0x99: {  	s19 =	simm.s32 $_scs_section_size  }
0x9a: {  	s4 =	simm.s32 $_size__tile_overlayer_lowered;
	s5 =	simm.s32 $_tile_overlayer_lowered  }
0x9b: {  	s22 =	simm.s32 $0x1BFF;
	s21 =	sshll.u32 s5, $0x1;
	s2 =	sadd.s32 s19, s18  }
0x9c: {  	s6 =	simm.s32 $0x0;
	s20 =	sshll.u32 s4, $0x1;
	s4 =	sadd.s32 s21, s2  }
0x9d: {  	[timem:s6], [sflag:s22] =	dma.local [hbm:s4], s20  }
0x9e: {  	_ =	swait.ge [sflag:s22], s20  }
0x9f: {  	s3 =	ssub.s32 $0x0, s20;
	[sflag:s22] =	ssyncset.done $0x0  }
0xa0: {  	[sflag:s22] =	ssyncadd.s32 s3;
	_ =	sdelay $0x1  }
0xa1: {  	s23 =	simm.s32 $0x1B8B  }
0xa2: {  	_ =	swait.ge [sflag:s23], $0x1  }
0xa3: {  	[sflag:s23] =	ssyncset.done $0x0  }
0xa4: {  	s25 =	simm.s32 $0x1B8E;
	s24 =	sld [smem:$0x3FFE];
	[sflag:s23] =	ssyncadd.s32 $0xFFFFFFFF  }
0xa5: {  	s26 =	simm.s32 $execute0_lowered;
	[smem:$0x3FD2] =	sst s25  }
0xa6: {  	s4 =	sshll.u32 s26, $0x1;
	_ =	strace $0x80000049;
	[dreg:$0x1] =	wrdreg $0xFFFFFFFF  }
0xa7: {  	s28 =	simm.s32 $_size_execute0_lowered;
	s2 =	sadd.s32 s2, s4;
	[dreg:$0x0] =	wrdreg $0x0  }
0xa8: {  	s4 =	sshll.u32 s28, $0x1;
	[dreg:$0x2] =	wrdreg s2  }
0xa9: {  	[dreg:$0x3] =	wrdreg s4  }
0xaa: {  	[dreg:$0x4] =	wrdreg $0xC0  }
0xab: {  	_ =	task [dreg:s6], $0x5FFFF  }
0xac: {  	[dreg:$0x1] =	wrdreg $0xFFFFFFFF  }
0xad: {  	[dreg:$0x0] =	wrdreg $0x60  }
0xae: {  	[dreg:$0x2] =	wrdreg s24  }
0xaf: {  	[dreg:$0x3] =	wrdreg $0x9  }
0xb0: {  	_ =	task.clear_ibuf [dreg:s6], $0x4FFFF;
	_ =	strace $0x90000049  }
0xb1: {  	s29 =	simm.s32 $0x9;
	_ =	strace $0x8000004B  }
0xb2: {  	_ =	swait.ge [sflag:s29], $0x1  }
0xb3: {  	[sflag:s29] =	ssyncadd.s32 $0xFFFFFFFF  }
0xb4: {  	_ =	strace $0x9000004B  }
0xb5: {  	_ =	sfence  }
0xb6: {  	s30 =	sld [smem:$0x0];
	_ =	sdelay $0x2  }
0xb7: {  	s31 =	sshll.u32 s1, $0xD;
	s1 =	sshrl.u32 s1, $0x2  }
0xb8: {  	s3 =	sand.u32 $0x4000, s31;
	s1 =	sadd.s32 s1, s30  }
0xb9: {  	s0 =	sor.u32 s3, s0;
	s1 =	sshll.u32 s1, $0x11  }
0xba: {  	s0 =	sor.u32 s1, s0  }
0xbb: {  	s0 =	sadd.s32 $0x8F2B, s0  }
0xbc: {  	[sflag:s0] =	ssyncadd.remote.s32 $0x1  }
0xbd: {  	_ =	sfence.sel $0xFFFF  }
0xbe: {  	[dreg:$0x0] =	wrdreg $0xFFFFFFFF;
	(pc) =	sbr.abs _section_cstart, $3  }
0xbf: {  	[dreg:$0x1] =	wrdreg $0xFFFFFFFF  }
0xc0: {  	_ =	task.clear_ibuf [dreg:s6], $0x2FFFF;
	_ =	strace $0x9FFFFFFF  }
0xc1: {  	(tm) =	ssettm $0x7FFFFFFF  }
tec
execute0_lowered:
.L_overlay_start_1:
0x0: {  	(tag) =	ssettag $0x1  }
0x1: {  	s0 =	rddreg [dreg:$0x0]  }
0x2: {  	s1 =	srdreg.scid;
	s3 =	stileid.u32  }
0x3: {  	s2 =	simm.s32 $0x0;
	s24 =	simm.s32 $0x80;
	s30 =	simm.s32 $0x1  }
0x4: {  	s31 =	simm.s32 $0x8080;
	s1 =	sand.u32 $0x1, s1;
	s3 =	sshll.u32 s3, $0x1  }
0x5: {  	[smem:$0x7FF] =	sst s2;
	s6 =	sadd.s32 $0x2A00, s0;
	s9 =	sadd.s32 $0x82A00, s0  }
0x6: {  	s4 =	sor.u32 s1, s3;
	_ =	strace $0x8000004A;
	s1 =	ssub.s32 $0x2, s1  }
0x7: {  	s3 =	sadd.s32 $0x182E00, s0;
	s5 =	sshll.u32 s4, $0x4;
	s7 =	sshrl.u32 s1, $0x1  }
0x8: {  	s26 =	sshll.u32 s4, $0xE;
	s5 =	sadd.s32 s5, s0;
	s1 =	ssub.s32 s1, s7  }
0x9: {  	s4 =	sadd.s32 s6, s26;
	s8 =	sor.u32 $0x1000, s26;
	s10 =	sor.u32 $0x2000, s26  }
0xa: {  	s11 =	sor.u32 $0x3000, s26;
	s7 =	sadd.s32 s9, s26;
	[dreg:$0x3] =	wrdreg s4  }
0xb: {  	s26 =	simm.s32 $0x2;
	s5 =	sadd.s32 $0x182C00, s5;
	[dreg:$0x7] =	wrdreg s7  }
0xc: {  	s28 =	sadd.s32 s6, s8;
	s29 =	sadd.s32 s6, s10;
	[dreg:$0x2] =	wrdreg s5  }
0xd: {  	s4 =	sadd.s32 $0x182F00, s0;
	s6 =	sadd.s32 s6, s11;
	[dreg:$0x4] =	wrdreg s28  }
0xe: {  	s8 =	sadd.s32 s9, s8;
	s7 =	sadd.s32 $0x183200, s0;
	[dreg:$0x5] =	wrdreg s29  }
0xf: {  	s10 =	sadd.s32 s9, s10;
	s11 =	sadd.s32 s9, s11;
	[dreg:$0x6] =	wrdreg s6  }
0x10: {  	v2 =	vlaneseq.u32;
	s9 =	sadd.s32 $0x183400, s0;
	s5 =	sadd.s32 $0x183000, s0;
	[dreg:$0x8] =	wrdreg s8  }
0x11: {  	vm0 =	vmmov $0xffff;
	v1 =	vshrl.u32 v2, $0x3;
	s6 =	sadd.s32 $0x183100, s0;
	s8 =	sadd.s32 $0x183300, s0;
	[dreg:$0x9] =	wrdreg s10  }
0x12: {  	v0 =	vand.u32 $0x7, v2;
	v2 =	vor.u32 $0x8, v2;
	v1 =	vmul.u32 $0x8, v1;
	s10 =	sadd.s32 $0x183500, s0;
	[dreg:$0xa] =	wrdreg s11;
	s11 =	smax.u32 s1, $0x1  }
.LBB2_1:
0x13: {  	s28 =	rddreg [dreg:$0x2];
	s0 =	simm.s32 $0x3  }
0x14: {  	[tilespmem:s2], [sflag:$0x3] =	stream.linear.gather [hbm4b:s28+s2], $0x80, $0x38;
	[tilespmem:$0x10080] =	vst v63  }
0x15: {  	_ =	swait.ge [sflag:s0], $0x80  }
0x16: {  	[sflag:s0] =	ssyncset.done $0x0  }
0x17: {  	[sflag:s0] =	ssyncadd.s32 $0xFFFFFF80  }
0x18: {  	v3 =	vld [tilespmem:$0x0];
	_ =	sdelay $0x4  }
0x19: {  	v4 =	vshll.u32 v3, $0x4  }
0x1a: {  	v3 =	vand.u32 $0x7, v3;
	v4 =	vand.u32 $0xFFFFFF80, v4  }
0x1b: {  	v3 =	vor.u32 v3, v4  }
0x1c: {  	v4 =	vperm.xlane v3, v0;
	_ =	sdelay $0x1  }
0x1d: {  	v4 =	vadd.s32 v1, v4;
	_ =	sdelay $0x4  }
0x1e: {  	[tilespmem:s24], [sflag:$0x1] =	stream.indirect_vreg.gather [hbm4b:s3+s2], $0x80, v4, vm0, $0xb8;
	[tilespmem:$0x10080] =	vst v63  }
0x1f: {  	s0 =	simm.s32 $0x880  }
0x20: {  	[tilespmem:s0], [sflag:$0x1] =	stream.indirect_vreg.gather [hbm4b:s4+s2], $0x80, v4, vm0, $0xb8;
	[tilespmem:$0x10080] =	vst v63  }
0x21: {  	s1 =	simm.s32 $0x1080  }
0x22: {  	[tilespmem:s1], [sflag:$0x1] =	stream.indirect_vreg.gather [hbm4b:s5+s2], $0x80, v4, vm0, $0xb8;
	[tilespmem:$0x10080] =	vst v63  }
0x23: {  	s12 =	simm.s32 $0x1880  }
0x24: {  	[tilespmem:s12], [sflag:$0x1] =	stream.indirect_vreg.gather [hbm4b:s6+s2], $0x80, v4, vm0, $0xb8;
	[tilespmem:$0x10080] =	vst v63  }
0x25: {  	s13 =	simm.s32 $0x2080  }
0x26: {  	[tilespmem:s13], [sflag:$0x1] =	stream.indirect_vreg.gather [hbm4b:s7+s2], $0x80, v4, vm0, $0xb8;
	[tilespmem:$0x10080] =	vst v63  }
0x27: {  	s15 =	simm.s32 $0x2880;
	v3 =	vperm.xlane v3, v2  }
0x28: {  	[tilespmem:s15], [sflag:$0x1] =	stream.indirect_vreg.gather [hbm4b:s8+s2], $0x80, v4, vm0, $0xb8;
	[tilespmem:$0x10080] =	vst v63  }
0x29: {  	s16 =	simm.s32 $0x3080;
	v3 =	vadd.s32 v1, v3  }
0x2a: {  	[tilespmem:s16], [sflag:$0x1] =	stream.indirect_vreg.gather [hbm4b:s9+s2], $0x80, v4, vm0, $0xb8;
	[tilespmem:$0x10080] =	vst v63  }
0x2b: {  	s17 =	simm.s32 $0x3880  }
0x2c: {  	[tilespmem:s17], [sflag:$0x1] =	stream.indirect_vreg.gather [hbm4b:s10+s2], $0x80, v4, vm0, $0xb8;
	[tilespmem:$0x10080] =	vst v63  }
0x2d: {  	s18 =	simm.s32 $0x4080  }
0x2e: {  	[tilespmem:s18], [sflag:$0x1] =	stream.indirect_vreg.gather [hbm4b:s3+s2], $0x80, v3, vm0, $0xb8;
	[tilespmem:$0x10080] =	vst v63  }
0x2f: {  	s19 =	simm.s32 $0x4880  }
0x30: {  	[tilespmem:s19], [sflag:$0x1] =	stream.indirect_vreg.gather [hbm4b:s4+s2], $0x80, v3, vm0, $0xb8;
	[tilespmem:$0x10080] =	vst v63  }
0x31: {  	s25 =	simm.s32 $0x5080  }
0x32: {  	[tilespmem:s25], [sflag:$0x1] =	stream.indirect_vreg.gather [hbm4b:s5+s2], $0x80, v3, vm0, $0xb8;
	[tilespmem:$0x10080] =	vst v63  }
0x33: {  	s28 =	simm.s32 $0x5880  }
0x34: {  	[tilespmem:s28], [sflag:$0x1] =	stream.indirect_vreg.gather [hbm4b:s6+s2], $0x80, v3, vm0, $0xb8;
	[tilespmem:$0x10080] =	vst v63  }
0x35: {  	s29 =	simm.s32 $0x6080  }
0x36: {  	[tilespmem:s29], [sflag:$0x1] =	stream.indirect_vreg.gather [hbm4b:s7+s2], $0x80, v3, vm0, $0xb8;
	[tilespmem:$0x10080] =	vst v63  }
0x37: {  	s1 =	simm.s32 $0x6880  }
0x38: {  	[tilespmem:s1], [sflag:$0x1] =	stream.indirect_vreg.gather [hbm4b:s8+s2], $0x80, v3, vm0, $0xb8;
	[tilespmem:$0x10080] =	vst v63  }
0x39: {  	s12 =	simm.s32 $0x7080  }
0x3a: {  	[tilespmem:s12], [sflag:$0x1] =	stream.indirect_vreg.gather [hbm4b:s9+s2], $0x80, v3, vm0, $0xb8;
	[tilespmem:$0x10080] =	vst v63  }
0x3b: {  	s13 =	simm.s32 $0x7880  }
0x3c: {  	[tilespmem:s13], [sflag:$0x1] =	stream.indirect_vreg.gather [hbm4b:s10+s2], $0x80, v3, vm0, $0xb8;
	[tilespmem:$0x10080] =	vst v63  }
0x3d: {  	_ =	swait.ge [sflag:s30], $0x8000  }
0x3e: {  	[sflag:s30] =	ssyncset.done $0x0  }
0x3f: {  	[sflag:s30] =	ssyncadd.s32 $0xFFFF8000  }
0x40: {  	v3 =	vld [tilespmem:$0x10];
	_ =	sdelay $0x4  }
0x41: {  	v57 =	vshll.u32 v3, $0x4  }
0x42: {  	v3 =	vand.u32 $0x7, v3;
	v4 =	vand.u32 $0xFFFFFF80, v57  }
0x43: {  	v3 =	vor.u32 v3, v4  }
0x44: {  	v4 =	vperm.xlane v3, v0;
	_ =	sdelay $0x1  }
0x45: {  	v4 =	vadd.s32 v1, v4;
	_ =	sdelay $0x4  }
0x46: {  	[tilespmem:s31], [sflag:$0x1] =	stream.indirect_vreg.gather [hbm4b:s3+s2], $0x80, v4, vm0, $0xb8;
	[tilespmem:$0x10080] =	vst v63  }
0x47: {  	s25 =	simm.s32 $0x8880  }
0x48: {  	[tilespmem:s25], [sflag:$0x1] =	stream.indirect_vreg.gather [hbm4b:s4+s2], $0x80, v4, vm0, $0xb8;
	[tilespmem:$0x10080] =	vst v63  }
0x49: {  	s25 =	simm.s32 $0x9080  }
0x4a: {  	[tilespmem:s25], [sflag:$0x1] =	stream.indirect_vreg.gather [hbm4b:s5+s2], $0x80, v4, vm0, $0xb8;
	[tilespmem:$0x10080] =	vst v63  }
0x4b: {  	s29 =	simm.s32 $0x9880  }
0x4c: {  	[tilespmem:s29], [sflag:$0x1] =	stream.indirect_vreg.gather [hbm4b:s6+s2], $0x80, v4, vm0, $0xb8;
	[tilespmem:$0x10080] =	vst v63  }
0x4d: {  	s1 =	simm.s32 $0xA080  }
0x4e: {  	[tilespmem:s1], [sflag:$0x1] =	stream.indirect_vreg.gather [hbm4b:s7+s2], $0x80, v4, vm0, $0xb8;
	[tilespmem:$0x10080] =	vst v63  }
0x4f: {  	s12 =	simm.s32 $0xA880;
	v3 =	vperm.xlane v3, v2  }
0x50: {  	[tilespmem:s12], [sflag:$0x1] =	stream.indirect_vreg.gather [hbm4b:s8+s2], $0x80, v4, vm0, $0xb8;
	[tilespmem:$0x10080] =	vst v63  }
0x51: {  	v3 =	vadd.s32 v1, v3;
	s25 =	simm.s32 $0xB080  }
0x52: {  	[tilespmem:s25], [sflag:$0x1] =	stream.indirect_vreg.gather [hbm4b:s9+s2], $0x80, v4, vm0, $0xb8;
	[tilespmem:$0x10080] =	vst v63  }
0x53: {  	s29 =	simm.s32 $0xB880  }
0x54: {  	[tilespmem:s29], [sflag:$0x1] =	stream.indirect_vreg.gather [hbm4b:s10+s2], $0x80, v4, vm0, $0xb8;
	[tilespmem:$0x10080] =	vst v63  }
0x55: {  	s25 =	simm.s32 $0xC080  }
0x56: {  	[tilespmem:s25], [sflag:$0x1] =	stream.indirect_vreg.gather [hbm4b:s3+s2], $0x80, v3, vm0, $0xb8;
	[tilespmem:$0x10080] =	vst v63  }
0x57: {  	s29 =	simm.s32 $0xC880  }
0x58: {  	[tilespmem:s29], [sflag:$0x1] =	stream.indirect_vreg.gather [hbm4b:s4+s2], $0x80, v3, vm0, $0xb8;
	[tilespmem:$0x10080] =	vst v63  }
0x59: {  	s25 =	simm.s32 $0xD080  }
0x5a: {  	[tilespmem:s25], [sflag:$0x1] =	stream.indirect_vreg.gather [hbm4b:s5+s2], $0x80, v3, vm0, $0xb8;
	[tilespmem:$0x10080] =	vst v63  }
0x5b: {  	s29 =	simm.s32 $0xD880  }
0x5c: {  	[tilespmem:s29], [sflag:$0x1] =	stream.indirect_vreg.gather [hbm4b:s6+s2], $0x80, v3, vm0, $0xb8;
	[tilespmem:$0x10080] =	vst v63  }
0x5d: {  	s25 =	simm.s32 $0xE080  }
0x5e: {  	[tilespmem:s25], [sflag:$0x1] =	stream.indirect_vreg.gather [hbm4b:s7+s2], $0x80, v3, vm0, $0xb8;
	[tilespmem:$0x10080] =	vst v63  }
0x5f: {  	s29 =	simm.s32 $0xE880  }
0x60: {  	[tilespmem:s29], [sflag:$0x1] =	stream.indirect_vreg.gather [hbm4b:s8+s2], $0x80, v3, vm0, $0xb8;
	[tilespmem:$0x10080] =	vst v63  }
0x61: {  	s25 =	simm.s32 $0xF080  }
0x62: {  	[tilespmem:s25], [sflag:$0x1] =	stream.indirect_vreg.gather [hbm4b:s9+s2], $0x80, v3, vm0, $0xb8;
	[tilespmem:$0x10080] =	vst v63  }
0x63: {  	s29 =	simm.s32 $0xF880  }
0x64: {  	[tilespmem:s29], [sflag:$0x1] =	stream.indirect_vreg.gather [hbm4b:s10+s2], $0x80, v3, vm0, $0xb8;
	[tilespmem:$0x10080] =	vst v63  }
0x65: {  	s28 =	rddreg [dreg:$0x3]  }
0x66: {  	[hbm4b:s28+s2] =	stream.linear.scatter [tilespmem:s24], [sflag:$0x2], $0x8000, $0x38;
	[tilespmem:$0x10080] =	vst v63  }
0x67: {  	_ =	swait.ge [sflag:s30], $0x8000  }
0x68: {  	[sflag:s30] =	ssyncset.done $0x0  }
0x69: {  	[sflag:s30] =	ssyncadd.s32 $0xFFFF8000  }
0x6a: {  	_ =	swait.ge [sflag:s26], $0x8000  }
0x6b: {  	[sflag:s26] =	ssyncset.done $0x0  }
0x6c: {  	[sflag:s26] =	ssyncadd.s32 $0xFFFF8000  }
0x6d: {  	v3 =	vld [tilespmem:$0x20];
	_ =	sdelay $0x4  }
0x6e: {  	v58 =	vshll.u32 v3, $0x4  }
0x6f: {  	v3 =	vand.u32 $0x7, v3;
	v4 =	vand.u32 $0xFFFFFF80, v58  }
0x70: {  	v3 =	vor.u32 v3, v4  }
0x71: {  	v4 =	vperm.xlane v3, v0;
	_ =	sdelay $0x1  }
0x72: {  	v4 =	vadd.s32 v1, v4;
	_ =	sdelay $0x4  }
0x73: {  	[tilespmem:s24], [sflag:$0x1] =	stream.indirect_vreg.gather [hbm4b:s3+s2], $0x80, v4, vm0, $0xb8;
	[tilespmem:$0x10080] =	vst v63  }
0x74: {  	s23 =	simm.s32 $0x880  }
0x75: {  	[tilespmem:s23], [sflag:$0x1] =	stream.indirect_vreg.gather [hbm4b:s4+s2], $0x80, v4, vm0, $0xb8;
	[tilespmem:$0x10080] =	vst v63  }
0x76: {  	s20 =	simm.s32 $0x1080  }
0x77: {  	[tilespmem:s20], [sflag:$0x1] =	stream.indirect_vreg.gather [hbm4b:s5+s2], $0x80, v4, vm0, $0xb8;
	[tilespmem:$0x10080] =	vst v63  }
0x78: {  	s14 =	simm.s32 $0x1880  }
0x79: {  	[tilespmem:s14], [sflag:$0x1] =	stream.indirect_vreg.gather [hbm4b:s6+s2], $0x80, v4, vm0, $0xb8;
	[tilespmem:$0x10080] =	vst v63  }
0x7a: {  	s21 =	simm.s32 $0x2080  }
0x7b: {  	[tilespmem:s21], [sflag:$0x1] =	stream.indirect_vreg.gather [hbm4b:s7+s2], $0x80, v4, vm0, $0xb8;
	[tilespmem:$0x10080] =	vst v63  }
0x7c: {  	s22 =	simm.s32 $0x2880;
	v3 =	vperm.xlane v3, v2  }
0x7d: {  	[tilespmem:s22], [sflag:$0x1] =	stream.indirect_vreg.gather [hbm4b:s8+s2], $0x80, v4, vm0, $0xb8;
	[tilespmem:$0x10080] =	vst v63  }
0x7e: {  	s15 =	simm.s32 $0x3080;
	v3 =	vadd.s32 v1, v3  }
0x7f: {  	[tilespmem:s15], [sflag:$0x1] =	stream.indirect_vreg.gather [hbm4b:s9+s2], $0x80, v4, vm0, $0xb8;
	[tilespmem:$0x10080] =	vst v63  }
0x80: {  	s16 =	simm.s32 $0x3880  }
0x81: {  	[tilespmem:s16], [sflag:$0x1] =	stream.indirect_vreg.gather [hbm4b:s10+s2], $0x80, v4, vm0, $0xb8;
	[tilespmem:$0x10080] =	vst v63  }
0x82: {  	s17 =	simm.s32 $0x4080  }
0x83: {  	[tilespmem:s17], [sflag:$0x1] =	stream.indirect_vreg.gather [hbm4b:s3+s2], $0x80, v3, vm0, $0xb8;
	[tilespmem:$0x10080] =	vst v63  }
0x84: {  	s18 =	simm.s32 $0x4880  }
0x85: {  	[tilespmem:s18], [sflag:$0x1] =	stream.indirect_vreg.gather [hbm4b:s4+s2], $0x80, v3, vm0, $0xb8;
	[tilespmem:$0x10080] =	vst v63  }
0x86: {  	s19 =	simm.s32 $0x5080  }
0x87: {  	[tilespmem:s19], [sflag:$0x1] =	stream.indirect_vreg.gather [hbm4b:s5+s2], $0x80, v3, vm0, $0xb8;
	[tilespmem:$0x10080] =	vst v63  }
0x88: {  	s20 =	simm.s32 $0x5880  }
0x89: {  	[tilespmem:s20], [sflag:$0x1] =	stream.indirect_vreg.gather [hbm4b:s6+s2], $0x80, v3, vm0, $0xb8;
	[tilespmem:$0x10080] =	vst v63  }
0x8a: {  	s21 =	simm.s32 $0x6080  }
0x8b: {  	[tilespmem:s21], [sflag:$0x1] =	stream.indirect_vreg.gather [hbm4b:s7+s2], $0x80, v3, vm0, $0xb8;
	[tilespmem:$0x10080] =	vst v63  }
0x8c: {  	s22 =	simm.s32 $0x6880  }
0x8d: {  	[tilespmem:s22], [sflag:$0x1] =	stream.indirect_vreg.gather [hbm4b:s8+s2], $0x80, v3, vm0, $0xb8;
	[tilespmem:$0x10080] =	vst v63  }
0x8e: {  	s23 =	simm.s32 $0x7080  }
0x8f: {  	[tilespmem:s23], [sflag:$0x1] =	stream.indirect_vreg.gather [hbm4b:s9+s2], $0x80, v3, vm0, $0xb8;
	[tilespmem:$0x10080] =	vst v63  }
0x90: {  	s13 =	simm.s32 $0x7880  }
0x91: {  	[tilespmem:s13], [sflag:$0x1] =	stream.indirect_vreg.gather [hbm4b:s10+s2], $0x80, v3, vm0, $0xb8;
	[tilespmem:$0x10080] =	vst v63  }
0x92: {  	s25 =	rddreg [dreg:$0x4]  }
0x93: {  	[hbm4b:s25+s2] =	stream.linear.scatter [tilespmem:s31], [sflag:$0x2], $0x8000, $0x38;
	[tilespmem:$0x10080] =	vst v63  }
0x94: {  	_ =	swait.ge [sflag:s30], $0x8000  }
0x95: {  	[sflag:s30] =	ssyncset.done $0x0  }
0x96: {  	[sflag:s30] =	ssyncadd.s32 $0xFFFF8000  }
0x97: {  	_ =	swait.ge [sflag:s26], $0x8000  }
0x98: {  	[sflag:s26] =	ssyncset.done $0x0  }
0x99: {  	[sflag:s26] =	ssyncadd.s32 $0xFFFF8000  }
0x9a: {  	v3 =	vld [tilespmem:$0x30];
	_ =	sdelay $0x4  }
0x9b: {  	v59 =	vshll.u32 v3, $0x4  }
0x9c: {  	v3 =	vand.u32 $0x7, v3;
	v4 =	vand.u32 $0xFFFFFF80, v59  }
0x9d: {  	v3 =	vor.u32 v3, v4  }
0x9e: {  	v4 =	vperm.xlane v3, v0;
	_ =	sdelay $0x1  }
0x9f: {  	v4 =	vadd.s32 v1, v4;
	_ =	sdelay $0x4  }
0xa0: {  	[tilespmem:s31], [sflag:$0x1] =	stream.indirect_vreg.gather [hbm4b:s3+s2], $0x80, v4, vm0, $0xb8;
	[tilespmem:$0x10080] =	vst v63  }
0xa1: {  	s0 =	simm.s32 $0x8880  }
0xa2: {  	[tilespmem:s0], [sflag:$0x1] =	stream.indirect_vreg.gather [hbm4b:s4+s2], $0x80, v4, vm0, $0xb8;
	[tilespmem:$0x10080] =	vst v63  }
0xa3: {  	s25 =	simm.s32 $0x9080  }
0xa4: {  	[tilespmem:s25], [sflag:$0x1] =	stream.indirect_vreg.gather [hbm4b:s5+s2], $0x80, v4, vm0, $0xb8;
	[tilespmem:$0x10080] =	vst v63  }
0xa5: {  	s0 =	simm.s32 $0x9880  }
0xa6: {  	[tilespmem:s0], [sflag:$0x1] =	stream.indirect_vreg.gather [hbm4b:s6+s2], $0x80, v4, vm0, $0xb8;
	[tilespmem:$0x10080] =	vst v63  }
0xa7: {  	s1 =	simm.s32 $0xA080  }
0xa8: {  	[tilespmem:s1], [sflag:$0x1] =	stream.indirect_vreg.gather [hbm4b:s7+s2], $0x80, v4, vm0, $0xb8;
	[tilespmem:$0x10080] =	vst v63  }
0xa9: {  	s12 =	simm.s32 $0xA880;
	v3 =	vperm.xlane v3, v2  }
0xaa: {  	[tilespmem:s12], [sflag:$0x1] =	stream.indirect_vreg.gather [hbm4b:s8+s2], $0x80, v4, vm0, $0xb8;
	[tilespmem:$0x10080] =	vst v63  }
0xab: {  	v3 =	vadd.s32 v1, v3;
	s1 =	simm.s32 $0xB080  }
0xac: {  	[tilespmem:s1], [sflag:$0x1] =	stream.indirect_vreg.gather [hbm4b:s9+s2], $0x80, v4, vm0, $0xb8;
	[tilespmem:$0x10080] =	vst v63  }
0xad: {  	s12 =	simm.s32 $0xB880  }
0xae: {  	[tilespmem:s12], [sflag:$0x1] =	stream.indirect_vreg.gather [hbm4b:s10+s2], $0x80, v4, vm0, $0xb8;
	[tilespmem:$0x10080] =	vst v63  }
0xaf: {  	s13 =	simm.s32 $0xC080  }
0xb0: {  	[tilespmem:s13], [sflag:$0x1] =	stream.indirect_vreg.gather [hbm4b:s3+s2], $0x80, v3, vm0, $0xb8;
	[tilespmem:$0x10080] =	vst v63  }
0xb1: {  	s14 =	simm.s32 $0xC880  }
0xb2: {  	[tilespmem:s14], [sflag:$0x1] =	stream.indirect_vreg.gather [hbm4b:s4+s2], $0x80, v3, vm0, $0xb8;
	[tilespmem:$0x10080] =	vst v63  }
0xb3: {  	s15 =	simm.s32 $0xD080  }
0xb4: {  	[tilespmem:s15], [sflag:$0x1] =	stream.indirect_vreg.gather [hbm4b:s5+s2], $0x80, v3, vm0, $0xb8;
	[tilespmem:$0x10080] =	vst v63  }
0xb5: {  	s16 =	simm.s32 $0xD880  }
0xb6: {  	[tilespmem:s16], [sflag:$0x1] =	stream.indirect_vreg.gather [hbm4b:s6+s2], $0x80, v3, vm0, $0xb8;
	[tilespmem:$0x10080] =	vst v63  }
0xb7: {  	s17 =	simm.s32 $0xE080  }
0xb8: {  	[tilespmem:s17], [sflag:$0x1] =	stream.indirect_vreg.gather [hbm4b:s7+s2], $0x80, v3, vm0, $0xb8;
	[tilespmem:$0x10080] =	vst v63  }
0xb9: {  	s18 =	simm.s32 $0xE880  }
0xba: {  	[tilespmem:s18], [sflag:$0x1] =	stream.indirect_vreg.gather [hbm4b:s8+s2], $0x80, v3, vm0, $0xb8;
	[tilespmem:$0x10080] =	vst v63  }
0xbb: {  	s19 =	simm.s32 $0xF080  }
0xbc: {  	[tilespmem:s19], [sflag:$0x1] =	stream.indirect_vreg.gather [hbm4b:s9+s2], $0x80, v3, vm0, $0xb8;
	[tilespmem:$0x10080] =	vst v63  }
0xbd: {  	s29 =	simm.s32 $0xF880  }
0xbe: {  	[tilespmem:s29], [sflag:$0x1] =	stream.indirect_vreg.gather [hbm4b:s10+s2], $0x80, v3, vm0, $0xb8;
	[tilespmem:$0x10080] =	vst v63  }
0xbf: {  	s28 =	rddreg [dreg:$0x5]  }
0xc0: {  	[hbm4b:s28+s2] =	stream.linear.scatter [tilespmem:s24], [sflag:$0x2], $0x8000, $0x38;
	[tilespmem:$0x10080] =	vst v63  }
0xc1: {  	_ =	swait.ge [sflag:s30], $0x8000  }
0xc2: {  	[sflag:s30] =	ssyncset.done $0x0  }
0xc3: {  	[sflag:s30] =	ssyncadd.s32 $0xFFFF8000  }
0xc4: {  	_ =	swait.ge [sflag:s26], $0x8000  }
0xc5: {  	[sflag:s26] =	ssyncset.done $0x0  }
0xc6: {  	s29 =	rddreg [dreg:$0x6];
	[sflag:s26] =	ssyncadd.s32 $0xFFFF8000  }
0xc7: {  	[hbm4b:s29+s2] =	stream.linear.scatter [tilespmem:s31], [sflag:$0x2], $0x8000, $0x38;
	[tilespmem:$0x10080] =	vst v63  }
0xc8: {  	_ =	swait.ge [sflag:s26], $0x8000  }
0xc9: {  	[sflag:s26] =	ssyncset.done $0x0  }
0xca: {  	[sflag:s26] =	ssyncadd.s32 $0xFFFF8000  }
0xcb: {  	v3 =	vld [tilespmem:$0x40];
	_ =	sdelay $0x4  }
0xcc: {  	v60 =	vshll.u32 v3, $0x4  }
0xcd: {  	v3 =	vand.u32 $0x7, v3;
	v4 =	vand.u32 $0xFFFFFF80, v60  }
0xce: {  	v3 =	vor.u32 v3, v4  }
0xcf: {  	v4 =	vperm.xlane v3, v0;
	_ =	sdelay $0x1  }
0xd0: {  	v4 =	vadd.s32 v1, v4;
	_ =	sdelay $0x4  }
0xd1: {  	[tilespmem:s24], [sflag:$0x1] =	stream.indirect_vreg.gather [hbm4b:s3+s2], $0x80, v4, vm0, $0xb8;
	[tilespmem:$0x10080] =	vst v63  }
0xd2: {  	s29 =	simm.s32 $0x880  }
0xd3: {  	[tilespmem:s29], [sflag:$0x1] =	stream.indirect_vreg.gather [hbm4b:s4+s2], $0x80, v4, vm0, $0xb8;
	[tilespmem:$0x10080] =	vst v63  }
0xd4: {  	s29 =	simm.s32 $0x1080  }
0xd5: {  	[tilespmem:s29], [sflag:$0x1] =	stream.indirect_vreg.gather [hbm4b:s5+s2], $0x80, v4, vm0, $0xb8;
	[tilespmem:$0x10080] =	vst v63  }
0xd6: {  	s29 =	simm.s32 $0x1880  }
0xd7: {  	[tilespmem:s29], [sflag:$0x1] =	stream.indirect_vreg.gather [hbm4b:s6+s2], $0x80, v4, vm0, $0xb8;
	[tilespmem:$0x10080] =	vst v63  }
0xd8: {  	s28 =	simm.s32 $0x2080  }
0xd9: {  	[tilespmem:s28], [sflag:$0x1] =	stream.indirect_vreg.gather [hbm4b:s7+s2], $0x80, v4, vm0, $0xb8;
	[tilespmem:$0x10080] =	vst v63  }
0xda: {  	v3 =	vperm.xlane v3, v2;
	s28 =	simm.s32 $0x2880  }
0xdb: {  	[tilespmem:s28], [sflag:$0x1] =	stream.indirect_vreg.gather [hbm4b:s8+s2], $0x80, v4, vm0, $0xb8;
	[tilespmem:$0x10080] =	vst v63  }
0xdc: {  	v3 =	vadd.s32 v1, v3;
	s28 =	simm.s32 $0x3080  }
0xdd: {  	[tilespmem:s28], [sflag:$0x1] =	stream.indirect_vreg.gather [hbm4b:s9+s2], $0x80, v4, vm0, $0xb8;
	[tilespmem:$0x10080] =	vst v63  }
0xde: {  	s28 =	simm.s32 $0x3880  }
0xdf: {  	[tilespmem:s28], [sflag:$0x1] =	stream.indirect_vreg.gather [hbm4b:s10+s2], $0x80, v4, vm0, $0xb8;
	[tilespmem:$0x10080] =	vst v63  }
0xe0: {  	s28 =	simm.s32 $0x4080  }
0xe1: {  	[tilespmem:s28], [sflag:$0x1] =	stream.indirect_vreg.gather [hbm4b:s3+s2], $0x80, v3, vm0, $0xb8;
	[tilespmem:$0x10080] =	vst v63  }
0xe2: {  	s28 =	simm.s32 $0x4880  }
0xe3: {  	[tilespmem:s28], [sflag:$0x1] =	stream.indirect_vreg.gather [hbm4b:s4+s2], $0x80, v3, vm0, $0xb8;
	[tilespmem:$0x10080] =	vst v63  }
0xe4: {  	s28 =	simm.s32 $0x5080  }
0xe5: {  	[tilespmem:s28], [sflag:$0x1] =	stream.indirect_vreg.gather [hbm4b:s5+s2], $0x80, v3, vm0, $0xb8;
	[tilespmem:$0x10080] =	vst v63  }
0xe6: {  	_ = 	snop  }
0xe7: {  	[tilespmem:s20], [sflag:$0x1] =	stream.indirect_vreg.gather [hbm4b:s6+s2], $0x80, v3, vm0, $0xb8;
	[tilespmem:$0x10080] =	vst v63  }
0xe8: {  	_ = 	snop  }
0xe9: {  	[tilespmem:s21], [sflag:$0x1] =	stream.indirect_vreg.gather [hbm4b:s7+s2], $0x80, v3, vm0, $0xb8;
	[tilespmem:$0x10080] =	vst v63  }
0xea: {  	_ = 	snop  }
0xeb: {  	[tilespmem:s22], [sflag:$0x1] =	stream.indirect_vreg.gather [hbm4b:s8+s2], $0x80, v3, vm0, $0xb8;
	[tilespmem:$0x10080] =	vst v63  }
0xec: {  	_ = 	snop  }
0xed: {  	[tilespmem:s23], [sflag:$0x1] =	stream.indirect_vreg.gather [hbm4b:s9+s2], $0x80, v3, vm0, $0xb8;
	[tilespmem:$0x10080] =	vst v63  }
0xee: {  	s28 =	simm.s32 $0x7880  }
0xef: {  	[tilespmem:s28], [sflag:$0x1] =	stream.indirect_vreg.gather [hbm4b:s10+s2], $0x80, v3, vm0, $0xb8;
	[tilespmem:$0x10080] =	vst v63  }
0xf0: {  	_ =	swait.ge [sflag:s30], $0x8000  }
0xf1: {  	[sflag:s30] =	ssyncset.done $0x0  }
0xf2: {  	[sflag:s30] =	ssyncadd.s32 $0xFFFF8000  }
0xf3: {  	v3 =	vld [tilespmem:$0x50];
	_ =	sdelay $0x4  }
0xf4: {  	v61 =	vshll.u32 v3, $0x4  }
0xf5: {  	v3 =	vand.u32 $0x7, v3;
	v4 =	vand.u32 $0xFFFFFF80, v61  }
0xf6: {  	v3 =	vor.u32 v3, v4  }
0xf7: {  	v4 =	vperm.xlane v3, v0;
	_ =	sdelay $0x1  }
0xf8: {  	v4 =	vadd.s32 v1, v4;
	_ =	sdelay $0x4  }
0xf9: {  	[tilespmem:s31], [sflag:$0x1] =	stream.indirect_vreg.gather [hbm4b:s3+s2], $0x80, v4, vm0, $0xb8;
	[tilespmem:$0x10080] =	vst v63  }
0xfa: {  	s28 =	simm.s32 $0x8880  }
0xfb: {  	[tilespmem:s28], [sflag:$0x1] =	stream.indirect_vreg.gather [hbm4b:s4+s2], $0x80, v4, vm0, $0xb8;
	[tilespmem:$0x10080] =	vst v63  }
0xfc: {  	_ = 	snop  }
0xfd: {  	[tilespmem:s25], [sflag:$0x1] =	stream.indirect_vreg.gather [hbm4b:s5+s2], $0x80, v4, vm0, $0xb8;
	[tilespmem:$0x10080] =	vst v63  }
0xfe: {  	_ = 	snop  }
0xff: {  	[tilespmem:s0], [sflag:$0x1] =	stream.indirect_vreg.gather [hbm4b:s6+s2], $0x80, v4, vm0, $0xb8;
	[tilespmem:$0x10080] =	vst v63  }
0x100: {  	s0 =	simm.s32 $0xA080  }
0x101: {  	[tilespmem:s0], [sflag:$0x1] =	stream.indirect_vreg.gather [hbm4b:s7+s2], $0x80, v4, vm0, $0xb8;
	[tilespmem:$0x10080] =	vst v63  }
0x102: {  	v3 =	vperm.xlane v3, v2;
	s0 =	simm.s32 $0xA880  }
0x103: {  	[tilespmem:s0], [sflag:$0x1] =	stream.indirect_vreg.gather [hbm4b:s8+s2], $0x80, v4, vm0, $0xb8;
	[tilespmem:$0x10080] =	vst v63  }
0x104: {  	v3 =	vadd.s32 v1, v3  }
0x105: {  	[tilespmem:s1], [sflag:$0x1] =	stream.indirect_vreg.gather [hbm4b:s9+s2], $0x80, v4, vm0, $0xb8;
	[tilespmem:$0x10080] =	vst v63  }
0x106: {  	_ = 	snop  }
0x107: {  	[tilespmem:s12], [sflag:$0x1] =	stream.indirect_vreg.gather [hbm4b:s10+s2], $0x80, v4, vm0, $0xb8;
	[tilespmem:$0x10080] =	vst v63  }
0x108: {  	_ = 	snop  }
0x109: {  	[tilespmem:s13], [sflag:$0x1] =	stream.indirect_vreg.gather [hbm4b:s3+s2], $0x80, v3, vm0, $0xb8;
	[tilespmem:$0x10080] =	vst v63  }
0x10a: {  	_ = 	snop  }
0x10b: {  	[tilespmem:s14], [sflag:$0x1] =	stream.indirect_vreg.gather [hbm4b:s4+s2], $0x80, v3, vm0, $0xb8;
	[tilespmem:$0x10080] =	vst v63  }
0x10c: {  	_ = 	snop  }
0x10d: {  	[tilespmem:s15], [sflag:$0x1] =	stream.indirect_vreg.gather [hbm4b:s5+s2], $0x80, v3, vm0, $0xb8;
	[tilespmem:$0x10080] =	vst v63  }
0x10e: {  	_ = 	snop  }
0x10f: {  	[tilespmem:s16], [sflag:$0x1] =	stream.indirect_vreg.gather [hbm4b:s6+s2], $0x80, v3, vm0, $0xb8;
	[tilespmem:$0x10080] =	vst v63  }
0x110: {  	_ = 	snop  }
0x111: {  	[tilespmem:s17], [sflag:$0x1] =	stream.indirect_vreg.gather [hbm4b:s7+s2], $0x80, v3, vm0, $0xb8;
	[tilespmem:$0x10080] =	vst v63  }
0x112: {  	_ = 	snop  }
0x113: {  	[tilespmem:s18], [sflag:$0x1] =	stream.indirect_vreg.gather [hbm4b:s8+s2], $0x80, v3, vm0, $0xb8;
	[tilespmem:$0x10080] =	vst v63  }
0x114: {  	_ = 	snop  }
0x115: {  	[tilespmem:s19], [sflag:$0x1] =	stream.indirect_vreg.gather [hbm4b:s9+s2], $0x80, v3, vm0, $0xb8;
	[tilespmem:$0x10080] =	vst v63  }
0x116: {  	s0 =	simm.s32 $0xF880  }
0x117: {  	[tilespmem:s0], [sflag:$0x1] =	stream.indirect_vreg.gather [hbm4b:s10+s2], $0x80, v3, vm0, $0xb8;
	[tilespmem:$0x10080] =	vst v63  }
0x118: {  	s28 =	rddreg [dreg:$0x7]  }
0x119: {  	[hbm4b:s28+s2] =	stream.linear.scatter [tilespmem:s24], [sflag:$0x2], $0x8000, $0x38;
	[tilespmem:$0x10080] =	vst v63  }
0x11a: {  	_ =	swait.ge [sflag:s30], $0x8000  }
0x11b: {  	[sflag:s30] =	ssyncset.done $0x0  }
0x11c: {  	[sflag:s30] =	ssyncadd.s32 $0xFFFF8000  }
0x11d: {  	_ =	swait.ge [sflag:s26], $0x8000  }
0x11e: {  	[sflag:s26] =	ssyncset.done $0x0  }
0x11f: {  	[sflag:s26] =	ssyncadd.s32 $0xFFFF8000  }
0x120: {  	v3 =	vld [tilespmem:$0x60];
	_ =	sdelay $0x4  }
0x121: {  	v62 =	vshll.u32 v3, $0x4  }
0x122: {  	v3 =	vand.u32 $0x7, v3;
	v4 =	vand.u32 $0xFFFFFF80, v62  }
0x123: {  	v3 =	vor.u32 v3, v4  }
0x124: {  	v4 =	vperm.xlane v3, v0;
	_ =	sdelay $0x1  }
0x125: {  	v4 =	vadd.s32 v1, v4;
	_ =	sdelay $0x4  }
0x126: {  	[tilespmem:s24], [sflag:$0x1] =	stream.indirect_vreg.gather [hbm4b:s3+s2], $0x80, v4, vm0, $0xb8;
	[tilespmem:$0x10080] =	vst v63  }
0x127: {  	s28 =	simm.s32 $0x880  }
0x128: {  	[tilespmem:s28], [sflag:$0x1] =	stream.indirect_vreg.gather [hbm4b:s4+s2], $0x80, v4, vm0, $0xb8;
	[tilespmem:$0x10080] =	vst v63  }
0x129: {  	s28 =	simm.s32 $0x1080  }
0x12a: {  	[tilespmem:s28], [sflag:$0x1] =	stream.indirect_vreg.gather [hbm4b:s5+s2], $0x80, v4, vm0, $0xb8;
	[tilespmem:$0x10080] =	vst v63  }
0x12b: {  	s29 =	simm.s32 $0x1880  }
0x12c: {  	[tilespmem:s29], [sflag:$0x1] =	stream.indirect_vreg.gather [hbm4b:s6+s2], $0x80, v4, vm0, $0xb8;
	[tilespmem:$0x10080] =	vst v63  }
0x12d: {  	s29 =	simm.s32 $0x2080  }
0x12e: {  	[tilespmem:s29], [sflag:$0x1] =	stream.indirect_vreg.gather [hbm4b:s7+s2], $0x80, v4, vm0, $0xb8;
	[tilespmem:$0x10080] =	vst v63  }
0x12f: {  	v3 =	vperm.xlane v3, v2;
	s28 =	simm.s32 $0x2880  }
0x130: {  	[tilespmem:s28], [sflag:$0x1] =	stream.indirect_vreg.gather [hbm4b:s8+s2], $0x80, v4, vm0, $0xb8;
	[tilespmem:$0x10080] =	vst v63  }
0x131: {  	v3 =	vadd.s32 v1, v3;
	s29 =	simm.s32 $0x3080  }
0x132: {  	[tilespmem:s29], [sflag:$0x1] =	stream.indirect_vreg.gather [hbm4b:s9+s2], $0x80, v4, vm0, $0xb8;
	[tilespmem:$0x10080] =	vst v63  }
0x133: {  	s28 =	simm.s32 $0x3880  }
0x134: {  	[tilespmem:s28], [sflag:$0x1] =	stream.indirect_vreg.gather [hbm4b:s10+s2], $0x80, v4, vm0, $0xb8;
	[tilespmem:$0x10080] =	vst v63  }
0x135: {  	s29 =	simm.s32 $0x4080  }
0x136: {  	[tilespmem:s29], [sflag:$0x1] =	stream.indirect_vreg.gather [hbm4b:s3+s2], $0x80, v3, vm0, $0xb8;
	[tilespmem:$0x10080] =	vst v63  }
0x137: {  	s28 =	simm.s32 $0x4880  }
0x138: {  	[tilespmem:s28], [sflag:$0x1] =	stream.indirect_vreg.gather [hbm4b:s4+s2], $0x80, v3, vm0, $0xb8;
	[tilespmem:$0x10080] =	vst v63  }
0x139: {  	s29 =	simm.s32 $0x5080  }
0x13a: {  	[tilespmem:s29], [sflag:$0x1] =	stream.indirect_vreg.gather [hbm4b:s5+s2], $0x80, v3, vm0, $0xb8;
	[tilespmem:$0x10080] =	vst v63  }
0x13b: {  	s20 =	simm.s32 $0x5880  }
0x13c: {  	[tilespmem:s20], [sflag:$0x1] =	stream.indirect_vreg.gather [hbm4b:s6+s2], $0x80, v3, vm0, $0xb8;
	[tilespmem:$0x10080] =	vst v63  }
0x13d: {  	s21 =	simm.s32 $0x6080  }
0x13e: {  	[tilespmem:s21], [sflag:$0x1] =	stream.indirect_vreg.gather [hbm4b:s7+s2], $0x80, v3, vm0, $0xb8;
	[tilespmem:$0x10080] =	vst v63  }
0x13f: {  	s22 =	simm.s32 $0x6880  }
0x140: {  	[tilespmem:s22], [sflag:$0x1] =	stream.indirect_vreg.gather [hbm4b:s8+s2], $0x80, v3, vm0, $0xb8;
	[tilespmem:$0x10080] =	vst v63  }
0x141: {  	s23 =	simm.s32 $0x7080  }
0x142: {  	[tilespmem:s23], [sflag:$0x1] =	stream.indirect_vreg.gather [hbm4b:s9+s2], $0x80, v3, vm0, $0xb8;
	[tilespmem:$0x10080] =	vst v63  }
0x143: {  	s23 =	simm.s32 $0x7880  }
0x144: {  	[tilespmem:s23], [sflag:$0x1] =	stream.indirect_vreg.gather [hbm4b:s10+s2], $0x80, v3, vm0, $0xb8;
	[tilespmem:$0x10080] =	vst v63  }
0x145: {  	s22 =	rddreg [dreg:$0x8]  }
0x146: {  	[hbm4b:s22+s2] =	stream.linear.scatter [tilespmem:s31], [sflag:$0x2], $0x8000, $0x38;
	[tilespmem:$0x10080] =	vst v63  }
0x147: {  	_ =	swait.ge [sflag:s30], $0x8000  }
0x148: {  	[sflag:s30] =	ssyncset.done $0x0  }
0x149: {  	[sflag:s30] =	ssyncadd.s32 $0xFFFF8000  }
0x14a: {  	_ =	swait.ge [sflag:s26], $0x8000  }
0x14b: {  	[sflag:s26] =	ssyncset.done $0x0  }
0x14c: {  	[sflag:s26] =	ssyncadd.s32 $0xFFFF8000  }
0x14d: {  	v3 =	vld [tilespmem:$0x70];
	_ =	sdelay $0x4  }
0x14e: {  	v63 =	vshll.u32 v3, $0x4  }
0x14f: {  	v3 =	vand.u32 $0x7, v3;
	v4 =	vand.u32 $0xFFFFFF80, v63  }
0x150: {  	v3 =	vor.u32 v3, v4  }
0x151: {  	v4 =	vperm.xlane v3, v0;
	_ =	sdelay $0x1  }
0x152: {  	v4 =	vadd.s32 v1, v4;
	_ =	sdelay $0x4  }
0x153: {  	[tilespmem:s31], [sflag:$0x1] =	stream.indirect_vreg.gather [hbm4b:s3+s2], $0x80, v4, vm0, $0xb8;
	[tilespmem:$0x10080] =	vst v63  }
0x154: {  	s29 =	simm.s32 $0x8880  }
0x155: {  	[tilespmem:s29], [sflag:$0x1] =	stream.indirect_vreg.gather [hbm4b:s4+s2], $0x80, v4, vm0, $0xb8;
	[tilespmem:$0x10080] =	vst v63  }
0x156: {  	s25 =	simm.s32 $0x9080  }
0x157: {  	[tilespmem:s25], [sflag:$0x1] =	stream.indirect_vreg.gather [hbm4b:s5+s2], $0x80, v4, vm0, $0xb8;
	[tilespmem:$0x10080] =	vst v63  }
0x158: {  	s20 =	simm.s32 $0x9880  }
0x159: {  	[tilespmem:s20], [sflag:$0x1] =	stream.indirect_vreg.gather [hbm4b:s6+s2], $0x80, v4, vm0, $0xb8;
	[tilespmem:$0x10080] =	vst v63  }
0x15a: {  	s21 =	simm.s32 $0xA080  }
0x15b: {  	[tilespmem:s21], [sflag:$0x1] =	stream.indirect_vreg.gather [hbm4b:s7+s2], $0x80, v4, vm0, $0xb8;
	[tilespmem:$0x10080] =	vst v63  }
0x15c: {  	s22 =	simm.s32 $0xA880;
	v3 =	vperm.xlane v3, v2  }
0x15d: {  	[tilespmem:s22], [sflag:$0x1] =	stream.indirect_vreg.gather [hbm4b:s8+s2], $0x80, v4, vm0, $0xb8;
	[tilespmem:$0x10080] =	vst v63  }
0x15e: {  	s1 =	simm.s32 $0xB080;
	v3 =	vadd.s32 v1, v3  }
0x15f: {  	[tilespmem:s1], [sflag:$0x1] =	stream.indirect_vreg.gather [hbm4b:s9+s2], $0x80, v4, vm0, $0xb8;
	[tilespmem:$0x10080] =	vst v63  }
0x160: {  	s12 =	simm.s32 $0xB880  }
0x161: {  	[tilespmem:s12], [sflag:$0x1] =	stream.indirect_vreg.gather [hbm4b:s10+s2], $0x80, v4, vm0, $0xb8;
	[tilespmem:$0x10080] =	vst v63  }
0x162: {  	s13 =	simm.s32 $0xC080  }
0x163: {  	[tilespmem:s13], [sflag:$0x1] =	stream.indirect_vreg.gather [hbm4b:s3+s2], $0x80, v3, vm0, $0xb8;
	[tilespmem:$0x10080] =	vst v63  }
0x164: {  	s14 =	simm.s32 $0xC880  }
0x165: {  	[tilespmem:s14], [sflag:$0x1] =	stream.indirect_vreg.gather [hbm4b:s4+s2], $0x80, v3, vm0, $0xb8;
	[tilespmem:$0x10080] =	vst v63  }
0x166: {  	s15 =	simm.s32 $0xD080  }
0x167: {  	[tilespmem:s15], [sflag:$0x1] =	stream.indirect_vreg.gather [hbm4b:s5+s2], $0x80, v3, vm0, $0xb8;
	[tilespmem:$0x10080] =	vst v63  }
0x168: {  	s16 =	simm.s32 $0xD880  }
0x169: {  	[tilespmem:s16], [sflag:$0x1] =	stream.indirect_vreg.gather [hbm4b:s6+s2], $0x80, v3, vm0, $0xb8;
	[tilespmem:$0x10080] =	vst v63  }
0x16a: {  	s17 =	simm.s32 $0xE080  }
0x16b: {  	[tilespmem:s17], [sflag:$0x1] =	stream.indirect_vreg.gather [hbm4b:s7+s2], $0x80, v3, vm0, $0xb8;
	[tilespmem:$0x10080] =	vst v63  }
0x16c: {  	s18 =	simm.s32 $0xE880  }
0x16d: {  	[tilespmem:s18], [sflag:$0x1] =	stream.indirect_vreg.gather [hbm4b:s8+s2], $0x80, v3, vm0, $0xb8;
	[tilespmem:$0x10080] =	vst v63  }
0x16e: {  	s19 =	simm.s32 $0xF080  }
0x16f: {  	[tilespmem:s19], [sflag:$0x1] =	stream.indirect_vreg.gather [hbm4b:s9+s2], $0x80, v3, vm0, $0xb8;
	[tilespmem:$0x10080] =	vst v63  }
0x170: {  	s25 =	simm.s32 $0xF880  }
0x171: {  	[tilespmem:s25], [sflag:$0x1] =	stream.indirect_vreg.gather [hbm4b:s10+s2], $0x80, v3, vm0, $0xb8;
	[tilespmem:$0x10080] =	vst v63  }
0x172: {  	s23 =	rddreg [dreg:$0x9]  }
0x173: {  	[hbm4b:s23+s2] =	stream.linear.scatter [tilespmem:s24], [sflag:$0x2], $0x8000, $0x38;
	[tilespmem:$0x10080] =	vst v63  }
0x174: {  	_ =	swait.ge [sflag:s30], $0x8000  }
0x175: {  	[sflag:s30] =	ssyncset.done $0x0  }
0x176: {  	[sflag:s30] =	ssyncadd.s32 $0xFFFF8000  }
0x177: {  	_ =	swait.ge [sflag:s26], $0x8000  }
0x178: {  	p0 =	sne.s32 s11, $0x1;
	[sflag:s26] =	ssyncset.done $0x0  }
.Ltmp0:
0x179: {  	s29 =	rddreg [dreg:$0xa];
	[sflag:s26] =	ssyncadd.s32 $0xFFFF8000;
	(pc) =	sbr.rel @p0 .LBB2_1-.Ltmp0, $4  }
0x17a: {  	[hbm4b:s29+s2] =	stream.linear.scatter [tilespmem:s31], [sflag:$0x2], $0x8000, $0x38;
	[tilespmem:$0x10080] =	vst v63  }
0x17b: {  	_ =	swait.ge [sflag:s26], $0x8000  }
0x17c: {  	[sflag:s26] =	ssyncset.done $0x0  }
0x17d: {  	s11 =	sadd.s32 $0xFFFFFFFF, s11;
	[sflag:s26] =	ssyncadd.s32 $0xFFFF8000  }
0x17e: {  	_ =	sfence.sel $0x180000  }
0x17f: {  	[bflag:$0x0] =	sbarrier.arrive $0xFFFF  }
0x180: {  	_ =	strace $0x9000004A  }
0x181: {  	s0 =	stileid.u32;
	[bflag:$0x2] =	sbarrier.arrive $0xFFFF  }
0x182: {  	p0 =	sne.s32 s0, $0x0;
	s0 =	rddreg [dreg:$0x1]  }
0x183: {  	s0 =	sadd.s32 @!p0 $0x100000, s0  }
0x184: {  	[sflag:s0] =	ssyncadd.tile.s32 @!p0 $0x1;
	_ =	shalt  }
.Lfunc_end2:
_tile_overlayer_lowered:
.L_overlay_start_2:
0x185: {  	(tag) =	ssettag $0x2  }
0x186: {  	s0 =	rddreg [dreg:$0x0];
	s2 =	stileid.u32  }
0x187: {  	s1 =	rddreg [dreg:$0x1];
	p0 =	sne.s32 s2, $0x0  }
0x188: {  	s3 =	rddreg [dreg:$0x2];
	[bflag:$0x3] =	sbarrier.arrive $0xFFFF;
	s2 =	simm.s32 @!p0 $0x1C03  }
0x189: {  	[timem:s3], [sflag:s2] =	dma.local @!p0 [hbm:s0], s1  }
0x18a: {  	s0 =	simm.s32 @!p0 $0x3  }
0x18b: {  	_ =	swait.ge @!p0 [sflag:s0], s1  }
0x18c: {  	s1 =	ssub.s32 @!p0 $0x0, s1;
	[sflag:s0] =	ssyncset.done @!p0 $0x0  }
0x18d: {  	[sflag:s0] =	ssyncadd.s32 @!p0 s1  }
0x18e: {  	[bflag:$0x3] =	sbarrier.arrive $0xFFFF  }
0x18f: {  	_ =	shalt  }

// kernel: kernel.8.cloned.1.call-start
scs
__scs_entry_jumppad:
0x0: {  	(pc) =	sbr.rel $0x88, $3  }
0x1: {  	(tag) =	ssettag $0x0;
	lr =	simm.s32 $0x1  }
0x2: {  	[smem:$0x3F99] =	sst lr;
	_ =	strace $0xD0000000  }
0x3: {  	_ = 	snop  }
0x4: {  	_ = 	snop  }
0x5: {  	_ = 	snop  }
0x6: {  	_ = 	snop  }
0x7: {  	_ = 	snop  }
__scs_overlays_trampoline_lowered:
0x8: {  	[smem:$0x3FA8] =	sst s0  }
0x9: {  	[smem:$0x3FA9] =	sst s1  }
0xa: {  	[smem:$0x3FAA] =	sst s2  }
0xb: {  	[smem:$0x3FAB] =	sst s3  }
0xc: {  	[smem:$0x3FAC] =	sst s4  }
0xd: {  	[smem:$0x3FAD] =	sst s5  }
0xe: {  	[smem:$0x3FAE] =	sst s6  }
0xf: {  	[smem:$0x3FAF] =	sst s7  }
0x10: {  	[smem:$0x3FB0] =	sst s8  }
0x11: {  	[smem:$0x3FB1] =	sst s9;
	s0 =	simm.s32 @!p0 $0x0  }
0x12: {  	s1 =	sld [smem:$0x3F97];
	s0 =	simm.s32 @p0 $0x1  }
0x13: {  	[smem:$0x3FB2] =	sst s0;
	s0 =	simm.s32 @!p1 $0x0  }
0x14: {  	s2 =	sld [smem:$0x3F96];
	s0 =	simm.s32 @p1 $0x1  }
0x15: {  	[smem:$0x3FB3] =	sst s0;
	s0 =	simm.s32 @!p2 $0x0  }
0x16: {  	s3 =	sld [smem:$0x3FDB];
	s0 =	simm.s32 @p2 $0x1  }
0x17: {  	s4 =	simm.s32 $0x1BF5;
	[smem:$0x3FB5] =	sst s0  }
0x18: {  	s0 =	sld [smem:$0x3F98];
	_ =	swait.ge [sflag:s4], $0x0  }
0x19: {  	s7 =	sld [smem:$0x3F99]  }
0x1a: {  	s8 =	sadd.s32 $0xFFFFE003, lr  }
0x1b: {  	s9 =	sadd.s32 $0xFFFFFEF7, lr;
	s5 =	simm.s32 $0xFFFFFFFF;
	p2 =	slt.u32 s8, $0xFFFFF086  }
0x1c: {  	p1 =	slt.u32 s9, $0xF7A;
	s5 =	simm.s32 @!p2 $0x0  }
0x1d: {  	s5 =	simm.s32 @p1 $0x1;
	p0 =	seq.s32 s7, s2  }
0x1e: {  	s7 =	smul.u32 @!p0 $0xF7A, s2;
	p2 =	seq.s32 @!p0 s5, $0x0  }
0x1f: {  	s9 =	smul.u32 $0xF7A, s1;
	s8 =	simm.s32 @!p0 $0x1BF5;
	p2 =	por !p2, p0  }
0x20: {  	[sflag:s8] =	ssyncset.s32 @!p0 $0xFFFFF086;
	s6 =	sadd.s32 @!p0 s3, s7;
	s7 =	simm.s32 @!p0 $0x108  }
0x21: {  	s3 =	sadd.s32 s3, s9;
	s6 =	sadd.s32 @!p0 $0x88, s6;
	s7 =	simm.s32 @p2 $0x1082  }
0x22: {  	[simem:s7], [sflag:s8] =	dma.local @!p0 [hbm:s6], $0xF7A  }
0x23: {  	s9 =	sor.u32 $0xD0000000, s2;
	s6 =	simm.s32 $0x108;
	_ =	swait.ge @!p0 [sflag:s8], $0x0  }
0x24: {  	s3 =	sadd.s32 $0x88, s3;
	s6 =	simm.s32 @!p1 $0x1082;
	[sflag:s4] =	ssyncset.s32 $0xFFFFF086  }
0x25: {  	[simem:s6], [sflag:s4] =	dma.local [hbm:s3], $0xF7A  }
0x26: {  	[smem:$0x3F99] =	sst s1;
	(tag) =	ssettag s2;
	_ =	strace s9  }
0x27: {  	s1 =	sld [smem:$0x3FA9]  }
0x28: {  	s2 =	sld [smem:$0x3FAA]  }
0x29: {  	s4 =	sld [smem:$0x3FAC]  }
0x2a: {  	p0 =	seq.s32 s5, $0x0;
	s5 =	sld [smem:$0x3FAD]  }
0x2b: {  	s6 =	sld [smem:$0x3FAE]  }
0x2c: {  	s7 =	sld [smem:$0x3FAF]  }
0x2d: {  	s3 =	simm.s32 $0x108;
	s8 =	sld [smem:$0x3FB0]  }
0x2e: {  	s3 =	simm.s32 @!p0 $0x1082;
	s9 =	sld [smem:$0x3FB1]  }
0x2f: {  	lr =	sadd.s32 s0, s3;
	s0 =	sld [smem:$0x3FA8]  }
0x30: {  	s3 =	sld [smem:$0x3FAB]  }
0x31: {  	[smem:$0x3FB4] =	sst s10  }
0x32: {  	s10 =	sld [smem:$0x3FB2];
	_ =	sdelay $0x3  }
0x33: {  	p0 =	seq.s32 s10, $0x1;
	s10 =	sld [smem:$0x3FB4];
	_ =	sdelay $0x3  }
0x34: {  	[smem:$0x3FB4] =	sst s10  }
0x35: {  	s10 =	sld [smem:$0x3FB3];
	_ =	sdelay $0x3  }
0x36: {  	p1 =	seq.s32 s10, $0x1;
	s10 =	sld [smem:$0x3FB4];
	_ =	sdelay $0x3  }
0x37: {  	[smem:$0x3FB4] =	sst s10  }
0x38: {  	s10 =	sld [smem:$0x3FB5]  }
0x39: {  	_ = 	snop;
	(pc) =	sbr.ind lr, $3  }
0x3a: {  	_ = 	snop  }
0x3b: {  	_ = 	snop  }
0x3c: {  	p2 =	seq.s32 s10, $0x1;
	s10 =	sld [smem:$0x3FB4]  }
0x3d: {  	_ =	shalt  }
0x3e: {  	_ =	shalt  }
0x3f: {  	_ =	shalt  }
0x40: {  	_ =	shalt  }
0x41: {  	_ =	shalt  }
0x42: {  	_ =	shalt  }
0x43: {  	_ =	shalt  }
0x44: {  	_ =	shalt  }
0x45: {  	_ =	shalt  }
0x46: {  	_ =	shalt  }
0x47: {  	_ =	shalt  }
0x48: {  	_ =	shalt  }
0x49: {  	_ =	shalt  }
0x4a: {  	_ =	shalt  }
0x4b: {  	_ =	shalt  }
0x4c: {  	_ =	shalt  }
0x4d: {  	_ =	shalt  }
0x4e: {  	_ =	shalt  }
0x4f: {  	_ =	shalt  }
0x50: {  	_ =	shalt  }
0x51: {  	_ =	shalt  }
0x52: {  	_ =	shalt  }
0x53: {  	_ =	shalt  }
0x54: {  	_ =	shalt  }
0x55: {  	_ =	shalt  }
0x56: {  	_ =	shalt  }
0x57: {  	_ =	shalt  }
0x58: {  	_ =	shalt  }
0x59: {  	_ =	shalt  }
0x5a: {  	_ =	shalt  }
0x5b: {  	_ =	shalt  }
0x5c: {  	_ =	shalt  }
0x5d: {  	_ =	shalt  }
0x5e: {  	_ =	shalt  }
0x5f: {  	_ =	shalt  }
0x60: {  	_ =	shalt  }
0x61: {  	_ =	shalt  }
0x62: {  	_ =	shalt  }
0x63: {  	_ =	shalt  }
0x64: {  	_ =	shalt  }
0x65: {  	_ =	shalt  }
0x66: {  	_ =	shalt  }
0x67: {  	_ =	shalt  }
0x68: {  	_ =	shalt  }
0x69: {  	_ =	shalt  }
0x6a: {  	_ =	shalt  }
0x6b: {  	_ =	shalt  }
0x6c: {  	_ =	shalt  }
0x6d: {  	_ =	shalt  }
0x6e: {  	_ =	shalt  }
0x6f: {  	_ =	shalt  }
0x70: {  	_ =	shalt  }
0x71: {  	_ =	shalt  }
0x72: {  	_ =	shalt  }
0x73: {  	_ =	shalt  }
0x74: {  	_ =	shalt  }
0x75: {  	_ =	shalt  }
0x76: {  	_ =	shalt  }
0x77: {  	_ =	shalt  }
0x78: {  	_ =	shalt  }
0x79: {  	_ =	shalt  }
0x7a: {  	_ =	shalt  }
0x7b: {  	_ =	shalt  }
0x7c: {  	_ =	shalt  }
0x7d: {  	_ =	shalt  }
0x7e: {  	_ =	shalt  }
0x7f: {  	_ =	shalt  }
0x80: {  	_ =	shalt  }
0x81: {  	_ =	shalt  }
0x82: {  	_ =	shalt  }
0x83: {  	_ =	shalt  }
0x84: {  	_ =	shalt  }
0x85: {  	_ =	shalt  }
0x86: {  	_ =	shalt  }
0x87: {  	_ =	shalt  }
.Lfunc_end0:
.L_simem_size_0:
called_computation_lowered:
.L_overlay_start_0:
0x88: {  	s2 =	sld [smem:$0x3FD9]  }
0x89: {  	s3 =	sld [smem:$0x3FFE];
	_ =	sdelay $0x1  }
0x8a: {  	s1 =	srdreg.scid  }
0x8b: {  	s0 =	sand.u32 $0x1, s1  }
0x8c: {  	s17 =	sshll.u32 s0, $0xA;
	s2 =	sadd.s32 s3, s2  }
0x8d: {  	s2 =	sadd.s32 s2, s17  }
0x8e: {  	[smem:$0x3FC0] =	sst s2  }
0x8f: {  	_ = 	snop  }
0x90: {  	s2 =	sld [smem:$0x3FC9]  }
0x91: {  	s18 =	sld [smem:$0x3FD0];
	(tm) =	ssettm $0x1  }
0x92: {  	s4 =	sld [smem:$0x3FFB];
	_ =	sdelay $0x3  }
0x93: {  	_ =	strace s4  }
0x94: {  	s4 =	sld [smem:$0x3FFC];
	_ =	sdelay $0x3  }
0x95: {  	_ =	strace s4  }
0x96: {  	s4 =	sld [smem:$0x3FFD];
	_ =	sdelay $0x3  }
0x97: {  	_ =	strace s4  }
0x98: {  	_ =	strace $0x8FFFFFFF  }
0x99: {  	s19 =	sld [smem:$0x3FDB];
	_ =	sdelay $0x1  }
0x9a: {  	s5 =	simm.s32 $_scs_section_size  }
0x9b: {  	s6 =	simm.s32 $_size__tile_overlayer_lowered;
	s7 =	simm.s32 $_tile_overlayer_lowered  }
0x9c: {  	s22 =	simm.s32 $0x1BFF;
	s21 =	sshll.u32 s7, $0x1;
	s4 =	sadd.s32 s5, s19  }
0x9d: {  	s8 =	simm.s32 $0x0;
	s20 =	sshll.u32 s6, $0x1;
	s6 =	sadd.s32 s21, s4  }
0x9e: {  	[timem:s8], [sflag:s22] =	dma.local [hbm:s6], s20  }
0x9f: {  	_ =	swait.ge [sflag:s22], s20  }
0xa0: {  	s5 =	ssub.s32 $0x0, s20;
	[sflag:s22] =	ssyncset.done $0x0  }
0xa1: {  	[sflag:s22] =	ssyncadd.s32 s5;
	_ =	sdelay $0x1  }
0xa2: {  	s23 =	simm.s32 $0x1B8B  }
0xa3: {  	_ =	swait.ge [sflag:s23], $0x1  }
0xa4: {  	[sflag:s23] =	ssyncset.done $0x0  }
0xa5: {  	s25 =	simm.s32 $0x1B8E;
	s24 =	sld [smem:$0x3FFE];
	[sflag:s23] =	ssyncadd.s32 $0xFFFFFFFF  }
0xa6: {  	s26 =	simm.s32 $execute0_lowered;
	[smem:$0x3FD2] =	sst s25  }
0xa7: {  	s6 =	sshll.u32 s26, $0x1;
	_ =	strace $0x80000046;
	[dreg:$0x1] =	wrdreg $0xFFFFFFFF  }
0xa8: {  	s28 =	simm.s32 $_size_execute0_lowered;
	s4 =	sadd.s32 s4, s6;
	[dreg:$0x0] =	wrdreg $0x0  }
0xa9: {  	s6 =	sshll.u32 s28, $0x1;
	[dreg:$0x2] =	wrdreg s4  }
0xaa: {  	[dreg:$0x3] =	wrdreg s6  }
0xab: {  	[dreg:$0x4] =	wrdreg $0xC0  }
0xac: {  	_ =	task [dreg:s8], $0x5FFFF  }
0xad: {  	[dreg:$0x1] =	wrdreg $0xFFFFFFFF  }
0xae: {  	[dreg:$0x0] =	wrdreg $0x60  }
0xaf: {  	[dreg:$0x2] =	wrdreg s2  }
0xb0: {  	[dreg:$0x3] =	wrdreg s18  }
0xb1: {  	[dreg:$0x4] =	wrdreg s24  }
0xb2: {  	[dreg:$0x5] =	wrdreg $0x9  }
0xb3: {  	_ =	task.clear_ibuf [dreg:s8], $0x6FFFF;
	_ =	strace $0x90000046  }
0xb4: {  	s29 =	simm.s32 $0x9;
	_ =	strace $0x80000048  }
0xb5: {  	_ =	swait.ge [sflag:s29], $0x1  }
0xb6: {  	[sflag:s29] =	ssyncadd.s32 $0xFFFFFFFF  }
0xb7: {  	_ =	strace $0x90000048  }
0xb8: {  	_ =	sfence  }
0xb9: {  	s30 =	sld [smem:$0x0];
	_ =	sdelay $0x2  }
0xba: {  	s31 =	sshll.u32 s1, $0xD;
	s1 =	sshrl.u32 s1, $0x2  }
0xbb: {  	s3 =	sand.u32 $0x4000, s31;
	s1 =	sadd.s32 s1, s30  }
0xbc: {  	s0 =	sor.u32 s3, s0;
	s1 =	sshll.u32 s1, $0x11  }
0xbd: {  	s0 =	sor.u32 s1, s0  }
0xbe: {  	s0 =	sadd.s32 $0x8F2B, s0  }
0xbf: {  	[sflag:s0] =	ssyncadd.remote.s32 $0x1  }
0xc0: {  	_ =	sfence.sel $0xFFFF  }
0xc1: {  	[dreg:$0x0] =	wrdreg $0xFFFFFFFF;
	(pc) =	sbr.abs _section_cstart, $3  }
0xc2: {  	[dreg:$0x1] =	wrdreg $0xFFFFFFFF  }
0xc3: {  	_ =	task.clear_ibuf [dreg:s8], $0x2FFFF;
	_ =	strace $0x9FFFFFFF  }
0xc4: {  	(tm) =	ssettm $0x7FFFFFFF  }
0xc5: {  	_ =	shalt  }
tec
execute0_lowered:
.L_overlay_start_1:
0x0: {  	(tag) =	ssettag $0x1  }
0x1: {  	s0 =	rddreg [dreg:$0x0]  }
0x2: {  	s1 =	rddreg [dreg:$0x1]  }
0x3: {  	s3 =	rddreg [dreg:$0x2];
	s2 =	simm.s32 $0x0;
	s4 =	srdreg.scid  }
0x4: {  	s7 =	stileid.u32;
	s22 =	simm.s32 $0x40;
	s24 =	simm.s32 $0x80  }
0x5: {  	s25 =	simm.s32 $0xC0;
	s26 =	simm.s32 $0x100;
	s28 =	simm.s32 $0x180  }
0x6: {  	s29 =	simm.s32 $0x2200;
	[smem:$0x7FF] =	sst s2;
	s13 =	sadd.s32 $0x2A00, s3  }
0x7: {  	s31 =	simm.s32 $0x2A00;
	_ =	strace $0x80000047;
	[dreg:$0x4] =	wrdreg s13  }
0x8: {  	s30 =	simm.s32 $0x5200;
	s4 =	sand.u32 $0x1, s4;
	[dreg:$0xc] =	wrdreg s22  }
0x9: {  	s5 =	sshll.u32 s7, $0x1;
	s7 =	sshll.u32 s7, $0x7;
	[dreg:$0xd] =	wrdreg s24  }
0xa: {  	s23 =	sadd.s32 $0x2C00, s3;
	s10 =	sadd.s32 $0x3100, s3;
	[dreg:$0xe] =	wrdreg s25  }
0xb: {  	s11 =	sadd.s32 $0x3200, s3;
	s6 =	sshll.u32 s4, $0x3;
	[dreg:$0xf] =	wrdreg s26  }
0xc: {  	s5 =	sor.u32 s4, s5;
	[dreg:$0x10] =	wrdreg s28;
	s6 =	sor.u32 s6, s7  }
0xd: {  	s8 =	sshll.u32 s5, $0x4;
	s5 =	sshll.u32 s5, $0xE;
	s9 =	sadd.s32 s1, s6  }
0xe: {  	s12 =	sadd.s32 $0x3300, s3;
	s17 =	sadd.s32 s0, s5;
	[dreg:$0x11] =	wrdreg s9  }
0xf: {  	s4 =	ssub.s32 $0x2, s4;
	s6 =	sadd.s32 $0x10, s9;
	[dreg:$0x12] =	wrdreg s17  }
0x10: {  	s18 =	sshrl.u32 s4, $0x1;
	s15 =	sadd.s32 $0x20, s9;
	[dreg:$0x5] =	wrdreg s6  }
0x11: {  	s14 =	sadd.s32 s8, s3;
	s16 =	sadd.s32 $0x30, s9;
	[dreg:$0x6] =	wrdreg s15  }
0x12: {  	s7 =	sadd.s32 $0x2E00, s3;
	s1 =	sadd.s32 $0x182C00, s14;
	[dreg:$0x7] =	wrdreg s16  }
0x13: {  	s0 =	ssub.s32 s4, s18;
	s19 =	sadd.s32 $0x1000, s17;
	[dreg:$0x8] =	wrdreg s1  }
0x14: {  	v2 =	vlaneseq.u32;
	s8 =	sadd.s32 $0x2F00, s3;
	s20 =	sadd.s32 $0x2000, s17;
	[dreg:$0x9] =	wrdreg s19  }
0x15: {  	vm0 =	vmmov $0xffff;
	v1 =	vshrl.u32 v2, $0x3;
	s21 =	sadd.s32 $0x3000, s17;
	s9 =	sadd.s32 $0x3000, s3;
	[dreg:$0xa] =	wrdreg s20  }
0x16: {  	v0 =	vand.u32 $0x7, v2;
	v2 =	vor.u32 $0x8, v2;
	v1 =	vmul.u32 $0x8, v1;
	s4 =	smax.u32 s0, $0x1;
	s6 =	sadd.s32 $0x2D00, s3;
	[dreg:$0xb] =	wrdreg s21  }
.LBB2_1:
0x17: {  	[dreg:$0x13] =	wrdreg s4  }
0x18: {  	s1 =	rddreg [dreg:$0x11];
	s0 =	simm.s32 $0x3  }
0x19: {  	[tilespmem:s2], [sflag:$0x3] =	stream.linear.gather [hbm4b:s1+s2], $0x40, $0x38;
	[tilespmem:$0x10200] =	vst v63  }
0x1a: {  	_ =	swait.ge [sflag:s0], $0x40  }
0x1b: {  	s22 =	rddreg [dreg:$0x5];
	[sflag:s0] =	ssyncset.done $0x0  }
0x1c: {  	s24 =	rddreg [dreg:$0xc];
	[sflag:s0] =	ssyncadd.s32 $0xFFFFFFC0  }
0x1d: {  	[tilespmem:s24], [sflag:$0x3] =	stream.linear.gather [hbm4b:s22+s2], $0x40, $0x38;
	[tilespmem:$0x10200] =	vst v63  }
0x1e: {  	_ =	swait.ge [sflag:s0], $0x40  }
0x1f: {  	s25 =	rddreg [dreg:$0x6];
	[sflag:s0] =	ssyncset.done $0x0  }
0x20: {  	s26 =	rddreg [dreg:$0xd];
	[sflag:s0] =	ssyncadd.s32 $0xFFFFFFC0  }
0x21: {  	[tilespmem:s26], [sflag:$0x3] =	stream.linear.gather [hbm4b:s25+s2], $0x40, $0x38;
	[tilespmem:$0x10200] =	vst v63  }
0x22: {  	_ =	swait.ge [sflag:s0], $0x40  }
0x23: {  	s28 =	rddreg [dreg:$0x7];
	[sflag:s0] =	ssyncset.done $0x0  }
0x24: {  	s3 =	rddreg [dreg:$0xe];
	[sflag:s0] =	ssyncadd.s32 $0xFFFFFFC0  }
0x25: {  	[tilespmem:s3], [sflag:$0x3] =	stream.linear.gather [hbm4b:s28+s2], $0x40, $0x38;
	[tilespmem:$0x10200] =	vst v63  }
0x26: {  	_ =	swait.ge [sflag:s0], $0x40  }
0x27: {  	s5 =	rddreg [dreg:$0x4];
	[sflag:s0] =	ssyncset.done $0x0  }
0x28: {  	s13 =	rddreg [dreg:$0xf];
	[sflag:s0] =	ssyncadd.s32 $0xFFFFFFC0  }
0x29: {  	[tilespmem:s13], [sflag:$0x3] =	stream.linear.gather [hbm4b:s5+s2], $0x80, $0x38;
	[tilespmem:$0x10200] =	vst v63  }
0x2a: {  	_ =	swait.ge [sflag:s0], $0x80  }
0x2b: {  	[sflag:s0] =	ssyncset.done $0x0  }
0x2c: {  	[sflag:s0] =	ssyncadd.s32 $0xFFFFFF80  }
0x2d: {  	v3 =	vld [tilespmem:$0x0]  }
0x2e: {  	v4 =	vld [tilespmem:$0x40]  }
0x2f: {  	v5 =	vld [tilespmem:$0x80]  }
0x30: {  	v6 =	vld [tilespmem:$0x100]  }
0x31: {  	v7 =	vld [tilespmem:$0x110]  }
0x32: {  	v8 =	vld [tilespmem:$0xC0]  }
0x33: {  	v9 =	vld [tilespmem:$0x120]  }
0x34: {  	vm1 =	veq.f32 v3, $0.0e+00;
	vm2 =	veq.f32 v4, $0.0e+00  }
0x35: {  	v11 =	vld [tilespmem:$0x130];
	v10 =	vnsel vm1, $0x0, v6;
	v6 =	vnsel vm2, $0x0, v6;
	vm1 =	veq.f32 v3, $1.000000000e+00  }
0x36: {  	v5 =	vadd.f32 v10, v5;
	v45 =	vnsel vm1, $0x0, v7;
	vm1 =	veq.f32 v4, $1.000000000e+00  }
0x37: {  	v46 =	vld [tilespmem:$0x140];
	v6 =	vadd.f32 v6, v8;
	v7 =	vnsel vm1, $0x0, v7;
	vm1 =	veq.f32 v3, $2.000000000e+00  }
0x38: {  	v5 =	vadd.f32 v45, v5;
	v47 =	vnsel vm1, $0x0, v9;
	vm1 =	veq.f32 v4, $2.000000000e+00  }
0x39: {  	v49 =	vld [tilespmem:$0x150];
	v6 =	vadd.f32 v7, v6;
	v48 =	vnsel vm1, $0x0, v9;
	vm1 =	veq.f32 v3, $3.000000000e+00  }
0x3a: {  	v5 =	vadd.f32 v47, v5;
	v50 =	vnsel vm1, $0x0, v11;
	vm1 =	veq.f32 v4, $3.000000000e+00  }
0x3b: {  	v52 =	vld [tilespmem:$0x160];
	v6 =	vadd.f32 v48, v6;
	v51 =	vnsel vm1, $0x0, v11;
	vm1 =	veq.f32 v3, $4.000000000e+00  }
0x3c: {  	v12 =	vld [tilespmem:$0x170];
	v5 =	vadd.f32 v50, v5;
	v53 =	vnsel vm1, $0x0, v46;
	vm1 =	veq.f32 v4, $4.000000000e+00  }
0x3d: {  	v55 =	vld [tilespmem:$0x10];
	v6 =	vadd.f32 v51, v6;
	v54 =	vnsel vm1, $0x0, v46;
	vm1 =	veq.f32 v3, $5.000000000e+00  }
0x3e: {  	v13 =	vld [tilespmem:$0x50];
	v5 =	vadd.f32 v53, v5;
	v56 =	vnsel vm1, $0x0, v49;
	vm1 =	veq.f32 v4, $5.000000000e+00  }
0x3f: {  	v58 =	vld [tilespmem:$0x100];
	v6 =	vadd.f32 v54, v6;
	v57 =	vnsel vm1, $0x0, v49;
	vm1 =	veq.f32 v3, $6.000000000e+00  }
0x40: {  	v14 =	vld [tilespmem:$0x90];
	v5 =	vadd.f32 v56, v5;
	v59 =	vnsel vm1, $0x0, v52;
	vm1 =	veq.f32 v4, $6.000000000e+00  }
0x41: {  	v61 =	vld [tilespmem:$0x110];
	v6 =	vadd.f32 v57, v6;
	v60 =	vnsel vm1, $0x0, v52;
	vm1 =	veq.f32 v3, $7.000000000e+00  }
0x42: {  	v63 =	vld [tilespmem:$0xD0];
	v3 =	vadd.f32 v59, v5;
	v62 =	vnsel vm1, $0x0, v12;
	vm1 =	veq.f32 v4, $7.000000000e+00  }
0x43: {  	v15 =	vadd.f32 v60, v6;
	v16 =	vnsel vm1, $0x0, v12;
	vm1 =	veq.f32 v55, $0.0e+00  }
0x44: {  	v17 =	vld [tilespmem:$0x120];
	v3 =	vadd.f32 v62, v3;
	v18 =	vnsel vm1, $0x0, v58;
	vm1 =	veq.f32 v13, $0.0e+00  }
0x45: {  	v4 =	vadd.f32 v16, v15;
	v19 =	vnsel vm1, $0x0, v58;
	vm1 =	veq.f32 v55, $1.000000000e+00  }
0x46: {  	v20 =	vld [tilespmem:$0x130];
	v5 =	vadd.f32 v18, v14;
	v21 =	vnsel vm1, $0x0, v61;
	vm1 =	veq.f32 v13, $1.000000000e+00  }
0x47: {  	v6 =	vadd.f32 v19, v63;
	v3 =	vtrunc.f32 v3;
	v4 =	vtrunc.f32 v4  }
0x48: {  	v23 =	vld [tilespmem:$0x140];
	v22 =	vnsel vm1, $0x0, v61;
	vm1 =	veq.f32 v55, $2.000000000e+00;
	v5 =	vadd.f32 v21, v5  }
0x49: {  	v24 =	vnsel vm1, $0x0, v17;
	vm1 =	veq.f32 v13, $2.000000000e+00;
	v6 =	vadd.f32 v22, v6  }
0x4a: {  	v25 =	vld [tilespmem:$0x150];
	v7 =	vnsel vm1, $0x0, v17;
	vm1 =	veq.f32 v55, $3.000000000e+00;
	v5 =	vadd.f32 v24, v5  }
0x4b: {  	v26 =	vnsel vm1, $0x0, v20;
	vm1 =	veq.f32 v13, $3.000000000e+00;
	v6 =	vadd.f32 v7, v6  }
0x4c: {  	v28 =	vld [tilespmem:$0x160];
	v27 =	vnsel vm1, $0x0, v20;
	vm1 =	veq.f32 v55, $4.000000000e+00;
	v5 =	vadd.f32 v26, v5  }
0x4d: {  	v30 =	vld [tilespmem:$0x170];
	v29 =	vnsel vm1, $0x0, v23;
	vm1 =	veq.f32 v13, $4.000000000e+00;
	v6 =	vadd.f32 v27, v6  }
0x4e: {  	v32 =	vld [tilespmem:$0x20];
	v31 =	vnsel vm1, $0x0, v23;
	vm1 =	veq.f32 v55, $5.000000000e+00;
	v5 =	vadd.f32 v29, v5  }
0x4f: {  	v35 =	vld [tilespmem:$0x100];
	v33 =	vnsel vm1, $0x0, v25;
	vm1 =	veq.f32 v13, $5.000000000e+00;
	v6 =	vadd.f32 v31, v6  }
0x50: {  	v15 =	vld [tilespmem:$0x60];
	v34 =	vnsel vm1, $0x0, v25;
	vm1 =	veq.f32 v55, $6.000000000e+00;
	v5 =	vadd.f32 v33, v5  }
0x51: {  	v38 =	vld [tilespmem:$0x110];
	v36 =	vnsel vm1, $0x0, v28;
	vm1 =	veq.f32 v13, $6.000000000e+00;
	v6 =	vadd.f32 v34, v6  }
0x52: {  	v16 =	vld [tilespmem:$0xA0];
	v37 =	vnsel vm1, $0x0, v28;
	vm1 =	veq.f32 v55, $7.000000000e+00;
	v5 =	vadd.f32 v36, v5  }
0x53: {  	v40 =	vld [tilespmem:$0xE0];
	v39 =	vnsel vm1, $0x0, v30;
	vm1 =	veq.f32 v13, $7.000000000e+00;
	v6 =	vadd.f32 v37, v6  }
0x54: {  	v41 =	vnsel vm1, $0x0, v30;
	vm1 =	veq.f32 v32, $0.0e+00;
	v5 =	vadd.f32 v39, v5  }
0x55: {  	v42 =	vld [tilespmem:$0x120];
	v39 =	vcvt.f32.s32 v3;
	v43 =	vnsel vm1, $0x0, v35;
	vm1 =	veq.f32 v15, $0.0e+00  }
0x56: {  	v6 =	vadd.f32 v41, v6;
	v44 =	vnsel vm1, $0x0, v35;
	vm1 =	veq.f32 v32, $1.000000000e+00  }
0x57: {  	v45 =	vld [tilespmem:$0x130];
	v9 =	vadd.f32 v43, v16;
	v41 =	vtrunc.f32 v5;
	v46 =	vnsel vm1, $0x0, v38  }
0x58: {  	vm1 =	veq.f32 v15, $1.000000000e+00;
	v7 =	vadd.f32 v44, v40;
	v40 =	vcvt.f32.s32 v4  }
0x59: {  	v43 =	vcvt.f32.s32 v41;
	v8 =	vnsel vm1, $0x0, v38;
	vm1 =	veq.f32 v32, $2.000000000e+00  }
0x5a: {  	v47 =	vld [tilespmem:$0x140];
	v9 =	vadd.f32 v46, v9;
	v48 =	vnsel vm1, $0x0, v42;
	vm1 =	veq.f32 v15, $2.000000000e+00  }
0x5b: {  	v7 =	vadd.f32 v8, v7;
	v49 =	vnsel vm1, $0x0, v42;
	vm1 =	veq.f32 v32, $3.000000000e+00  }
0x5c: {  	v50 =	vld [tilespmem:$0x150];
	v9 =	vadd.f32 v48, v9;
	v42 =	vtrunc.f32 v6;
	v51 =	vnsel vm1, $0x0, v45  }
0x5d: {  	v54 =	vld [tilespmem:$0x170];
	vm1 =	veq.f32 v15, $3.000000000e+00;
	v7 =	vadd.f32 v49, v7;
	v44 =	vcvt.f32.s32 v42  }
0x5e: {  	v52 =	vld [tilespmem:$0x160];
	v53 =	vnsel vm1, $0x0, v45;
	vm1 =	veq.f32 v32, $4.000000000e+00;
	v9 =	vadd.f32 v51, v9  }
0x5f: {  	v57 =	vld [tilespmem:$0x70];
	v55 =	vnsel vm1, $0x0, v47;
	vm1 =	veq.f32 v15, $4.000000000e+00;
	v7 =	vadd.f32 v53, v7  }
0x60: {  	v60 =	vld [tilespmem:$0x100];
	v56 =	vnsel vm1, $0x0, v47;
	vm1 =	veq.f32 v32, $5.000000000e+00;
	v9 =	vadd.f32 v55, v9  }
0x61: {  	v17 =	vld [tilespmem:$0x30];
	v58 =	vnsel vm1, $0x0, v50;
	vm1 =	veq.f32 v15, $5.000000000e+00;
	v7 =	vadd.f32 v56, v7  }
0x62: {  	v18 =	vld [tilespmem:$0xB0];
	v59 =	vnsel vm1, $0x0, v50;
	vm1 =	veq.f32 v32, $6.000000000e+00;
	v9 =	vadd.f32 v58, v9  }
0x63: {  	v19 =	vld [tilespmem:$0xF0];
	v61 =	vnsel vm1, $0x0, v52;
	vm1 =	veq.f32 v15, $6.000000000e+00;
	v7 =	vadd.f32 v59, v7  }
0x64: {  	v63 =	vld [tilespmem:$0x110];
	v62 =	vnsel vm1, $0x0, v52;
	vm1 =	veq.f32 v32, $7.000000000e+00;
	v9 =	vadd.f32 v61, v9  }
0x65: {  	v20 =	vnsel vm1, $0x0, v54;
	vm1 =	veq.f32 v15, $7.000000000e+00;
	v7 =	vadd.f32 v62, v7  }
0x66: {  	v22 =	vld [tilespmem:$0x120];
	v21 =	vnsel vm1, $0x0, v54;
	vm1 =	veq.f32 v17, $0.0e+00;
	v9 =	vadd.f32 v20, v9  }
0x67: {  	v23 =	vnsel vm1, $0x0, v60;
	vm1 =	veq.f32 v57, $0.0e+00;
	v7 =	vadd.f32 v21, v7  }
0x68: {  	v24 =	vld [tilespmem:$0x130];
	v14 =	vadd.f32 v23, v18;
	v13 =	vnsel vm1, $0x0, v60;
	vm1 =	veq.f32 v17, $1.000000000e+00  }
0x69: {  	v13 =	vadd.f32 v13, v19;
	v25 =	vnsel vm1, $0x0, v63;
	vm1 =	veq.f32 v57, $1.000000000e+00  }
0x6a: {  	v26 =	vld [tilespmem:$0x140];
	v14 =	vadd.f32 v25, v14;
	v11 =	vnsel vm1, $0x0, v63;
	vm1 =	veq.f32 v17, $2.000000000e+00  }
0x6b: {  	v11 =	vadd.f32 v11, v13;
	v27 =	vnsel vm1, $0x0, v22;
	vm1 =	veq.f32 v57, $2.000000000e+00  }
0x6c: {  	v28 =	vld [tilespmem:$0x150];
	v13 =	vadd.f32 v27, v14;
	v10 =	vnsel vm1, $0x0, v22;
	vm1 =	veq.f32 v17, $3.000000000e+00  }
0x6d: {  	v10 =	vadd.f32 v10, v11;
	v29 =	vnsel vm1, $0x0, v24;
	vm1 =	veq.f32 v57, $3.000000000e+00  }
0x6e: {  	v31 =	vld [tilespmem:$0x160];
	v11 =	vadd.f32 v29, v13;
	v30 =	vnsel vm1, $0x0, v24;
	vm1 =	veq.f32 v17, $4.000000000e+00  }
0x6f: {  	v10 =	vadd.f32 v30, v10;
	v32 =	vnsel vm1, $0x0, v26;
	vm1 =	veq.f32 v57, $4.000000000e+00  }
0x70: {  	v38 =	vld [tilespmem:$0x170];
	v11 =	vadd.f32 v32, v11;
	v33 =	vnsel vm1, $0x0, v26;
	vm1 =	veq.f32 v17, $5.000000000e+00  }
0x71: {  	v10 =	vadd.f32 v33, v10;
	v34 =	vnsel vm1, $0x0, v28;
	vm1 =	veq.f32 v57, $5.000000000e+00  }
0x72: {  	v11 =	vadd.f32 v34, v11;
	v35 =	vnsel vm1, $0x0, v28;
	vm1 =	veq.f32 v17, $6.000000000e+00  }
0x73: {  	v36 =	vadd.f32 v35, v10;
	v37 =	vnsel vm1, $0x0, v31;
	vm1 =	veq.f32 v57, $6.000000000e+00  }
0x74: {  	v10 =	vadd.f32 v37, v11;
	v3 =	vnsel vm1, $0x0, v31;
	vm1 =	veq.f32 v17, $7.000000000e+00  }
0x75: {  	[tilespmem:$0x180] =	vst v39;
	v3 =	vadd.f32 v3, v36;
	v45 =	vnsel vm1, $0x0, v38;
	vm1 =	veq.f32 v57, $7.000000000e+00  }
0x76: {  	[tilespmem:$0x1C0] =	vst v40;
	v46 =	vtrunc.f32 v9;
	v4 =	vadd.f32 v45, v10;
	v47 =	vnsel vm1, $0x0, v38  }
0x77: {  	[tilespmem:$0x190] =	vst v43;
	v48 =	vcvt.f32.s32 v46;
	v49 =	vtrunc.f32 v7;
	v3 =	vadd.f32 v47, v3  }
0x78: {  	[tilespmem:$0x1D0] =	vst v44;
	v5 =	vcvt.f32.s32 v49;
	v4 =	vtrunc.f32 v4  }
0x79: {  	[tilespmem:$0x1A0] =	vst v48;
	v4 =	vcvt.f32.s32 v4;
	v3 =	vtrunc.f32 v3  }
0x7a: {  	[tilespmem:$0x1E0] =	vst v5;
	v3 =	vcvt.f32.s32 v3  }
0x7b: {  	s14 =	rddreg [dreg:$0x8];
	[tilespmem:$0x1B0] =	vst v4  }
0x7c: {  	s15 =	rddreg [dreg:$0x10];
	[tilespmem:$0x1F0] =	vst v3  }
0x7d: {  	v50 =	vshll.u32 v39, $0x4;
	[hbm4b:s14+s2] =	stream.linear.scatter [tilespmem:s15], [sflag:$0x3], $0x80, $0x38;
	[tilespmem:$0x10200] =	vst v63  }
0x7e: {  	v51 =	vand.u32 $0x7, v39;
	v7 =	vand.u32 $0xFFFFFF80, v50;
	_ =	swait.ge [sflag:s0], $0x80  }
0x7f: {  	s3 =	simm.s32 $0x200;
	v7 =	vor.u32 v51, v7;
	[sflag:s0] =	ssyncset.done $0x0  }
0x80: {  	s13 =	simm.s32 $0x1;
	v8 =	vperm.xlane v7, v0;
	s16 =	rddreg [dreg:$0x12];
	[sflag:s0] =	ssyncadd.s32 $0xFFFFFF80  }
0x81: {  	[tilespmem:s3], [sflag:$0x1] =	stream.linear.gather [hbm4b:s16+s2], $0x8000, $0x38;
	[tilespmem:$0x10200] =	vst v63  }
0x82: {  	v8 =	vadd.s32 v1, v8;
	_ =	swait.ge [sflag:s13], $0x8000  }
0x83: {  	[sflag:s13] =	ssyncset.done $0x0  }
0x84: {  	s18 =	simm.s32 $0x8200;
	s17 =	rddreg [dreg:$0x9];
	[sflag:s13] =	ssyncadd.s32 $0xFFFF8000  }
0x85: {  	[tilespmem:s18], [sflag:$0x1] =	stream.linear.gather [hbm4b:s17+s2], $0x8000, $0x38;
	[tilespmem:$0x10200] =	vst v63  }
0x86: {  	_ = 	snop  }
0x87: {  	[hbm4b:s23+s2] =	stream.indirect_vreg.scatter [tilespmem:s3], [sflag:$0x2], $0x80, v8, vm0, $0xb8;
	[tilespmem:$0x10200] =	vst v63  }
0x88: {  	s19 =	simm.s32 $0xA00  }
0x89: {  	[hbm4b:s6+s2] =	stream.indirect_vreg.scatter [tilespmem:s19], [sflag:$0x2], $0x80, v8, vm0, $0xb8;
	[tilespmem:$0x10200] =	vst v63  }
0x8a: {  	s20 =	simm.s32 $0x1200  }
0x8b: {  	[hbm4b:s7+s2] =	stream.indirect_vreg.scatter [tilespmem:s20], [sflag:$0x2], $0x80, v8, vm0, $0xb8;
	[tilespmem:$0x10200] =	vst v63  }
0x8c: {  	s21 =	simm.s32 $0x1A00  }
0x8d: {  	[hbm4b:s8+s2] =	stream.indirect_vreg.scatter [tilespmem:s21], [sflag:$0x2], $0x80, v8, vm0, $0xb8;
	[tilespmem:$0x10200] =	vst v63  }
0x8e: {  	s22 =	simm.s32 $0x2200  }
0x8f: {  	[hbm4b:s9+s2] =	stream.indirect_vreg.scatter [tilespmem:s22], [sflag:$0x2], $0x80, v8, vm0, $0xb8;
	[tilespmem:$0x10200] =	vst v63  }
0x90: {  	s24 =	simm.s32 $0x2A00;
	v7 =	vperm.xlane v7, v2  }
0x91: {  	[hbm4b:s10+s2] =	stream.indirect_vreg.scatter [tilespmem:s24], [sflag:$0x2], $0x80, v8, vm0, $0xb8;
	[tilespmem:$0x10200] =	vst v63  }
0x92: {  	s25 =	simm.s32 $0x3200;
	v7 =	vadd.s32 v1, v7  }
0x93: {  	[hbm4b:s11+s2] =	stream.indirect_vreg.scatter [tilespmem:s25], [sflag:$0x2], $0x80, v8, vm0, $0xb8;
	[tilespmem:$0x10200] =	vst v63  }
0x94: {  	s28 =	simm.s32 $0x3A00  }
0x95: {  	[hbm4b:s12+s2] =	stream.indirect_vreg.scatter [tilespmem:s28], [sflag:$0x2], $0x80, v8, vm0, $0xb8;
	[tilespmem:$0x10200] =	vst v63  }
0x96: {  	s3 =	simm.s32 $0x4200  }
0x97: {  	[hbm4b:s23+s2] =	stream.indirect_vreg.scatter [tilespmem:s3], [sflag:$0x2], $0x80, v7, vm0, $0xb8;
	[tilespmem:$0x10200] =	vst v63  }
0x98: {  	s16 =	simm.s32 $0x4A00  }
0x99: {  	[hbm4b:s6+s2] =	stream.indirect_vreg.scatter [tilespmem:s16], [sflag:$0x2], $0x80, v7, vm0, $0xb8;
	[tilespmem:$0x10200] =	vst v63  }
0x9a: {  	s17 =	simm.s32 $0x5200  }
0x9b: {  	[hbm4b:s7+s2] =	stream.indirect_vreg.scatter [tilespmem:s17], [sflag:$0x2], $0x80, v7, vm0, $0xb8;
	[tilespmem:$0x10200] =	vst v63  }
0x9c: {  	s18 =	simm.s32 $0x5A00  }
0x9d: {  	v52 =	vshll.u32 v40, $0x4;
	[hbm4b:s8+s2] =	stream.indirect_vreg.scatter [tilespmem:s18], [sflag:$0x2], $0x80, v7, vm0, $0xb8;
	[tilespmem:$0x10200] =	vst v63  }
0x9e: {  	v53 =	vand.u32 $0x7, v40;
	s22 =	simm.s32 $0x6200;
	v8 =	vand.u32 $0xFFFFFF80, v52  }
0x9f: {  	v8 =	vor.u32 v53, v8;
	[hbm4b:s9+s2] =	stream.indirect_vreg.scatter [tilespmem:s22], [sflag:$0x2], $0x80, v7, vm0, $0xb8;
	[tilespmem:$0x10200] =	vst v63  }
0xa0: {  	v9 =	vperm.xlane v8, v0;
	s16 =	simm.s32 $0x6A00  }
0xa1: {  	[hbm4b:s10+s2] =	stream.indirect_vreg.scatter [tilespmem:s16], [sflag:$0x2], $0x80, v7, vm0, $0xb8;
	[tilespmem:$0x10200] =	vst v63  }
0xa2: {  	v9 =	vadd.s32 v1, v9;
	s17 =	simm.s32 $0x7200  }
0xa3: {  	[hbm4b:s11+s2] =	stream.indirect_vreg.scatter [tilespmem:s17], [sflag:$0x2], $0x80, v7, vm0, $0xb8;
	[tilespmem:$0x10200] =	vst v63  }
0xa4: {  	s28 =	simm.s32 $0x7A00  }
0xa5: {  	[hbm4b:s12+s2] =	stream.indirect_vreg.scatter [tilespmem:s28], [sflag:$0x2], $0x80, v7, vm0, $0xb8;
	[tilespmem:$0x10200] =	vst v63  }
0xa6: {  	s26 =	simm.s32 $0x200  }
0xa7: {  	[hbm4b:s23+s2] =	stream.indirect_vreg.scatter [tilespmem:s26], [sflag:$0x2], $0x80, v9, vm0, $0xb8;
	[tilespmem:$0x10200] =	vst v63  }
0xa8: {  	s4 =	simm.s32 $0xA00  }
0xa9: {  	[hbm4b:s6+s2] =	stream.indirect_vreg.scatter [tilespmem:s4], [sflag:$0x2], $0x80, v9, vm0, $0xb8;
	[tilespmem:$0x10200] =	vst v63  }
0xaa: {  	s1 =	simm.s32 $0x1200  }
0xab: {  	[hbm4b:s7+s2] =	stream.indirect_vreg.scatter [tilespmem:s1], [sflag:$0x2], $0x80, v9, vm0, $0xb8;
	[tilespmem:$0x10200] =	vst v63  }
0xac: {  	s14 =	simm.s32 $0x1A00  }
0xad: {  	[hbm4b:s8+s2] =	stream.indirect_vreg.scatter [tilespmem:s14], [sflag:$0x2], $0x80, v9, vm0, $0xb8;
	[tilespmem:$0x10200] =	vst v63  }
0xae: {  	s5 =	simm.s32 $0x2200  }
0xaf: {  	[hbm4b:s9+s2] =	stream.indirect_vreg.scatter [tilespmem:s5], [sflag:$0x2], $0x80, v9, vm0, $0xb8;
	[tilespmem:$0x10200] =	vst v63  }
0xb0: {  	s24 =	simm.s32 $0x2A00;
	v54 =	vperm.xlane v8, v2  }
0xb1: {  	[hbm4b:s10+s2] =	stream.indirect_vreg.scatter [tilespmem:s24], [sflag:$0x2], $0x80, v9, vm0, $0xb8;
	[tilespmem:$0x10200] =	vst v63  }
0xb2: {  	s15 =	simm.s32 $0x3200;
	v7 =	vadd.s32 v1, v54  }
0xb3: {  	[hbm4b:s11+s2] =	stream.indirect_vreg.scatter [tilespmem:s15], [sflag:$0x2], $0x80, v9, vm0, $0xb8;
	[tilespmem:$0x10200] =	vst v63  }
0xb4: {  	s25 =	simm.s32 $0x3A00  }
0xb5: {  	[hbm4b:s12+s2] =	stream.indirect_vreg.scatter [tilespmem:s25], [sflag:$0x2], $0x80, v9, vm0, $0xb8;
	[tilespmem:$0x10200] =	vst v63  }
0xb6: {  	s19 =	simm.s32 $0x4200  }
0xb7: {  	[hbm4b:s23+s2] =	stream.indirect_vreg.scatter [tilespmem:s19], [sflag:$0x2], $0x80, v7, vm0, $0xb8;
	[tilespmem:$0x10200] =	vst v63  }
0xb8: {  	s20 =	simm.s32 $0x4A00  }
0xb9: {  	[hbm4b:s6+s2] =	stream.indirect_vreg.scatter [tilespmem:s20], [sflag:$0x2], $0x80, v7, vm0, $0xb8;
	[tilespmem:$0x10200] =	vst v63  }
0xba: {  	s21 =	simm.s32 $0x5200  }
0xbb: {  	[hbm4b:s7+s2] =	stream.indirect_vreg.scatter [tilespmem:s21], [sflag:$0x2], $0x80, v7, vm0, $0xb8;
	[tilespmem:$0x10200] =	vst v63  }
0xbc: {  	s0 =	simm.s32 $0x5A00  }
0xbd: {  	[hbm4b:s8+s2] =	stream.indirect_vreg.scatter [tilespmem:s0], [sflag:$0x2], $0x80, v7, vm0, $0xb8;
	[tilespmem:$0x10200] =	vst v63  }
0xbe: {  	s3 =	simm.s32 $0x6200  }
0xbf: {  	[hbm4b:s9+s2] =	stream.indirect_vreg.scatter [tilespmem:s3], [sflag:$0x2], $0x80, v7, vm0, $0xb8;
	[tilespmem:$0x10200] =	vst v63  }
0xc0: {  	s16 =	simm.s32 $0x6A00  }
0xc1: {  	[hbm4b:s10+s2] =	stream.indirect_vreg.scatter [tilespmem:s16], [sflag:$0x2], $0x80, v7, vm0, $0xb8;
	[tilespmem:$0x10200] =	vst v63  }
0xc2: {  	s18 =	simm.s32 $0x7200  }
0xc3: {  	[hbm4b:s11+s2] =	stream.indirect_vreg.scatter [tilespmem:s18], [sflag:$0x2], $0x80, v7, vm0, $0xb8;
	[tilespmem:$0x10200] =	vst v63  }
0xc4: {  	s22 =	simm.s32 $0x7A00  }
0xc5: {  	[hbm4b:s12+s2] =	stream.indirect_vreg.scatter [tilespmem:s22], [sflag:$0x2], $0x80, v7, vm0, $0xb8;
	[tilespmem:$0x10200] =	vst v63  }
0xc6: {  	_ =	swait.ge [sflag:s13], $0x8000  }
0xc7: {  	v55 =	vshll.u32 v43, $0x4;
	[sflag:s13] =	ssyncset.done $0x0  }
0xc8: {  	v56 =	vand.u32 $0x7, v43;
	s5 =	simm.s32 $0x2;
	v7 =	vand.u32 $0xFFFFFF80, v55;
	[sflag:s13] =	ssyncadd.s32 $0xFFFF8000  }
0xc9: {  	v7 =	vor.u32 v56, v7;
	_ =	swait.ge [sflag:s5], $0x8000  }
0xca: {  	v8 =	vperm.xlane v7, v0;
	[sflag:s5] =	ssyncset.done $0x0  }
0xcb: {  	[sflag:s5] =	ssyncadd.s32 $0xFFFF8000  }
0xcc: {  	v8 =	vadd.s32 v1, v8;
	_ =	swait.ge [sflag:s5], $0x8000  }
0xcd: {  	[sflag:s5] =	ssyncset.done $0x0  }
0xce: {  	s28 =	simm.s32 $0x200;
	s22 =	rddreg [dreg:$0xa];
	[sflag:s5] =	ssyncadd.s32 $0xFFFF8000  }
0xcf: {  	[tilespmem:s28], [sflag:$0x1] =	stream.linear.gather [hbm4b:s22+s2], $0x8000, $0x38;
	[tilespmem:$0x10200] =	vst v63  }
0xd0: {  	s28 =	simm.s32 $0x8200  }
0xd1: {  	[hbm4b:s23+s2] =	stream.indirect_vreg.scatter [tilespmem:s28], [sflag:$0x2], $0x80, v8, vm0, $0xb8;
	[tilespmem:$0x10200] =	vst v63  }
0xd2: {  	s24 =	simm.s32 $0x8A00  }
0xd3: {  	[hbm4b:s6+s2] =	stream.indirect_vreg.scatter [tilespmem:s24], [sflag:$0x2], $0x80, v8, vm0, $0xb8;
	[tilespmem:$0x10200] =	vst v63  }
0xd4: {  	s25 =	simm.s32 $0x9200  }
0xd5: {  	[hbm4b:s7+s2] =	stream.indirect_vreg.scatter [tilespmem:s25], [sflag:$0x2], $0x80, v8, vm0, $0xb8;
	[tilespmem:$0x10200] =	vst v63  }
0xd6: {  	s26 =	simm.s32 $0x9A00  }
0xd7: {  	[hbm4b:s8+s2] =	stream.indirect_vreg.scatter [tilespmem:s26], [sflag:$0x2], $0x80, v8, vm0, $0xb8;
	[tilespmem:$0x10200] =	vst v63  }
0xd8: {  	s1 =	simm.s32 $0xA200  }
0xd9: {  	[hbm4b:s9+s2] =	stream.indirect_vreg.scatter [tilespmem:s1], [sflag:$0x2], $0x80, v8, vm0, $0xb8;
	[tilespmem:$0x10200] =	vst v63  }
0xda: {  	s3 =	simm.s32 $0xAA00;
	v7 =	vperm.xlane v7, v2  }
0xdb: {  	[hbm4b:s10+s2] =	stream.indirect_vreg.scatter [tilespmem:s3], [sflag:$0x2], $0x80, v8, vm0, $0xb8;
	[tilespmem:$0x10200] =	vst v63  }
0xdc: {  	s14 =	simm.s32 $0xB200;
	v7 =	vadd.s32 v1, v7  }
0xdd: {  	[hbm4b:s11+s2] =	stream.indirect_vreg.scatter [tilespmem:s14], [sflag:$0x2], $0x80, v8, vm0, $0xb8;
	[tilespmem:$0x10200] =	vst v63  }
0xde: {  	s15 =	simm.s32 $0xBA00  }
0xdf: {  	[hbm4b:s12+s2] =	stream.indirect_vreg.scatter [tilespmem:s15], [sflag:$0x2], $0x80, v8, vm0, $0xb8;
	[tilespmem:$0x10200] =	vst v63  }
0xe0: {  	s19 =	simm.s32 $0xC200  }
0xe1: {  	[hbm4b:s23+s2] =	stream.indirect_vreg.scatter [tilespmem:s19], [sflag:$0x2], $0x80, v7, vm0, $0xb8;
	[tilespmem:$0x10200] =	vst v63  }
0xe2: {  	s20 =	simm.s32 $0xCA00  }
0xe3: {  	[hbm4b:s6+s2] =	stream.indirect_vreg.scatter [tilespmem:s20], [sflag:$0x2], $0x80, v7, vm0, $0xb8;
	[tilespmem:$0x10200] =	vst v63  }
0xe4: {  	s21 =	simm.s32 $0xD200  }
0xe5: {  	[hbm4b:s7+s2] =	stream.indirect_vreg.scatter [tilespmem:s21], [sflag:$0x2], $0x80, v7, vm0, $0xb8;
	[tilespmem:$0x10200] =	vst v63  }
0xe6: {  	s22 =	simm.s32 $0xDA00  }
0xe7: {  	v57 =	vshll.u32 v44, $0x4;
	[hbm4b:s8+s2] =	stream.indirect_vreg.scatter [tilespmem:s22], [sflag:$0x2], $0x80, v7, vm0, $0xb8;
	[tilespmem:$0x10200] =	vst v63  }
0xe8: {  	v58 =	vand.u32 $0x7, v44;
	s24 =	simm.s32 $0xE200;
	v8 =	vand.u32 $0xFFFFFF80, v57  }
0xe9: {  	v8 =	vor.u32 v58, v8;
	[hbm4b:s9+s2] =	stream.indirect_vreg.scatter [tilespmem:s24], [sflag:$0x2], $0x80, v7, vm0, $0xb8;
	[tilespmem:$0x10200] =	vst v63  }
0xea: {  	s26 =	simm.s32 $0xEA00;
	v9 =	vperm.xlane v8, v0  }
0xeb: {  	[hbm4b:s10+s2] =	stream.indirect_vreg.scatter [tilespmem:s26], [sflag:$0x2], $0x80, v7, vm0, $0xb8;
	[tilespmem:$0x10200] =	vst v63  }
0xec: {  	s15 =	simm.s32 $0xF200;
	v9 =	vadd.s32 v1, v9  }
0xed: {  	[hbm4b:s11+s2] =	stream.indirect_vreg.scatter [tilespmem:s15], [sflag:$0x2], $0x80, v7, vm0, $0xb8;
	[tilespmem:$0x10200] =	vst v63  }
0xee: {  	s24 =	simm.s32 $0xFA00  }
0xef: {  	[hbm4b:s12+s2] =	stream.indirect_vreg.scatter [tilespmem:s24], [sflag:$0x2], $0x80, v7, vm0, $0xb8;
	[tilespmem:$0x10200] =	vst v63  }
0xf0: {  	_ = 	snop  }
0xf1: {  	[hbm4b:s23+s2] =	stream.indirect_vreg.scatter [tilespmem:s28], [sflag:$0x2], $0x80, v9, vm0, $0xb8;
	[tilespmem:$0x10200] =	vst v63  }
0xf2: {  	s16 =	simm.s32 $0x8A00  }
0xf3: {  	[hbm4b:s6+s2] =	stream.indirect_vreg.scatter [tilespmem:s16], [sflag:$0x2], $0x80, v9, vm0, $0xb8;
	[tilespmem:$0x10200] =	vst v63  }
0xf4: {  	s17 =	simm.s32 $0x9200  }
0xf5: {  	[hbm4b:s7+s2] =	stream.indirect_vreg.scatter [tilespmem:s17], [sflag:$0x2], $0x80, v9, vm0, $0xb8;
	[tilespmem:$0x10200] =	vst v63  }
0xf6: {  	s4 =	simm.s32 $0x9A00  }
0xf7: {  	[hbm4b:s8+s2] =	stream.indirect_vreg.scatter [tilespmem:s4], [sflag:$0x2], $0x80, v9, vm0, $0xb8;
	[tilespmem:$0x10200] =	vst v63  }
0xf8: {  	s0 =	simm.s32 $0xA200  }
0xf9: {  	[hbm4b:s9+s2] =	stream.indirect_vreg.scatter [tilespmem:s0], [sflag:$0x2], $0x80, v9, vm0, $0xb8;
	[tilespmem:$0x10200] =	vst v63  }
0xfa: {  	s3 =	simm.s32 $0xAA00;
	v59 =	vperm.xlane v8, v2  }
0xfb: {  	[hbm4b:s10+s2] =	stream.indirect_vreg.scatter [tilespmem:s3], [sflag:$0x2], $0x80, v9, vm0, $0xb8;
	[tilespmem:$0x10200] =	vst v63  }
0xfc: {  	s18 =	simm.s32 $0xB200;
	v7 =	vadd.s32 v1, v59  }
0xfd: {  	[hbm4b:s11+s2] =	stream.indirect_vreg.scatter [tilespmem:s18], [sflag:$0x2], $0x80, v9, vm0, $0xb8;
	[tilespmem:$0x10200] =	vst v63  }
0xfe: {  	s25 =	simm.s32 $0xBA00  }
0xff: {  	[hbm4b:s12+s2] =	stream.indirect_vreg.scatter [tilespmem:s25], [sflag:$0x2], $0x80, v9, vm0, $0xb8;
	[tilespmem:$0x10200] =	vst v63  }
0x100: {  	s19 =	simm.s32 $0xC200  }
0x101: {  	[hbm4b:s23+s2] =	stream.indirect_vreg.scatter [tilespmem:s19], [sflag:$0x2], $0x80, v7, vm0, $0xb8;
	[tilespmem:$0x10200] =	vst v63  }
0x102: {  	s20 =	simm.s32 $0xCA00  }
0x103: {  	[hbm4b:s6+s2] =	stream.indirect_vreg.scatter [tilespmem:s20], [sflag:$0x2], $0x80, v7, vm0, $0xb8;
	[tilespmem:$0x10200] =	vst v63  }
0x104: {  	s14 =	simm.s32 $0xD200  }
0x105: {  	[hbm4b:s7+s2] =	stream.indirect_vreg.scatter [tilespmem:s14], [sflag:$0x2], $0x80, v7, vm0, $0xb8;
	[tilespmem:$0x10200] =	vst v63  }
0x106: {  	s1 =	simm.s32 $0xDA00  }
0x107: {  	[hbm4b:s8+s2] =	stream.indirect_vreg.scatter [tilespmem:s1], [sflag:$0x2], $0x80, v7, vm0, $0xb8;
	[tilespmem:$0x10200] =	vst v63  }
0x108: {  	s21 =	simm.s32 $0xE200  }
0x109: {  	[hbm4b:s9+s2] =	stream.indirect_vreg.scatter [tilespmem:s21], [sflag:$0x2], $0x80, v7, vm0, $0xb8;
	[tilespmem:$0x10200] =	vst v63  }
0x10a: {  	s22 =	simm.s32 $0xEA00  }
0x10b: {  	[hbm4b:s10+s2] =	stream.indirect_vreg.scatter [tilespmem:s22], [sflag:$0x2], $0x80, v7, vm0, $0xb8;
	[tilespmem:$0x10200] =	vst v63  }
0x10c: {  	_ = 	snop  }
0x10d: {  	[hbm4b:s11+s2] =	stream.indirect_vreg.scatter [tilespmem:s15], [sflag:$0x2], $0x80, v7, vm0, $0xb8;
	[tilespmem:$0x10200] =	vst v63  }
0x10e: {  	_ = 	snop  }
0x10f: {  	[hbm4b:s12+s2] =	stream.indirect_vreg.scatter [tilespmem:s24], [sflag:$0x2], $0x80, v7, vm0, $0xb8;
	[tilespmem:$0x10200] =	vst v63  }
0x110: {  	_ =	swait.ge [sflag:s13], $0x8000  }
0x111: {  	v60 =	vshll.u32 v48, $0x4;
	[sflag:s13] =	ssyncset.done $0x0  }
0x112: {  	v6 =	vand.u32 $0x7, v48;
	v7 =	vand.u32 $0xFFFFFF80, v60;
	[sflag:s13] =	ssyncadd.s32 $0xFFFF8000  }
0x113: {  	v6 =	vor.u32 v6, v7;
	_ =	swait.ge [sflag:s5], $0x8000  }
0x114: {  	v7 =	vperm.xlane v6, v0;
	[sflag:s5] =	ssyncset.done $0x0  }
0x115: {  	[sflag:s5] =	ssyncadd.s32 $0xFFFF8000  }
0x116: {  	v7 =	vadd.s32 v1, v7;
	_ =	swait.ge [sflag:s5], $0x8000  }
0x117: {  	[sflag:s5] =	ssyncset.done $0x0  }
0x118: {  	s28 =	simm.s32 $0x8200;
	s20 =	rddreg [dreg:$0xb];
	[sflag:s5] =	ssyncadd.s32 $0xFFFF8000  }
0x119: {  	[tilespmem:s28], [sflag:$0x1] =	stream.linear.gather [hbm4b:s20+s2], $0x8000, $0x38;
	[tilespmem:$0x10200] =	vst v63  }
0x11a: {  	s22 =	simm.s32 $0x200  }
0x11b: {  	[hbm4b:s23+s2] =	stream.indirect_vreg.scatter [tilespmem:s22], [sflag:$0x2], $0x80, v7, vm0, $0xb8;
	[tilespmem:$0x10200] =	vst v63  }
0x11c: {  	s4 =	simm.s32 $0xA00  }
0x11d: {  	[hbm4b:s6+s2] =	stream.indirect_vreg.scatter [tilespmem:s4], [sflag:$0x2], $0x80, v7, vm0, $0xb8;
	[tilespmem:$0x10200] =	vst v63  }
0x11e: {  	s1 =	simm.s32 $0x1200  }
0x11f: {  	[hbm4b:s7+s2] =	stream.indirect_vreg.scatter [tilespmem:s1], [sflag:$0x2], $0x80, v7, vm0, $0xb8;
	[tilespmem:$0x10200] =	vst v63  }
0x120: {  	s17 =	simm.s32 $0x1A00  }
0x121: {  	[hbm4b:s8+s2] =	stream.indirect_vreg.scatter [tilespmem:s17], [sflag:$0x2], $0x80, v7, vm0, $0xb8;
	[tilespmem:$0x10200] =	vst v63  }
0x122: {  	_ = 	snop  }
0x123: {  	[hbm4b:s9+s2] =	stream.indirect_vreg.scatter [tilespmem:s29], [sflag:$0x2], $0x80, v7, vm0, $0xb8;
	[tilespmem:$0x10200] =	vst v63  }
0x124: {  	v6 =	vperm.xlane v6, v2  }
0x125: {  	[hbm4b:s10+s2] =	stream.indirect_vreg.scatter [tilespmem:s31], [sflag:$0x2], $0x80, v7, vm0, $0xb8;
	[tilespmem:$0x10200] =	vst v63  }
0x126: {  	s18 =	simm.s32 $0x3200;
	v6 =	vadd.s32 v1, v6  }
0x127: {  	[hbm4b:s11+s2] =	stream.indirect_vreg.scatter [tilespmem:s18], [sflag:$0x2], $0x80, v7, vm0, $0xb8;
	[tilespmem:$0x10200] =	vst v63  }
0x128: {  	s0 =	simm.s32 $0x3A00  }
0x129: {  	[hbm4b:s12+s2] =	stream.indirect_vreg.scatter [tilespmem:s0], [sflag:$0x2], $0x80, v7, vm0, $0xb8;
	[tilespmem:$0x10200] =	vst v63  }
0x12a: {  	s3 =	simm.s32 $0x4200  }
0x12b: {  	[hbm4b:s23+s2] =	stream.indirect_vreg.scatter [tilespmem:s3], [sflag:$0x2], $0x80, v6, vm0, $0xb8;
	[tilespmem:$0x10200] =	vst v63  }
0x12c: {  	s28 =	simm.s32 $0x4A00  }
0x12d: {  	[hbm4b:s6+s2] =	stream.indirect_vreg.scatter [tilespmem:s28], [sflag:$0x2], $0x80, v6, vm0, $0xb8;
	[tilespmem:$0x10200] =	vst v63  }
0x12e: {  	_ = 	snop  }
0x12f: {  	[hbm4b:s7+s2] =	stream.indirect_vreg.scatter [tilespmem:s30], [sflag:$0x2], $0x80, v6, vm0, $0xb8;
	[tilespmem:$0x10200] =	vst v63  }
0x130: {  	s26 =	simm.s32 $0x5A00  }
0x131: {  	v61 =	vshll.u32 v5, $0x4;
	[hbm4b:s8+s2] =	stream.indirect_vreg.scatter [tilespmem:s26], [sflag:$0x2], $0x80, v6, vm0, $0xb8;
	[tilespmem:$0x10200] =	vst v63  }
0x132: {  	v5 =	vand.u32 $0x7, v5;
	s25 =	simm.s32 $0x6200;
	v7 =	vand.u32 $0xFFFFFF80, v61  }
0x133: {  	v5 =	vor.u32 v5, v7;
	[hbm4b:s9+s2] =	stream.indirect_vreg.scatter [tilespmem:s25], [sflag:$0x2], $0x80, v6, vm0, $0xb8;
	[tilespmem:$0x10200] =	vst v63  }
0x134: {  	s19 =	simm.s32 $0x6A00;
	v7 =	vperm.xlane v5, v0  }
0x135: {  	[hbm4b:s10+s2] =	stream.indirect_vreg.scatter [tilespmem:s19], [sflag:$0x2], $0x80, v6, vm0, $0xb8;
	[tilespmem:$0x10200] =	vst v63  }
0x136: {  	s21 =	simm.s32 $0x7200;
	v7 =	vadd.s32 v1, v7  }
0x137: {  	[hbm4b:s11+s2] =	stream.indirect_vreg.scatter [tilespmem:s21], [sflag:$0x2], $0x80, v6, vm0, $0xb8;
	[tilespmem:$0x10200] =	vst v63  }
0x138: {  	s20 =	simm.s32 $0x7A00  }
0x139: {  	[hbm4b:s12+s2] =	stream.indirect_vreg.scatter [tilespmem:s20], [sflag:$0x2], $0x80, v6, vm0, $0xb8;
	[tilespmem:$0x10200] =	vst v63  }
0x13a: {  	_ = 	snop  }
0x13b: {  	[hbm4b:s23+s2] =	stream.indirect_vreg.scatter [tilespmem:s22], [sflag:$0x2], $0x80, v7, vm0, $0xb8;
	[tilespmem:$0x10200] =	vst v63  }
0x13c: {  	_ = 	snop  }
0x13d: {  	[hbm4b:s6+s2] =	stream.indirect_vreg.scatter [tilespmem:s4], [sflag:$0x2], $0x80, v7, vm0, $0xb8;
	[tilespmem:$0x10200] =	vst v63  }
0x13e: {  	_ = 	snop  }
0x13f: {  	[hbm4b:s7+s2] =	stream.indirect_vreg.scatter [tilespmem:s1], [sflag:$0x2], $0x80, v7, vm0, $0xb8;
	[tilespmem:$0x10200] =	vst v63  }
0x140: {  	_ = 	snop  }
0x141: {  	[hbm4b:s8+s2] =	stream.indirect_vreg.scatter [tilespmem:s17], [sflag:$0x2], $0x80, v7, vm0, $0xb8;
	[tilespmem:$0x10200] =	vst v63  }
0x142: {  	_ = 	snop  }
0x143: {  	[hbm4b:s9+s2] =	stream.indirect_vreg.scatter [tilespmem:s29], [sflag:$0x2], $0x80, v7, vm0, $0xb8;
	[tilespmem:$0x10200] =	vst v63  }
0x144: {  	v5 =	vperm.xlane v5, v2  }
0x145: {  	[hbm4b:s10+s2] =	stream.indirect_vreg.scatter [tilespmem:s31], [sflag:$0x2], $0x80, v7, vm0, $0xb8;
	[tilespmem:$0x10200] =	vst v63  }
0x146: {  	v5 =	vadd.s32 v1, v5  }
0x147: {  	[hbm4b:s11+s2] =	stream.indirect_vreg.scatter [tilespmem:s18], [sflag:$0x2], $0x80, v7, vm0, $0xb8;
	[tilespmem:$0x10200] =	vst v63  }
0x148: {  	_ = 	snop  }
0x149: {  	[hbm4b:s12+s2] =	stream.indirect_vreg.scatter [tilespmem:s0], [sflag:$0x2], $0x80, v7, vm0, $0xb8;
	[tilespmem:$0x10200] =	vst v63  }
0x14a: {  	_ = 	snop  }
0x14b: {  	[hbm4b:s23+s2] =	stream.indirect_vreg.scatter [tilespmem:s3], [sflag:$0x2], $0x80, v5, vm0, $0xb8;
	[tilespmem:$0x10200] =	vst v63  }
0x14c: {  	_ = 	snop  }
0x14d: {  	[hbm4b:s6+s2] =	stream.indirect_vreg.scatter [tilespmem:s28], [sflag:$0x2], $0x80, v5, vm0, $0xb8;
	[tilespmem:$0x10200] =	vst v63  }
0x14e: {  	_ = 	snop  }
0x14f: {  	[hbm4b:s7+s2] =	stream.indirect_vreg.scatter [tilespmem:s30], [sflag:$0x2], $0x80, v5, vm0, $0xb8;
	[tilespmem:$0x10200] =	vst v63  }
0x150: {  	_ = 	snop  }
0x151: {  	[hbm4b:s8+s2] =	stream.indirect_vreg.scatter [tilespmem:s26], [sflag:$0x2], $0x80, v5, vm0, $0xb8;
	[tilespmem:$0x10200] =	vst v63  }
0x152: {  	_ = 	snop  }
0x153: {  	[hbm4b:s9+s2] =	stream.indirect_vreg.scatter [tilespmem:s25], [sflag:$0x2], $0x80, v5, vm0, $0xb8;
	[tilespmem:$0x10200] =	vst v63  }
0x154: {  	_ = 	snop  }
0x155: {  	[hbm4b:s10+s2] =	stream.indirect_vreg.scatter [tilespmem:s19], [sflag:$0x2], $0x80, v5, vm0, $0xb8;
	[tilespmem:$0x10200] =	vst v63  }
0x156: {  	_ = 	snop  }
0x157: {  	[hbm4b:s11+s2] =	stream.indirect_vreg.scatter [tilespmem:s21], [sflag:$0x2], $0x80, v5, vm0, $0xb8;
	[tilespmem:$0x10200] =	vst v63  }
0x158: {  	_ = 	snop  }
0x159: {  	v62 =	vshll.u32 v4, $0x4;
	[hbm4b:s12+s2] =	stream.indirect_vreg.scatter [tilespmem:s20], [sflag:$0x2], $0x80, v5, vm0, $0xb8;
	[tilespmem:$0x10200] =	vst v63  }
0x15a: {  	v4 =	vand.u32 $0x7, v4;
	s4 =	rddreg [dreg:$0x13];
	v5 =	vand.u32 $0xFFFFFF80, v62;
	_ =	swait.ge [sflag:s13], $0x8000  }
0x15b: {  	v4 =	vor.u32 v4, v5;
	[sflag:s13] =	ssyncset.done $0x0  }
0x15c: {  	v5 =	vperm.xlane v4, v0;
	[sflag:s13] =	ssyncadd.s32 $0xFFFF8000  }
0x15d: {  	_ =	swait.ge [sflag:s5], $0x8000  }
0x15e: {  	v5 =	vadd.s32 v1, v5;
	[sflag:s5] =	ssyncset.done $0x0  }
0x15f: {  	[sflag:s5] =	ssyncadd.s32 $0xFFFF8000  }
0x160: {  	_ =	swait.ge [sflag:s5], $0x8000  }
0x161: {  	[sflag:s5] =	ssyncset.done $0x0  }
0x162: {  	s14 =	simm.s32 $0x8200;
	[sflag:s5] =	ssyncadd.s32 $0xFFFF8000  }
0x163: {  	[hbm4b:s23+s2] =	stream.indirect_vreg.scatter [tilespmem:s14], [sflag:$0x2], $0x80, v5, vm0, $0xb8;
	[tilespmem:$0x10200] =	vst v63  }
0x164: {  	s21 =	simm.s32 $0x8A00  }
0x165: {  	[hbm4b:s6+s2] =	stream.indirect_vreg.scatter [tilespmem:s21], [sflag:$0x2], $0x80, v5, vm0, $0xb8;
	[tilespmem:$0x10200] =	vst v63  }
0x166: {  	s13 =	simm.s32 $0x9200  }
0x167: {  	[hbm4b:s7+s2] =	stream.indirect_vreg.scatter [tilespmem:s13], [sflag:$0x2], $0x80, v5, vm0, $0xb8;
	[tilespmem:$0x10200] =	vst v63  }
0x168: {  	s19 =	simm.s32 $0x9A00  }
0x169: {  	[hbm4b:s8+s2] =	stream.indirect_vreg.scatter [tilespmem:s19], [sflag:$0x2], $0x80, v5, vm0, $0xb8;
	[tilespmem:$0x10200] =	vst v63  }
0x16a: {  	s25 =	simm.s32 $0xA200  }
0x16b: {  	[hbm4b:s9+s2] =	stream.indirect_vreg.scatter [tilespmem:s25], [sflag:$0x2], $0x80, v5, vm0, $0xb8;
	[tilespmem:$0x10200] =	vst v63  }
0x16c: {  	s16 =	simm.s32 $0xAA00;
	v4 =	vperm.xlane v4, v2  }
0x16d: {  	[hbm4b:s10+s2] =	stream.indirect_vreg.scatter [tilespmem:s16], [sflag:$0x2], $0x80, v5, vm0, $0xb8;
	[tilespmem:$0x10200] =	vst v63  }
0x16e: {  	s0 =	simm.s32 $0xB200;
	v4 =	vadd.s32 v1, v4  }
0x16f: {  	[hbm4b:s11+s2] =	stream.indirect_vreg.scatter [tilespmem:s0], [sflag:$0x2], $0x80, v5, vm0, $0xb8;
	[tilespmem:$0x10200] =	vst v63  }
0x170: {  	s3 =	simm.s32 $0xBA00  }
0x171: {  	[hbm4b:s12+s2] =	stream.indirect_vreg.scatter [tilespmem:s3], [sflag:$0x2], $0x80, v5, vm0, $0xb8;
	[tilespmem:$0x10200] =	vst v63  }
0x172: {  	s17 =	simm.s32 $0xC200  }
0x173: {  	[hbm4b:s23+s2] =	stream.indirect_vreg.scatter [tilespmem:s17], [sflag:$0x2], $0x80, v4, vm0, $0xb8;
	[tilespmem:$0x10200] =	vst v63  }
0x174: {  	s20 =	simm.s32 $0xCA00  }
0x175: {  	[hbm4b:s6+s2] =	stream.indirect_vreg.scatter [tilespmem:s20], [sflag:$0x2], $0x80, v4, vm0, $0xb8;
	[tilespmem:$0x10200] =	vst v63  }
0x176: {  	s26 =	simm.s32 $0xD200  }
0x177: {  	[hbm4b:s7+s2] =	stream.indirect_vreg.scatter [tilespmem:s26], [sflag:$0x2], $0x80, v4, vm0, $0xb8;
	[tilespmem:$0x10200] =	vst v63  }
0x178: {  	s18 =	simm.s32 $0xDA00  }
0x179: {  	v63 =	vshll.u32 v3, $0x4;
	[hbm4b:s8+s2] =	stream.indirect_vreg.scatter [tilespmem:s18], [sflag:$0x2], $0x80, v4, vm0, $0xb8;
	[tilespmem:$0x10200] =	vst v63  }
0x17a: {  	v3 =	vand.u32 $0x7, v3;
	s22 =	simm.s32 $0xE200;
	v5 =	vand.u32 $0xFFFFFF80, v63  }
0x17b: {  	v3 =	vor.u32 v3, v5;
	[hbm4b:s9+s2] =	stream.indirect_vreg.scatter [tilespmem:s22], [sflag:$0x2], $0x80, v4, vm0, $0xb8;
	[tilespmem:$0x10200] =	vst v63  }
0x17c: {  	s28 =	simm.s32 $0xEA00;
	v5 =	vperm.xlane v3, v0  }
0x17d: {  	[hbm4b:s10+s2] =	stream.indirect_vreg.scatter [tilespmem:s28], [sflag:$0x2], $0x80, v4, vm0, $0xb8;
	[tilespmem:$0x10200] =	vst v63  }
0x17e: {  	v5 =	vadd.s32 v1, v5  }
0x17f: {  	[hbm4b:s11+s2] =	stream.indirect_vreg.scatter [tilespmem:s15], [sflag:$0x2], $0x80, v4, vm0, $0xb8;
	[tilespmem:$0x10200] =	vst v63  }
0x180: {  	_ = 	snop  }
0x181: {  	[hbm4b:s12+s2] =	stream.indirect_vreg.scatter [tilespmem:s24], [sflag:$0x2], $0x80, v4, vm0, $0xb8;
	[tilespmem:$0x10200] =	vst v63  }
0x182: {  	_ = 	snop  }
0x183: {  	[hbm4b:s23+s2] =	stream.indirect_vreg.scatter [tilespmem:s14], [sflag:$0x2], $0x80, v5, vm0, $0xb8;
	[tilespmem:$0x10200] =	vst v63  }
0x184: {  	_ = 	snop  }
0x185: {  	[hbm4b:s6+s2] =	stream.indirect_vreg.scatter [tilespmem:s21], [sflag:$0x2], $0x80, v5, vm0, $0xb8;
	[tilespmem:$0x10200] =	vst v63  }
0x186: {  	_ = 	snop  }
0x187: {  	[hbm4b:s7+s2] =	stream.indirect_vreg.scatter [tilespmem:s13], [sflag:$0x2], $0x80, v5, vm0, $0xb8;
	[tilespmem:$0x10200] =	vst v63  }
0x188: {  	_ = 	snop  }
0x189: {  	[hbm4b:s8+s2] =	stream.indirect_vreg.scatter [tilespmem:s19], [sflag:$0x2], $0x80, v5, vm0, $0xb8;
	[tilespmem:$0x10200] =	vst v63  }
0x18a: {  	_ = 	snop  }
0x18b: {  	[hbm4b:s9+s2] =	stream.indirect_vreg.scatter [tilespmem:s25], [sflag:$0x2], $0x80, v5, vm0, $0xb8;
	[tilespmem:$0x10200] =	vst v63  }
0x18c: {  	v3 =	vperm.xlane v3, v2  }
0x18d: {  	[hbm4b:s10+s2] =	stream.indirect_vreg.scatter [tilespmem:s16], [sflag:$0x2], $0x80, v5, vm0, $0xb8;
	[tilespmem:$0x10200] =	vst v63  }
0x18e: {  	v3 =	vadd.s32 v1, v3  }
0x18f: {  	[hbm4b:s11+s2] =	stream.indirect_vreg.scatter [tilespmem:s0], [sflag:$0x2], $0x80, v5, vm0, $0xb8;
	[tilespmem:$0x10200] =	vst v63  }
0x190: {  	_ = 	snop  }
0x191: {  	[hbm4b:s12+s2] =	stream.indirect_vreg.scatter [tilespmem:s3], [sflag:$0x2], $0x80, v5, vm0, $0xb8;
	[tilespmem:$0x10200] =	vst v63  }
0x192: {  	_ = 	snop  }
0x193: {  	[hbm4b:s23+s2] =	stream.indirect_vreg.scatter [tilespmem:s17], [sflag:$0x2], $0x80, v3, vm0, $0xb8;
	[tilespmem:$0x10200] =	vst v63  }
0x194: {  	_ = 	snop  }
0x195: {  	[hbm4b:s6+s2] =	stream.indirect_vreg.scatter [tilespmem:s20], [sflag:$0x2], $0x80, v3, vm0, $0xb8;
	[tilespmem:$0x10200] =	vst v63  }
0x196: {  	_ = 	snop  }
0x197: {  	[hbm4b:s7+s2] =	stream.indirect_vreg.scatter [tilespmem:s26], [sflag:$0x2], $0x80, v3, vm0, $0xb8;
	[tilespmem:$0x10200] =	vst v63  }
0x198: {  	_ = 	snop  }
0x199: {  	[hbm4b:s8+s2] =	stream.indirect_vreg.scatter [tilespmem:s18], [sflag:$0x2], $0x80, v3, vm0, $0xb8;
	[tilespmem:$0x10200] =	vst v63  }
0x19a: {  	_ = 	snop  }
0x19b: {  	[hbm4b:s9+s2] =	stream.indirect_vreg.scatter [tilespmem:s22], [sflag:$0x2], $0x80, v3, vm0, $0xb8;
	[tilespmem:$0x10200] =	vst v63  }
0x19c: {  	_ = 	snop  }
0x19d: {  	[hbm4b:s10+s2] =	stream.indirect_vreg.scatter [tilespmem:s28], [sflag:$0x2], $0x80, v3, vm0, $0xb8;
	[tilespmem:$0x10200] =	vst v63  }
0x19e: {  	_ = 	snop  }
0x19f: {  	[hbm4b:s11+s2] =	stream.indirect_vreg.scatter [tilespmem:s15], [sflag:$0x2], $0x80, v3, vm0, $0xb8;
	[tilespmem:$0x10200] =	vst v63  }
0x1a0: {  	_ = 	snop  }
0x1a1: {  	[hbm4b:s12+s2] =	stream.indirect_vreg.scatter [tilespmem:s24], [sflag:$0x2], $0x80, v3, vm0, $0xb8;
	[tilespmem:$0x10200] =	vst v63  }
0x1a2: {  	p0 =	sne.s32 s4, $0x1;
	_ =	swait.ge [sflag:s5], $0x8000  }
.Ltmp0:
0x1a3: {  	[sflag:s5] =	ssyncset.done $0x0;
	(pc) =	sbr.rel @p0 .LBB2_1-.Ltmp0, $4  }
0x1a4: {  	[sflag:s5] =	ssyncadd.s32 $0xFFFF8000  }
0x1a5: {  	_ =	swait.ge [sflag:s5], $0x8000  }
0x1a6: {  	[sflag:s5] =	ssyncset.done $0x0  }
0x1a7: {  	s4 =	sadd.s32 $0xFFFFFFFF, s4;
	[sflag:s5] =	ssyncadd.s32 $0xFFFF8000  }
0x1a8: {  	_ =	sfence.sel $0x180000  }
0x1a9: {  	[bflag:$0x0] =	sbarrier.arrive $0xFFFF  }
0x1aa: {  	_ =	strace $0x90000047  }
0x1ab: {  	s0 =	stileid.u32;
	[bflag:$0x2] =	sbarrier.arrive $0xFFFF  }
0x1ac: {  	p0 =	sne.s32 s0, $0x0;
	s0 =	rddreg [dreg:$0x3]  }
0x1ad: {  	s0 =	sadd.s32 @!p0 $0x100000, s0  }
0x1ae: {  	[sflag:s0] =	ssyncadd.tile.s32 @!p0 $0x1;
	_ =	shalt  }
.Lfunc_end2:
_tile_overlayer_lowered:
.L_overlay_start_2:
0x1af: {  	(tag) =	ssettag $0x2  }
0x1b0: {  	s0 =	rddreg [dreg:$0x0];
	s2 =	stileid.u32  }
0x1b1: {  	s1 =	rddreg [dreg:$0x1];
	p0 =	sne.s32 s2, $0x0  }
0x1b2: {  	s3 =	rddreg [dreg:$0x2];
	[bflag:$0x3] =	sbarrier.arrive $0xFFFF;
	s2 =	simm.s32 @!p0 $0x1C03  }
0x1b3: {  	[timem:s3], [sflag:s2] =	dma.local @!p0 [hbm:s0], s1  }
0x1b4: {  	s0 =	simm.s32 @!p0 $0x3  }
0x1b5: {  	_ =	swait.ge @!p0 [sflag:s0], s1  }
0x1b6: {  	s1 =	ssub.s32 @!p0 $0x0, s1;
	[sflag:s0] =	ssyncset.done @!p0 $0x0  }
0x1b7: {  	[sflag:s0] =	ssyncadd.s32 @!p0 s1  }
0x1b8: {  	[bflag:$0x3] =	sbarrier.arrive $0xFFFF  }
0x1b9: {  	_ =	shalt  }

</sc_bundles>
